<compile_context>
chip_gen: v7x
topology: tpu7x:2x2x1
jax: 0.10.2.dev20260603
libtpu: 0.0.44.dev20260713+nightly
codegen_flags: <defaults>
</compile_context>

<pallas_src>
import functools
import math

import jax
import jax.numpy as jnp
from jax import lax
from jax.experimental import pallas as pl
from jax.experimental.pallas import tpu as pltpu
from jax.experimental.pallas import tpu_sc as plsc

_EPS = 1e-5
_RADIUS = 0.2
_K = 16
_BIG16 = 32000


def _ballquery_body(prT_ref, pcT_ref, out_ref):
    b = pl.program_id(0)
    prT = prT_ref[0]
    pcT = pcT_ref[0]
    n = pcT.shape[0]
    rb = prT.shape[1]

    rowsq = (prT[0:1, :] * prT[0:1, :]
             + prT[1:2, :] * prT[1:2, :]
             + prT[2:3, :] * prT[2:3, :])
    colsq = (pcT[:, 0:1] * pcT[:, 0:1]
             + pcT[:, 1:2] * pcT[:, 1:2]
             + pcT[:, 2:3] * pcT[:, 2:3])
    cross = jnp.dot(pcT.astype(jnp.bfloat16), prT.astype(jnp.bfloat16),
                    preferred_element_type=jnp.float32)
    sqr = colsq + rowsq - 2.0 * cross

    col = lax.broadcasted_iota(jnp.int32, (n, rb), 0)
    cur = jnp.where(sqr > jnp.float32(_RADIUS * _RADIUS), jnp.int32(n), col)

    first = None
    for s in range(_K):
        m = jnp.min(cur, axis=0)
        val = jnp.minimum(m, jnp.int32(n))
        if first is None:
            first = val
            res = val
        else:
            res = jnp.where(val == jnp.int32(n), first, val)
        out_ref[0, s, :] = res + b * n
        if s != _K - 1:
            cur = jnp.where(cur <= m[None, :], jnp.int32(_BIG16), cur)


def _ball_query(input_p, pT, rb):
    B, _, N = input_p.shape
    grid = (B, N // rb)
    return pl.pallas_call(
        _ballquery_body,
        grid=grid,
        in_specs=[
            pl.BlockSpec((1, 3, rb), lambda b, i: (b, 0, i)),
            pl.BlockSpec((1, N, 3), lambda b, i: (b, 0, 0)),
        ],
        out_specs=pl.BlockSpec((1, _K, rb), lambda b, i: (b, 0, i)),
        out_shape=jax.ShapeDtypeStruct((B, _K, N), jnp.int32),
    )(input_p, pT)


def _sc_gather(xtab, ptab, idx_flat):
    G = idx_flat.shape[0]
    Dx = xtab.shape[1]
    Dp = ptab.shape[1]
    info = plsc.get_sparse_core_info()
    NC, NS = info.num_cores, info.num_subcores
    NW = NC * NS
    CH = 512
    NBUF = 2
    nch = G // (NW * CH)
    mesh = plsc.VectorSubcoreMesh(core_axis_name="c", subcore_axis_name="s")

    @functools.partial(
        pl.kernel,
        out_type=(
            jax.ShapeDtypeStruct((G, Dx), jnp.float32),
            jax.ShapeDtypeStruct((G, Dp), jnp.float32),
        ),
        mesh=mesh,
        compiler_params=pltpu.CompilerParams(use_tc_tiling_on_sc=False),
        scratch_types=[
            [pltpu.VMEM((CH,), jnp.int32) for _ in range(NBUF)],
            [pltpu.VMEM((CH, Dx), jnp.float32) for _ in range(NBUF)],
            [pltpu.VMEM((CH, Dp), jnp.float32) for _ in range(NBUF)],
            [pltpu.SemaphoreType.DMA for _ in range(NBUF)],
            [pltpu.SemaphoreType.DMA for _ in range(NBUF)],
            [pltpu.SemaphoreType.DMA for _ in range(NBUF)],
            [pltpu.SemaphoreType.DMA for _ in range(NBUF)],
        ],
    )
    def gather_k(xtab_hbm, ptab_hbm, idx_hbm, outx_hbm, outp_hbm,
                 idx_v, rx_v, rp_v, semi, semx, semp, semo):
        wid = lax.axis_index("s") * NC + lax.axis_index("c")

        def start(c, slot):
            base = (wid * nch + c) * CH
            pltpu.async_copy(idx_hbm.at[pl.ds(base, CH)], idx_v[slot],
                             semi[slot]).wait()
            pltpu.async_copy(xtab_hbm.at[idx_v[slot]], rx_v[slot], semx[slot])
            pltpu.async_copy(ptab_hbm.at[idx_v[slot]], rp_v[slot], semp[slot])

        def drain(c, slot):
            base = (wid * nch + c) * CH
            pltpu.make_async_copy(xtab_hbm.at[idx_v[slot]], rx_v[slot],
                                  semx[slot]).wait()
            pltpu.make_async_copy(ptab_hbm.at[idx_v[slot]], rp_v[slot],
                                  semp[slot]).wait()
            pltpu.async_copy(rx_v[slot], outx_hbm.at[pl.ds(base, CH)],
                             semo[slot])
            pltpu.async_copy(rp_v[slot], outp_hbm.at[pl.ds(base, CH)],
                             semo[slot])

        def wait_out(c, slot):
            base = (wid * nch + c) * CH
            pltpu.make_async_copy(rx_v[slot], outx_hbm.at[pl.ds(base, CH)],
                                  semo[slot]).wait()
            pltpu.make_async_copy(rp_v[slot], outp_hbm.at[pl.ds(base, CH)],
                                  semo[slot]).wait()

        for s in range(NBUF):
            start(s, s)
        for c in range(nch):
            slot = c % NBUF
            drain(c, slot)
            if c + NBUF < nch:
                wait_out(c, slot)
                start(c + NBUF, slot)
            else:
                wait_out(c, slot)

    return gather_k(xtab, ptab, idx_flat)


def _mlp_body(pr_ref, xres_ref, gx_ref, gp_ref, vt_ref, c1_ref, w2_ref, c2_ref,
              a1_ref, ca1_ref, a2_ref, ca2_ref, ld_ref, cl_ref, out_ref):
    pr = pr_ref[0]
    gx = gx_ref[0]
    gp = gp_ref[0]
    kk, rb, c = gx.shape

    acc = None
    for d in range(3):
        rel_d = pr[None, :, d:d + 1] - gp[:, :, d:d + 1]
        term = rel_d * vt_ref[d:d + 1, :][None]
        acc = term if acc is None else acc + term
    bf = jnp.bfloat16
    pe1 = jnp.maximum(acc + c1_ref[0][None, None, :], 0.0)
    pe1 = pe1.reshape(kk * rb, c)
    pe = jnp.dot(pe1.astype(bf), w2_ref[...].astype(bf),
                 preferred_element_type=jnp.float32)
    pe = pe + c2_ref[0][None, :]
    h = gx.reshape(kk * rb, c) + pe
    a1 = jnp.maximum(
        jnp.dot(h.astype(bf), a1_ref[...].astype(bf),
                preferred_element_type=jnp.float32)
        + ca1_ref[0][None, :], 0.0)
    a2 = jnp.maximum(
        jnp.dot(a1.astype(bf), a2_ref[...].astype(bf),
                preferred_element_type=jnp.float32)
        + ca2_ref[0][None, :], 0.0)
    y = jnp.max(a2.reshape(kk, rb, c), axis=0)
    out = jnp.dot(y.astype(bf), ld_ref[...].astype(bf),
                  preferred_element_type=jnp.float32)
    out_ref[0] = out + cl_ref[0][None, :] + xres_ref[0]


def _mlp(pT, xT, gx, gp, weights, rb):
    B, N, C = xT.shape
    kk = _K
    vt, c1, w2, c2, a1, ca1, a2, ca2, ld, cl = weights
    grid = (B, N // rb)
    wspec = lambda shp: pl.BlockSpec(shp, lambda b, i: tuple(0 for _ in shp))
    return pl.pallas_call(
        _mlp_body,
        grid=grid,
        in_specs=[
            pl.BlockSpec((1, rb, 3), lambda b, i: (b, i, 0)),
            pl.BlockSpec((1, rb, C), lambda b, i: (b, i, 0)),
            pl.BlockSpec((1, kk, rb, C), lambda b, i: (b, 0, i, 0)),
            pl.BlockSpec((1, kk, rb, 16), lambda b, i: (b, 0, i, 0)),
            wspec((3, C)), wspec((1, C)),
            wspec((C, C)), wspec((1, C)),
            wspec((C, C)), wspec((1, C)),
            wspec((C, C)), wspec((1, C)),
            wspec((C, C)), wspec((1, C)),
        ],
        out_specs=pl.BlockSpec((1, rb, C), lambda b, i: (b, i, 0)),
        out_shape=jax.ShapeDtypeStruct((B, N, C), jnp.float32),
    )(pT, xT, gx, gp, vt, c1, w2, c2, a1, ca1, a2, ca2, ld, cl)


def kernel(input_p, input_x, dW1, db1, dg1, dbt1, dW2, db2, dg2, dbt2,
           aW1, ab1, ag1, abt1, aW2, ab2, ag2, abt2, ldW, ldb, ldg, ldbt):
    B, C, N = input_x.shape
    scale = jnp.float32(1.0 / math.sqrt(1.0 + _EPS))

    def fold(W, bias, g, bt):
        s = g * scale
        return (W * s[:, None]).T, (bias * s + bt)[None, :]

    vt, c1 = fold(dW1, db1, dg1, dbt1)
    w2, c2 = fold(dW2, db2, dg2, dbt2)
    a1, ca1 = fold(aW1, ab1, ag1, abt1)
    a2, ca2 = fold(aW2, ab2, ag2, abt2)
    ld, cl = fold(ldW, ldb, ldg, ldbt)

    pT = jnp.transpose(input_p, (0, 2, 1))
    xT = jnp.transpose(input_x, (0, 2, 1))

    xtab = xT.reshape(B * N, C)
    ptab = jnp.pad(pT, ((0, 0), (0, 0), (0, 13))).reshape(B * N, 16)
    weights = (vt, c1, w2, c2, a1, ca1, a2, ca2, ld, cl)

    ys = []
    for b in range(B):
        idxg_b = _ball_query(input_p[b:b + 1], pT[b:b + 1], rb=128)
        gx_b, gp_b = _sc_gather(xtab, ptab,
                                (idxg_b + jnp.int32(b * N)).reshape(-1))
        y_b = _mlp(pT[b:b + 1], xT[b:b + 1],
                   gx_b.reshape(1, _K, N, C), gp_b.reshape(1, _K, N, 16),
                   weights, rb=128)
        ys.append(y_b)
    y = jnp.concatenate(ys, axis=0)
    return (input_p, jnp.transpose(y, (0, 2, 1)))

# --- scband reference (transcript-rebuilt; emitter-appended) ---
"""Pipeline reference for scband-trblock-30090540876461 (READ-ONLY COPY).

The authoritative reference and input builder live on the scoring server;
editing this copy changes nothing except your own understanding.
"""

import jax, jax.numpy as jnp
import numpy as np

IN_DIM = 64
K = 16
RADIUS = 0.2
EPS = 1e-5


def _bn(x, gamma, beta):
    # eval-mode BatchNorm: running_mean=0, running_var=1
    if x.ndim == 4:
        g = gamma[None, :, None, None]
        b = beta[None, :, None, None]
    else:
        g = gamma[None, :, None]
        b = beta[None, :, None]
    return x / jnp.sqrt(1.0 + EPS) * g + b


def _conv1x1(x, W, b):
    # 1x1 conv == per-point linear; x [B,C,N] or [B,C,N,k], W [O,C]
    if x.ndim == 4:
        return jnp.einsum('oc,bcnk->bonk', W, x) + b[None, :, None, None]
    return jnp.einsum('oc,bcn->bon', W, x) + b[None, :, None]


def query_ball_point(radius, k, xyz, new_xyz):
    # xyz [B,N,3], new_xyz [B,S,3] -> idx [B,S,k] (first k indices within radius, pad with first)
    B, N, _ = xyz.shape
    sqr = (jnp.sum(new_xyz ** 2, -1)[:, :, None]
           + jnp.sum(xyz ** 2, -1)[:, None, :]
           - 2.0 * jnp.einsum('bsd,bnd->bsn', new_xyz, xyz))
    gidx = jnp.where(sqr > radius * radius, N, jnp.arange(N, dtype=jnp.int32)[None, None, :])
    neg_topk, _ = jax.lax.top_k(-gidx, k)
    gidx = -neg_topk  # smallest k indices, ascending
    first = gidx[:, :, :1]
    gidx = jnp.where(gidx == N, first, gidx)
    return gidx


def group(x, idx):
    # grouping_operation: x [B,C,N], idx [B,S,k] -> [B,C,S,k]
    B, C, N = x.shape
    S, k = idx.shape[1], idx.shape[2]
    flat = jnp.broadcast_to(idx.reshape(B, 1, S * k), (B, C, S * k))
    g = jnp.take_along_axis(x, flat, axis=2)
    return g.reshape(B, C, S, k)


def setup_inputs(seed: int = 0) -> dict:
    key = jax.random.key(seed)
    ks = jax.random.split(key, 8)
    B, N, C = 4, 4096, IN_DIM
    inp = {}
    inp['input_p'] = jax.random.uniform(ks[0], (B, 3, N), dtype=jnp.float32)
    inp['input_x'] = jax.random.normal(ks[1], (B, C, N), dtype=jnp.float32)

    def w(k_, o, i):
        return jax.random.normal(k_, (o, i), dtype=jnp.float32) * (1.0 / np.sqrt(i))

    # delta: Conv2d(3->C), BN, ReLU, Conv2d(C->C), BN
    inp['dW1'] = w(ks[2], C, 3); inp['db1'] = jnp.zeros((C,), jnp.float32)
    inp['dg1'] = jnp.ones((C,), jnp.float32); inp['dbt1'] = jnp.zeros((C,), jnp.float32)
    inp['dW2'] = w(ks[3], C, C); inp['db2'] = jnp.zeros((C,), jnp.float32)
    inp['dg2'] = jnp.ones((C,), jnp.float32); inp['dbt2'] = jnp.zeros((C,), jnp.float32)
    # alpha: Conv2d(C->C), BN, ReLU, Conv2d(C->hidden=C), BN, ReLU
    inp['aW1'] = w(ks[4], C, C); inp['ab1'] = jnp.zeros((C,), jnp.float32)
    inp['ag1'] = jnp.ones((C,), jnp.float32); inp['abt1'] = jnp.zeros((C,), jnp.float32)
    inp['aW2'] = w(ks[5], C, C); inp['ab2'] = jnp.zeros((C,), jnp.float32)
    inp['ag2'] = jnp.ones((C,), jnp.float32); inp['abt2'] = jnp.zeros((C,), jnp.float32)
    # linear_down: Conv1d(C->C), BN
    inp['ldW'] = w(ks[6], C, C); inp['ldb'] = jnp.zeros((C,), jnp.float32)
    inp['ldg'] = jnp.ones((C,), jnp.float32); inp['ldbt'] = jnp.zeros((C,), jnp.float32)
    return inp


def reference(input_p, input_x, dW1, db1, dg1, dbt1, dW2, db2, dg2, dbt2,
              aW1, ab1, ag1, abt1, aW2, ab2, ag2, abt2, ldW, ldb, ldg, ldbt):
    # PTBlock forward, fps_rate=None path: SKIP_ATTN=True, POS_ENCODING=True, CAT_POS=False, USE_KNN=False
    B, C, N = input_x.shape
    k = min(K, N)
    p = jnp.transpose(input_p, (0, 2, 1))  # [B,N,3]
    res = input_x
    idx = query_ball_point(RADIUS, k, p, p)  # [B,N,k]
    grouped_p = group(jnp.transpose(p, (0, 2, 1)), idx)  # [B,3,N,k]
    grouped_x = group(input_x, idx)  # [B,C,N,k]
    rel = jnp.transpose(p, (0, 2, 1))[:, :, :, None] - grouped_p  # [B,3,N,k]
    pe = _conv1x1(rel, dW1, db1); pe = _bn(pe, dg1, dbt1); pe = jax.nn.relu(pe)
    pe = _conv1x1(pe, dW2, db2); pe = _bn(pe, dg2, dbt2)
    a = _conv1x1(grouped_x + pe, aW1, ab1); a = _bn(a, ag1, abt1); a = jax.nn.relu(a)
    a = _conv1x1(a, aW2, ab2); a = _bn(a, ag2, abt2); a = jax.nn.relu(a)
    y = jnp.max(a, axis=-1)  # [B,C,N]
    y = _conv1x1(y, ldW, ldb); y = _bn(y, ldg, ldbt)
    p_out = jnp.transpose(p, (0, 2, 1))  # [B,3,N]
    return (p_out, y + res)

if __name__ == "__main__":
    import jax
    _d = setup_inputs()
    print(jax.jit(kernel)(*tuple(_d.values())))

</pallas_src>

<mosaic_0001>
#map = affine_map<(d0, d1) -> (0, 0)>
#map1 = affine_map<(d0, d1) -> (0)>
module attributes {stable_mosaic.version = 14 : i64} {
  func.func @gather_k(%arg0: i32, %arg1: i32, %arg2: memref<16384x64xf32, #tpu.memory_space<hbm>>, %arg3: memref<16384x16xf32, #tpu.memory_space<hbm>>, %arg4: memref<65536xi32, #tpu.memory_space<hbm>>, %arg5: memref<65536x64xf32, #tpu.memory_space<hbm>>, %arg6: memref<65536x16xf32, #tpu.memory_space<hbm>>, %arg7: memref<512xi32, #tpu.memory_space<vmem>>, %arg8: memref<512xi32, #tpu.memory_space<vmem>>, %arg9: memref<512x64xf32, #tpu.memory_space<vmem>>, %arg10: memref<512x64xf32, #tpu.memory_space<vmem>>, %arg11: memref<512x16xf32, #tpu.memory_space<vmem>>, %arg12: memref<512x16xf32, #tpu.memory_space<vmem>>, %arg13: memref<!tpu.dma_semaphore, #tpu.memory_space<semaphore_mem>>, %arg14: memref<!tpu.dma_semaphore, #tpu.memory_space<semaphore_mem>>, %arg15: memref<!tpu.dma_semaphore, #tpu.memory_space<semaphore_mem>>, %arg16: memref<!tpu.dma_semaphore, #tpu.memory_space<semaphore_mem>>, %arg17: memref<!tpu.dma_semaphore, #tpu.memory_space<semaphore_mem>>, %arg18: memref<!tpu.dma_semaphore, #tpu.memory_space<semaphore_mem>>, %arg19: memref<!tpu.dma_semaphore, #tpu.memory_space<semaphore_mem>>, %arg20: memref<!tpu.dma_semaphore, #tpu.memory_space<semaphore_mem>>) attributes {dimension_semantics = [#tpu.dimension_semantics<core_parallel>, #tpu.dimension_semantics<subcore_parallel>], iteration_bounds = array<i64: 2, 16>, scalar_prefetch = 0 : i64, scratch_operands = 14 : i64, tpu.core_type = #tpu.core_type<sc_vector_subcore>, window_params = [{transform_indices = #map}, {transform_indices = #map}, {transform_indices = #map1}, {transform_indices = #map}, {transform_indices = #map}]} {
    %mul3A = arith.constant 2 : i32
    %mul3A_0 = arith.muli %arg1, %mul3A : i32
    %add3A = arith.addi %mul3A_0, %arg0 : i32
    %mul3A_1 = arith.constant 4 : i32
    %mul3A_2 = arith.muli %add3A, %mul3A_1 : i32
    %add3A_3 = arith.constant 0 : i32
    %add3A_4 = arith.addi %mul3A_2, %add3A_3 : i32
    %mul3A_5 = arith.constant 512 : i32
    %mul3A_6 = arith.muli %add3A_4, %mul3A_5 : i32
    %dma_start3A = tpu.memref_slice %arg4[%mul3A_6] : memref<65536xi32, #tpu.memory_space<hbm>> -> memref<512xi32, #tpu.memory_space<hbm>>
    %dma_start3A_7 = tpu.memref_slice %arg4[%mul3A_6] : memref<65536xi32, #tpu.memory_space<hbm>> -> memref<512xi32, #tpu.memory_space<hbm>>
    tpu.enqueue_dma source(%dma_start3A_7 : memref<512xi32, #tpu.memory_space<hbm>>) target(%arg7 : memref<512xi32, #tpu.memory_space<vmem>>) target_semaphore(%arg13 : memref<!tpu.dma_semaphore, #tpu.memory_space<semaphore_mem>>)
    %dma_wait3A = tpu.memref_slice %arg4[%mul3A_6] : memref<65536xi32, #tpu.memory_space<hbm>> -> memref<512xi32, #tpu.memory_space<hbm>>
    %dma_wait3A_8 = tpu.memref_slice %arg4[%mul3A_6] : memref<65536xi32, #tpu.memory_space<hbm>> -> memref<512xi32, #tpu.memory_space<hbm>>
    tpu.wait_dma2 semaphore(%arg13 : memref<!tpu.dma_semaphore, #tpu.memory_space<semaphore_mem>>) src(%dma_wait3A_8 : memref<512xi32, #tpu.memory_space<hbm>>) dst(%arg7 : memref<512xi32, #tpu.memory_space<vmem>>)
    %dma_start3A_9 = arith.constant 0 : i32
    %dma_start3A_10 = arith.constant 0 : i32
    %dma_start3A_11 = tpu.memref_slice %arg2[%dma_start3A_9, %dma_start3A_10] : memref<16384x64xf32, #tpu.memory_space<hbm>> -> memref<16384x64xf32, #tpu.memory_space<hbm>>
    tpu.enqueue_indirect_dma source(%dma_start3A_11 : memref<16384x64xf32, #tpu.memory_space<hbm>>) target(%arg9 : memref<512x64xf32, #tpu.memory_space<vmem>>) offsets(%arg7 : memref<512xi32, #tpu.memory_space<vmem>>) semaphore(%arg15 : memref<!tpu.dma_semaphore, #tpu.memory_space<semaphore_mem>>)
    %dma_start3A_12 = arith.constant 0 : i32
    %dma_start3A_13 = arith.constant 0 : i32
    %dma_start3A_14 = tpu.memref_slice %arg3[%dma_start3A_12, %dma_start3A_13] : memref<16384x16xf32, #tpu.memory_space<hbm>> -> memref<16384x16xf32, #tpu.memory_space<hbm>>
    tpu.enqueue_indirect_dma source(%dma_start3A_14 : memref<16384x16xf32, #tpu.memory_space<hbm>>) target(%arg11 : memref<512x16xf32, #tpu.memory_space<vmem>>) offsets(%arg7 : memref<512xi32, #tpu.memory_space<vmem>>) semaphore(%arg17 : memref<!tpu.dma_semaphore, #tpu.memory_space<semaphore_mem>>)
    %mul3A_15 = arith.constant 4 : i32
    %mul3A_16 = arith.muli %add3A, %mul3A_15 : i32
    %add3A_17 = arith.constant 1 : i32
    %add3A_18 = arith.addi %mul3A_16, %add3A_17 : i32
    %mul3A_19 = arith.constant 512 : i32
    %mul3A_20 = arith.muli %add3A_18, %mul3A_19 : i32
    %dma_start3A_21 = tpu.memref_slice %arg4[%mul3A_20] : memref<65536xi32, #tpu.memory_space<hbm>> -> memref<512xi32, #tpu.memory_space<hbm>>
    %dma_start3A_22 = tpu.memref_slice %arg4[%mul3A_20] : memref<65536xi32, #tpu.memory_space<hbm>> -> memref<512xi32, #tpu.memory_space<hbm>>
    tpu.enqueue_dma source(%dma_start3A_22 : memref<512xi32, #tpu.memory_space<hbm>>) target(%arg8 : memref<512xi32, #tpu.memory_space<vmem>>) target_semaphore(%arg14 : memref<!tpu.dma_semaphore, #tpu.memory_space<semaphore_mem>>)
    %dma_wait3A_23 = tpu.memref_slice %arg4[%mul3A_20] : memref<65536xi32, #tpu.memory_space<hbm>> -> memref<512xi32, #tpu.memory_space<hbm>>
    %dma_wait3A_24 = tpu.memref_slice %arg4[%mul3A_20] : memref<65536xi32, #tpu.memory_space<hbm>> -> memref<512xi32, #tpu.memory_space<hbm>>
    tpu.wait_dma2 semaphore(%arg14 : memref<!tpu.dma_semaphore, #tpu.memory_space<semaphore_mem>>) src(%dma_wait3A_24 : memref<512xi32, #tpu.memory_space<hbm>>) dst(%arg8 : memref<512xi32, #tpu.memory_space<vmem>>)
    %dma_start3A_25 = arith.constant 0 : i32
    %dma_start3A_26 = arith.constant 0 : i32
    %dma_start3A_27 = tpu.memref_slice %arg2[%dma_start3A_25, %dma_start3A_26] : memref<16384x64xf32, #tpu.memory_space<hbm>> -> memref<16384x64xf32, #tpu.memory_space<hbm>>
    tpu.enqueue_indirect_dma source(%dma_start3A_27 : memref<16384x64xf32, #tpu.memory_space<hbm>>) target(%arg10 : memref<512x64xf32, #tpu.memory_space<vmem>>) offsets(%arg8 : memref<512xi32, #tpu.memory_space<vmem>>) semaphore(%arg16 : memref<!tpu.dma_semaphore, #tpu.memory_space<semaphore_mem>>)
    %dma_start3A_28 = arith.constant 0 : i32
    %dma_start3A_29 = arith.constant 0 : i32
    %dma_start3A_30 = tpu.memref_slice %arg3[%dma_start3A_28, %dma_start3A_29] : memref<16384x16xf32, #tpu.memory_space<hbm>> -> memref<16384x16xf32, #tpu.memory_space<hbm>>
    tpu.enqueue_indirect_dma source(%dma_start3A_30 : memref<16384x16xf32, #tpu.memory_space<hbm>>) target(%arg12 : memref<512x16xf32, #tpu.memory_space<vmem>>) offsets(%arg8 : memref<512xi32, #tpu.memory_space<vmem>>) semaphore(%arg18 : memref<!tpu.dma_semaphore, #tpu.memory_space<semaphore_mem>>)
    %mul3A_31 = arith.constant 4 : i32
    %mul3A_32 = arith.muli %add3A, %mul3A_31 : i32
    %add3A_33 = arith.constant 0 : i32
    %add3A_34 = arith.addi %mul3A_32, %add3A_33 : i32
    %mul3A_35 = arith.constant 512 : i32
    %mul3A_36 = arith.muli %add3A_34, %mul3A_35 : i32
    %dma_wait3A_37 = arith.constant 0 : i32
    %dma_wait3A_38 = arith.constant 0 : i32
    %dma_wait3A_39 = tpu.memref_slice %arg2[%dma_wait3A_37, %dma_wait3A_38] : memref<16384x64xf32, #tpu.memory_space<hbm>> -> memref<16384x64xf32, #tpu.memory_space<hbm>>
    tpu.wait_indirect_dma semaphore(%arg15 : memref<!tpu.dma_semaphore, #tpu.memory_space<semaphore_mem>>) src(%dma_wait3A_39 : memref<16384x64xf32, #tpu.memory_space<hbm>>) dst(%arg9 : memref<512x64xf32, #tpu.memory_space<vmem>>)
    %dma_wait3A_40 = arith.constant 0 : i32
    %dma_wait3A_41 = arith.constant 0 : i32
    %dma_wait3A_42 = tpu.memref_slice %arg3[%dma_wait3A_40, %dma_wait3A_41] : memref<16384x16xf32, #tpu.memory_space<hbm>> -> memref<16384x16xf32, #tpu.memory_space<hbm>>
    tpu.wait_indirect_dma semaphore(%arg17 : memref<!tpu.dma_semaphore, #tpu.memory_space<semaphore_mem>>) src(%dma_wait3A_42 : memref<16384x16xf32, #tpu.memory_space<hbm>>) dst(%arg11 : memref<512x16xf32, #tpu.memory_space<vmem>>)
    %dma_start3A_43 = arith.constant 0 : i32
    %dma_start3A_44 = tpu.memref_slice %arg5[%mul3A_36, %dma_start3A_43] : memref<65536x64xf32, #tpu.memory_space<hbm>> -> memref<512x64xf32, #tpu.memory_space<hbm>>
    %dma_start3A_45 = arith.constant 0 : i32
    %dma_start3A_46 = tpu.memref_slice %arg5[%mul3A_36, %dma_start3A_45] : memref<65536x64xf32, #tpu.memory_space<hbm>> -> memref<512x64xf32, #tpu.memory_space<hbm>>
    tpu.enqueue_dma source(%arg9 : memref<512x64xf32, #tpu.memory_space<vmem>>) target(%dma_start3A_46 : memref<512x64xf32, #tpu.memory_space<hbm>>) target_semaphore(%arg19 : memref<!tpu.dma_semaphore, #tpu.memory_space<semaphore_mem>>)
    %dma_start3A_47 = arith.constant 0 : i32
    %dma_start3A_48 = tpu.memref_slice %arg6[%mul3A_36, %dma_start3A_47] : memref<65536x16xf32, #tpu.memory_space<hbm>> -> memref<512x16xf32, #tpu.memory_space<hbm>>
    %dma_start3A_49 = arith.constant 0 : i32
    %dma_start3A_50 = tpu.memref_slice %arg6[%mul3A_36, %dma_start3A_49] : memref<65536x16xf32, #tpu.memory_space<hbm>> -> memref<512x16xf32, #tpu.memory_space<hbm>>
    tpu.enqueue_dma source(%arg11 : memref<512x16xf32, #tpu.memory_space<vmem>>) target(%dma_start3A_50 : memref<512x16xf32, #tpu.memory_space<hbm>>) target_semaphore(%arg19 : memref<!tpu.dma_semaphore, #tpu.memory_space<semaphore_mem>>)
    %mul3A_51 = arith.constant 4 : i32
    %mul3A_52 = arith.muli %add3A, %mul3A_51 : i32
    %add3A_53 = arith.constant 0 : i32
    %add3A_54 = arith.addi %mul3A_52, %add3A_53 : i32
    %mul3A_55 = arith.constant 512 : i32
    %mul3A_56 = arith.muli %add3A_54, %mul3A_55 : i32
    %dma_wait3A_57 = arith.constant 0 : i32
    %dma_wait3A_58 = tpu.memref_slice %arg5[%mul3A_56, %dma_wait3A_57] : memref<65536x64xf32, #tpu.memory_space<hbm>> -> memref<512x64xf32, #tpu.memory_space<hbm>>
    %dma_wait3A_59 = arith.constant 0 : i32
    %dma_wait3A_60 = tpu.memref_slice %arg5[%mul3A_56, %dma_wait3A_59] : memref<65536x64xf32, #tpu.memory_space<hbm>> -> memref<512x64xf32, #tpu.memory_space<hbm>>
    tpu.wait_dma2 semaphore(%arg19 : memref<!tpu.dma_semaphore, #tpu.memory_space<semaphore_mem>>) src(%arg9 : memref<512x64xf32, #tpu.memory_space<vmem>>) dst(%dma_wait3A_60 : memref<512x64xf32, #tpu.memory_space<hbm>>)
    %dma_wait3A_61 = arith.constant 0 : i32
    %dma_wait3A_62 = tpu.memref_slice %arg6[%mul3A_56, %dma_wait3A_61] : memref<65536x16xf32, #tpu.memory_space<hbm>> -> memref<512x16xf32, #tpu.memory_space<hbm>>
    %dma_wait3A_63 = arith.constant 0 : i32
    %dma_wait3A_64 = tpu.memref_slice %arg6[%mul3A_56, %dma_wait3A_63] : memref<65536x16xf32, #tpu.memory_space<hbm>> -> memref<512x16xf32, #tpu.memory_space<hbm>>
    tpu.wait_dma2 semaphore(%arg19 : memref<!tpu.dma_semaphore, #tpu.memory_space<semaphore_mem>>) src(%arg11 : memref<512x16xf32, #tpu.memory_space<vmem>>) dst(%dma_wait3A_64 : memref<512x16xf32, #tpu.memory_space<hbm>>)
    %mul3A_65 = arith.constant 4 : i32
    %mul3A_66 = arith.muli %add3A, %mul3A_65 : i32
    %add3A_67 = arith.constant 2 : i32
    %add3A_68 = arith.addi %mul3A_66, %add3A_67 : i32
    %mul3A_69 = arith.constant 512 : i32
    %mul3A_70 = arith.muli %add3A_68, %mul3A_69 : i32
    %dma_start3A_71 = tpu.memref_slice %arg4[%mul3A_70] : memref<65536xi32, #tpu.memory_space<hbm>> -> memref<512xi32, #tpu.memory_space<hbm>>
    %dma_start3A_72 = tpu.memref_slice %arg4[%mul3A_70] : memref<65536xi32, #tpu.memory_space<hbm>> -> memref<512xi32, #tpu.memory_space<hbm>>
    tpu.enqueue_dma source(%dma_start3A_72 : memref<512xi32, #tpu.memory_space<hbm>>) target(%arg7 : memref<512xi32, #tpu.memory_space<vmem>>) target_semaphore(%arg13 : memref<!tpu.dma_semaphore, #tpu.memory_space<semaphore_mem>>)
    %dma_wait3A_73 = tpu.memref_slice %arg4[%mul3A_70] : memref<65536xi32, #tpu.memory_space<hbm>> -> memref<512xi32, #tpu.memory_space<hbm>>
    %dma_wait3A_74 = tpu.memref_slice %arg4[%mul3A_70] : memref<65536xi32, #tpu.memory_space<hbm>> -> memref<512xi32, #tpu.memory_space<hbm>>
    tpu.wait_dma2 semaphore(%arg13 : memref<!tpu.dma_semaphore, #tpu.memory_space<semaphore_mem>>) src(%dma_wait3A_74 : memref<512xi32, #tpu.memory_space<hbm>>) dst(%arg7 : memref<512xi32, #tpu.memory_space<vmem>>)
    %dma_start3A_75 = arith.constant 0 : i32
    %dma_start3A_76 = arith.constant 0 : i32
    %dma_start3A_77 = tpu.memref_slice %arg2[%dma_start3A_75, %dma_start3A_76] : memref<16384x64xf32, #tpu.memory_space<hbm>> -> memref<16384x64xf32, #tpu.memory_space<hbm>>
    tpu.enqueue_indirect_dma source(%dma_start3A_77 : memref<16384x64xf32, #tpu.memory_space<hbm>>) target(%arg9 : memref<512x64xf32, #tpu.memory_space<vmem>>) offsets(%arg7 : memref<512xi32, #tpu.memory_space<vmem>>) semaphore(%arg15 : memref<!tpu.dma_semaphore, #tpu.memory_space<semaphore_mem>>)
    %dma_start3A_78 = arith.constant 0 : i32
    %dma_start3A_79 = arith.constant 0 : i32
    %dma_start3A_80 = tpu.memref_slice %arg3[%dma_start3A_78, %dma_start3A_79] : memref<16384x16xf32, #tpu.memory_space<hbm>> -> memref<16384x16xf32, #tpu.memory_space<hbm>>
    tpu.enqueue_indirect_dma source(%dma_start3A_80 : memref<16384x16xf32, #tpu.memory_space<hbm>>) target(%arg11 : memref<512x16xf32, #tpu.memory_space<vmem>>) offsets(%arg7 : memref<512xi32, #tpu.memory_space<vmem>>) semaphore(%arg17 : memref<!tpu.dma_semaphore, #tpu.memory_space<semaphore_mem>>)
    %mul3A_81 = arith.constant 4 : i32
    %mul3A_82 = arith.muli %add3A, %mul3A_81 : i32
    %add3A_83 = arith.constant 1 : i32
    %add3A_84 = arith.addi %mul3A_82, %add3A_83 : i32
    %mul3A_85 = arith.constant 512 : i32
    %mul3A_86 = arith.muli %add3A_84, %mul3A_85 : i32
    %dma_wait3A_87 = arith.constant 0 : i32
    %dma_wait3A_88 = arith.constant 0 : i32
    %dma_wait3A_89 = tpu.memref_slice %arg2[%dma_wait3A_87, %dma_wait3A_88] : memref<16384x64xf32, #tpu.memory_space<hbm>> -> memref<16384x64xf32, #tpu.memory_space<hbm>>
    tpu.wait_indirect_dma semaphore(%arg16 : memref<!tpu.dma_semaphore, #tpu.memory_space<semaphore_mem>>) src(%dma_wait3A_89 : memref<16384x64xf32, #tpu.memory_space<hbm>>) dst(%arg10 : memref<512x64xf32, #tpu.memory_space<vmem>>)
    %dma_wait3A_90 = arith.constant 0 : i32
    %dma_wait3A_91 = arith.constant 0 : i32
    %dma_wait3A_92 = tpu.memref_slice %arg3[%dma_wait3A_90, %dma_wait3A_91] : memref<16384x16xf32, #tpu.memory_space<hbm>> -> memref<16384x16xf32, #tpu.memory_space<hbm>>
    tpu.wait_indirect_dma semaphore(%arg18 : memref<!tpu.dma_semaphore, #tpu.memory_space<semaphore_mem>>) src(%dma_wait3A_92 : memref<16384x16xf32, #tpu.memory_space<hbm>>) dst(%arg12 : memref<512x16xf32, #tpu.memory_space<vmem>>)
    %dma_start3A_93 = arith.constant 0 : i32
    %dma_start3A_94 = tpu.memref_slice %arg5[%mul3A_86, %dma_start3A_93] : memref<65536x64xf32, #tpu.memory_space<hbm>> -> memref<512x64xf32, #tpu.memory_space<hbm>>
    %dma_start3A_95 = arith.constant 0 : i32
    %dma_start3A_96 = tpu.memref_slice %arg5[%mul3A_86, %dma_start3A_95] : memref<65536x64xf32, #tpu.memory_space<hbm>> -> memref<512x64xf32, #tpu.memory_space<hbm>>
    tpu.enqueue_dma source(%arg10 : memref<512x64xf32, #tpu.memory_space<vmem>>) target(%dma_start3A_96 : memref<512x64xf32, #tpu.memory_space<hbm>>) target_semaphore(%arg20 : memref<!tpu.dma_semaphore, #tpu.memory_space<semaphore_mem>>)
    %dma_start3A_97 = arith.constant 0 : i32
    %dma_start3A_98 = tpu.memref_slice %arg6[%mul3A_86, %dma_start3A_97] : memref<65536x16xf32, #tpu.memory_space<hbm>> -> memref<512x16xf32, #tpu.memory_space<hbm>>
    %dma_start3A_99 = arith.constant 0 : i32
    %dma_start3A_100 = tpu.memref_slice %arg6[%mul3A_86, %dma_start3A_99] : memref<65536x16xf32, #tpu.memory_space<hbm>> -> memref<512x16xf32, #tpu.memory_space<hbm>>
    tpu.enqueue_dma source(%arg12 : memref<512x16xf32, #tpu.memory_space<vmem>>) target(%dma_start3A_100 : memref<512x16xf32, #tpu.memory_space<hbm>>) target_semaphore(%arg20 : memref<!tpu.dma_semaphore, #tpu.memory_space<semaphore_mem>>)
    %mul3A_101 = arith.constant 4 : i32
    %mul3A_102 = arith.muli %add3A, %mul3A_101 : i32
    %add3A_103 = arith.constant 1 : i32
    %add3A_104 = arith.addi %mul3A_102, %add3A_103 : i32
    %mul3A_105 = arith.constant 512 : i32
    %mul3A_106 = arith.muli %add3A_104, %mul3A_105 : i32
    %dma_wait3A_107 = arith.constant 0 : i32
    %dma_wait3A_108 = tpu.memref_slice %arg5[%mul3A_106, %dma_wait3A_107] : memref<65536x64xf32, #tpu.memory_space<hbm>> -> memref<512x64xf32, #tpu.memory_space<hbm>>
    %dma_wait3A_109 = arith.constant 0 : i32
    %dma_wait3A_110 = tpu.memref_slice %arg5[%mul3A_106, %dma_wait3A_109] : memref<65536x64xf32, #tpu.memory_space<hbm>> -> memref<512x64xf32, #tpu.memory_space<hbm>>
    tpu.wait_dma2 semaphore(%arg20 : memref<!tpu.dma_semaphore, #tpu.memory_space<semaphore_mem>>) src(%arg10 : memref<512x64xf32, #tpu.memory_space<vmem>>) dst(%dma_wait3A_110 : memref<512x64xf32, #tpu.memory_space<hbm>>)
    %dma_wait3A_111 = arith.constant 0 : i32
    %dma_wait3A_112 = tpu.memref_slice %arg6[%mul3A_106, %dma_wait3A_111] : memref<65536x16xf32, #tpu.memory_space<hbm>> -> memref<512x16xf32, #tpu.memory_space<hbm>>
    %dma_wait3A_113 = arith.constant 0 : i32
    %dma_wait3A_114 = tpu.memref_slice %arg6[%mul3A_106, %dma_wait3A_113] : memref<65536x16xf32, #tpu.memory_space<hbm>> -> memref<512x16xf32, #tpu.memory_space<hbm>>
    tpu.wait_dma2 semaphore(%arg20 : memref<!tpu.dma_semaphore, #tpu.memory_space<semaphore_mem>>) src(%arg12 : memref<512x16xf32, #tpu.memory_space<vmem>>) dst(%dma_wait3A_114 : memref<512x16xf32, #tpu.memory_space<hbm>>)
    %mul3A_115 = arith.constant 4 : i32
    %mul3A_116 = arith.muli %add3A, %mul3A_115 : i32
    %add3A_117 = arith.constant 3 : i32
    %add3A_118 = arith.addi %mul3A_116, %add3A_117 : i32
    %mul3A_119 = arith.constant 512 : i32
    %mul3A_120 = arith.muli %add3A_118, %mul3A_119 : i32
    %dma_start3A_121 = tpu.memref_slice %arg4[%mul3A_120] : memref<65536xi32, #tpu.memory_space<hbm>> -> memref<512xi32, #tpu.memory_space<hbm>>
    %dma_start3A_122 = tpu.memref_slice %arg4[%mul3A_120] : memref<65536xi32, #tpu.memory_space<hbm>> -> memref<512xi32, #tpu.memory_space<hbm>>
    tpu.enqueue_dma source(%dma_start3A_122 : memref<512xi32, #tpu.memory_space<hbm>>) target(%arg8 : memref<512xi32, #tpu.memory_space<vmem>>) target_semaphore(%arg14 : memref<!tpu.dma_semaphore, #tpu.memory_space<semaphore_mem>>)
    %dma_wait3A_123 = tpu.memref_slice %arg4[%mul3A_120] : memref<65536xi32, #tpu.memory_space<hbm>> -> memref<512xi32, #tpu.memory_space<hbm>>
    %dma_wait3A_124 = tpu.memref_slice %arg4[%mul3A_120] : memref<65536xi32, #tpu.memory_space<hbm>> -> memref<512xi32, #tpu.memory_space<hbm>>
    tpu.wait_dma2 semaphore(%arg14 : memref<!tpu.dma_semaphore, #tpu.memory_space<semaphore_mem>>) src(%dma_wait3A_124 : memref<512xi32, #tpu.memory_space<hbm>>) dst(%arg8 : memref<512xi32, #tpu.memory_space<vmem>>)
    %dma_start3A_125 = arith.constant 0 : i32
    %dma_start3A_126 = arith.constant 0 : i32
    %dma_start3A_127 = tpu.memref_slice %arg2[%dma_start3A_125, %dma_start3A_126] : memref<16384x64xf32, #tpu.memory_space<hbm>> -> memref<16384x64xf32, #tpu.memory_space<hbm>>
    tpu.enqueue_indirect_dma source(%dma_start3A_127 : memref<16384x64xf32, #tpu.memory_space<hbm>>) target(%arg10 : memref<512x64xf32, #tpu.memory_space<vmem>>) offsets(%arg8 : memref<512xi32, #tpu.memory_space<vmem>>) semaphore(%arg16 : memref<!tpu.dma_semaphore, #tpu.memory_space<semaphore_mem>>)
    %dma_start3A_128 = arith.constant 0 : i32
    %dma_start3A_129 = arith.constant 0 : i32
    %dma_start3A_130 = tpu.memref_slice %arg3[%dma_start3A_128, %dma_start3A_129] : memref<16384x16xf32, #tpu.memory_space<hbm>> -> memref<16384x16xf32, #tpu.memory_space<hbm>>
    tpu.enqueue_indirect_dma source(%dma_start3A_130 : memref<16384x16xf32, #tpu.memory_space<hbm>>) target(%arg12 : memref<512x16xf32, #tpu.memory_space<vmem>>) offsets(%arg8 : memref<512xi32, #tpu.memory_space<vmem>>) semaphore(%arg18 : memref<!tpu.dma_semaphore, #tpu.memory_space<semaphore_mem>>)
    %mul3A_131 = arith.constant 4 : i32
    %mul3A_132 = arith.muli %add3A, %mul3A_131 : i32
    %add3A_133 = arith.constant 2 : i32
    %add3A_134 = arith.addi %mul3A_132, %add3A_133 : i32
    %mul3A_135 = arith.constant 512 : i32
    %mul3A_136 = arith.muli %add3A_134, %mul3A_135 : i32
    %dma_wait3A_137 = arith.constant 0 : i32
    %dma_wait3A_138 = arith.constant 0 : i32
    %dma_wait3A_139 = tpu.memref_slice %arg2[%dma_wait3A_137, %dma_wait3A_138] : memref<16384x64xf32, #tpu.memory_space<hbm>> -> memref<16384x64xf32, #tpu.memory_space<hbm>>
    tpu.wait_indirect_dma semaphore(%arg15 : memref<!tpu.dma_semaphore, #tpu.memory_space<semaphore_mem>>) src(%dma_wait3A_139 : memref<16384x64xf32, #tpu.memory_space<hbm>>) dst(%arg9 : memref<512x64xf32, #tpu.memory_space<vmem>>)
    %dma_wait3A_140 = arith.constant 0 : i32
    %dma_wait3A_141 = arith.constant 0 : i32
    %dma_wait3A_142 = tpu.memref_slice %arg3[%dma_wait3A_140, %dma_wait3A_141] : memref<16384x16xf32, #tpu.memory_space<hbm>> -> memref<16384x16xf32, #tpu.memory_space<hbm>>
    tpu.wait_indirect_dma semaphore(%arg17 : memref<!tpu.dma_semaphore, #tpu.memory_space<semaphore_mem>>) src(%dma_wait3A_142 : memref<16384x16xf32, #tpu.memory_space<hbm>>) dst(%arg11 : memref<512x16xf32, #tpu.memory_space<vmem>>)
    %dma_start3A_143 = arith.constant 0 : i32
    %dma_start3A_144 = tpu.memref_slice %arg5[%mul3A_136, %dma_start3A_143] : memref<65536x64xf32, #tpu.memory_space<hbm>> -> memref<512x64xf32, #tpu.memory_space<hbm>>
    %dma_start3A_145 = arith.constant 0 : i32
    %dma_start3A_146 = tpu.memref_slice %arg5[%mul3A_136, %dma_start3A_145] : memref<65536x64xf32, #tpu.memory_space<hbm>> -> memref<512x64xf32, #tpu.memory_space<hbm>>
    tpu.enqueue_dma source(%arg9 : memref<512x64xf32, #tpu.memory_space<vmem>>) target(%dma_start3A_146 : memref<512x64xf32, #tpu.memory_space<hbm>>) target_semaphore(%arg19 : memref<!tpu.dma_semaphore, #tpu.memory_space<semaphore_mem>>)
    %dma_start3A_147 = arith.constant 0 : i32
    %dma_start3A_148 = tpu.memref_slice %arg6[%mul3A_136, %dma_start3A_147] : memref<65536x16xf32, #tpu.memory_space<hbm>> -> memref<512x16xf32, #tpu.memory_space<hbm>>
    %dma_start3A_149 = arith.constant 0 : i32
    %dma_start3A_150 = tpu.memref_slice %arg6[%mul3A_136, %dma_start3A_149] : memref<65536x16xf32, #tpu.memory_space<hbm>> -> memref<512x16xf32, #tpu.memory_space<hbm>>
    tpu.enqueue_dma source(%arg11 : memref<512x16xf32, #tpu.memory_space<vmem>>) target(%dma_start3A_150 : memref<512x16xf32, #tpu.memory_space<hbm>>) target_semaphore(%arg19 : memref<!tpu.dma_semaphore, #tpu.memory_space<semaphore_mem>>)
    %mul3A_151 = arith.constant 4 : i32
    %mul3A_152 = arith.muli %add3A, %mul3A_151 : i32
    %add3A_153 = arith.constant 2 : i32
    %add3A_154 = arith.addi %mul3A_152, %add3A_153 : i32
    %mul3A_155 = arith.constant 512 : i32
    %mul3A_156 = arith.muli %add3A_154, %mul3A_155 : i32
    %dma_wait3A_157 = arith.constant 0 : i32
    %dma_wait3A_158 = tpu.memref_slice %arg5[%mul3A_156, %dma_wait3A_157] : memref<65536x64xf32, #tpu.memory_space<hbm>> -> memref<512x64xf32, #tpu.memory_space<hbm>>
    %dma_wait3A_159 = arith.constant 0 : i32
    %dma_wait3A_160 = tpu.memref_slice %arg5[%mul3A_156, %dma_wait3A_159] : memref<65536x64xf32, #tpu.memory_space<hbm>> -> memref<512x64xf32, #tpu.memory_space<hbm>>
    tpu.wait_dma2 semaphore(%arg19 : memref<!tpu.dma_semaphore, #tpu.memory_space<semaphore_mem>>) src(%arg9 : memref<512x64xf32, #tpu.memory_space<vmem>>) dst(%dma_wait3A_160 : memref<512x64xf32, #tpu.memory_space<hbm>>)
    %dma_wait3A_161 = arith.constant 0 : i32
    %dma_wait3A_162 = tpu.memref_slice %arg6[%mul3A_156, %dma_wait3A_161] : memref<65536x16xf32, #tpu.memory_space<hbm>> -> memref<512x16xf32, #tpu.memory_space<hbm>>
    %dma_wait3A_163 = arith.constant 0 : i32
    %dma_wait3A_164 = tpu.memref_slice %arg6[%mul3A_156, %dma_wait3A_163] : memref<65536x16xf32, #tpu.memory_space<hbm>> -> memref<512x16xf32, #tpu.memory_space<hbm>>
    tpu.wait_dma2 semaphore(%arg19 : memref<!tpu.dma_semaphore, #tpu.memory_space<semaphore_mem>>) src(%arg11 : memref<512x16xf32, #tpu.memory_space<vmem>>) dst(%dma_wait3A_164 : memref<512x16xf32, #tpu.memory_space<hbm>>)
    %mul3A_165 = arith.constant 4 : i32
    %mul3A_166 = arith.muli %add3A, %mul3A_165 : i32
    %add3A_167 = arith.constant 3 : i32
    %add3A_168 = arith.addi %mul3A_166, %add3A_167 : i32
    %mul3A_169 = arith.constant 512 : i32
    %mul3A_170 = arith.muli %add3A_168, %mul3A_169 : i32
    %dma_wait3A_171 = arith.constant 0 : i32
    %dma_wait3A_172 = arith.constant 0 : i32
    %dma_wait3A_173 = tpu.memref_slice %arg2[%dma_wait3A_171, %dma_wait3A_172] : memref<16384x64xf32, #tpu.memory_space<hbm>> -> memref<16384x64xf32, #tpu.memory_space<hbm>>
    tpu.wait_indirect_dma semaphore(%arg16 : memref<!tpu.dma_semaphore, #tpu.memory_space<semaphore_mem>>) src(%dma_wait3A_173 : memref<16384x64xf32, #tpu.memory_space<hbm>>) dst(%arg10 : memref<512x64xf32, #tpu.memory_space<vmem>>)
    %dma_wait3A_174 = arith.constant 0 : i32
    %dma_wait3A_175 = arith.constant 0 : i32
    %dma_wait3A_176 = tpu.memref_slice %arg3[%dma_wait3A_174, %dma_wait3A_175] : memref<16384x16xf32, #tpu.memory_space<hbm>> -> memref<16384x16xf32, #tpu.memory_space<hbm>>
    tpu.wait_indirect_dma semaphore(%arg18 : memref<!tpu.dma_semaphore, #tpu.memory_space<semaphore_mem>>) src(%dma_wait3A_176 : memref<16384x16xf32, #tpu.memory_space<hbm>>) dst(%arg12 : memref<512x16xf32, #tpu.memory_space<vmem>>)
    %dma_start3A_177 = arith.constant 0 : i32
    %dma_start3A_178 = tpu.memref_slice %arg5[%mul3A_170, %dma_start3A_177] : memref<65536x64xf32, #tpu.memory_space<hbm>> -> memref<512x64xf32, #tpu.memory_space<hbm>>
    %dma_start3A_179 = arith.constant 0 : i32
    %dma_start3A_180 = tpu.memref_slice %arg5[%mul3A_170, %dma_start3A_179] : memref<65536x64xf32, #tpu.memory_space<hbm>> -> memref<512x64xf32, #tpu.memory_space<hbm>>
    tpu.enqueue_dma source(%arg10 : memref<512x64xf32, #tpu.memory_space<vmem>>) target(%dma_start3A_180 : memref<512x64xf32, #tpu.memory_space<hbm>>) target_semaphore(%arg20 : memref<!tpu.dma_semaphore, #tpu.memory_space<semaphore_mem>>)
    %dma_start3A_181 = arith.constant 0 : i32
    %dma_start3A_182 = tpu.memref_slice %arg6[%mul3A_170, %dma_start3A_181] : memref<65536x16xf32, #tpu.memory_space<hbm>> -> memref<512x16xf32, #tpu.memory_space<hbm>>
    %dma_start3A_183 = arith.constant 0 : i32
    %dma_start3A_184 = tpu.memref_slice %arg6[%mul3A_170, %dma_start3A_183] : memref<65536x16xf32, #tpu.memory_space<hbm>> -> memref<512x16xf32, #tpu.memory_space<hbm>>
    tpu.enqueue_dma source(%arg12 : memref<512x16xf32, #tpu.memory_space<vmem>>) target(%dma_start3A_184 : memref<512x16xf32, #tpu.memory_space<hbm>>) target_semaphore(%arg20 : memref<!tpu.dma_semaphore, #tpu.memory_space<semaphore_mem>>)
    %mul3A_185 = arith.constant 4 : i32
    %mul3A_186 = arith.muli %add3A, %mul3A_185 : i32
    %add3A_187 = arith.constant 3 : i32
    %add3A_188 = arith.addi %mul3A_186, %add3A_187 : i32
    %mul3A_189 = arith.constant 512 : i32
    %mul3A_190 = arith.muli %add3A_188, %mul3A_189 : i32
    %dma_wait3A_191 = arith.constant 0 : i32
    %dma_wait3A_192 = tpu.memref_slice %arg5[%mul3A_190, %dma_wait3A_191] : memref<65536x64xf32, #tpu.memory_space<hbm>> -> memref<512x64xf32, #tpu.memory_space<hbm>>
    %dma_wait3A_193 = arith.constant 0 : i32
    %dma_wait3A_194 = tpu.memref_slice %arg5[%mul3A_190, %dma_wait3A_193] : memref<65536x64xf32, #tpu.memory_space<hbm>> -> memref<512x64xf32, #tpu.memory_space<hbm>>
    tpu.wait_dma2 semaphore(%arg20 : memref<!tpu.dma_semaphore, #tpu.memory_space<semaphore_mem>>) src(%arg10 : memref<512x64xf32, #tpu.memory_space<vmem>>) dst(%dma_wait3A_194 : memref<512x64xf32, #tpu.memory_space<hbm>>)
    %dma_wait3A_195 = arith.constant 0 : i32
    %dma_wait3A_196 = tpu.memref_slice %arg6[%mul3A_190, %dma_wait3A_195] : memref<65536x16xf32, #tpu.memory_space<hbm>> -> memref<512x16xf32, #tpu.memory_space<hbm>>
    %dma_wait3A_197 = arith.constant 0 : i32
    %dma_wait3A_198 = tpu.memref_slice %arg6[%mul3A_190, %dma_wait3A_197] : memref<65536x16xf32, #tpu.memory_space<hbm>> -> memref<512x16xf32, #tpu.memory_space<hbm>>
    tpu.wait_dma2 semaphore(%arg20 : memref<!tpu.dma_semaphore, #tpu.memory_space<semaphore_mem>>) src(%arg12 : memref<512x16xf32, #tpu.memory_space<vmem>>) dst(%dma_wait3A_198 : memref<512x16xf32, #tpu.memory_space<hbm>>)
    return
  }
}

#map = affine_map<(d0, d1) -> (0, 0)>
#map1 = affine_map<(d0, d1) -> (0)>
module attributes {stable_mosaic.version = 14 : i64} {
  func.func @gather_k(%arg0: i32, %arg1: i32, %arg2: memref<16384x64xf32, #tpu.memory_space<hbm>>, %arg3: memref<16384x16xf32, #tpu.memory_space<hbm>>, %arg4: memref<65536xi32, #tpu.memory_space<hbm>>, %arg5: memref<65536x64xf32, #tpu.memory_space<hbm>>, %arg6: memref<65536x16xf32, #tpu.memory_space<hbm>>, %arg7: memref<512xi32, #tpu.memory_space<vmem>>, %arg8: memref<512xi32, #tpu.memory_space<vmem>>, %arg9: memref<512x64xf32, #tpu.memory_space<vmem>>, %arg10: memref<512x64xf32, #tpu.memory_space<vmem>>, %arg11: memref<512x16xf32, #tpu.memory_space<vmem>>, %arg12: memref<512x16xf32, #tpu.memory_space<vmem>>, %arg13: memref<!tpu.dma_semaphore, #tpu.memory_space<semaphore_mem>>, %arg14: memref<!tpu.dma_semaphore, #tpu.memory_space<semaphore_mem>>, %arg15: memref<!tpu.dma_semaphore, #tpu.memory_space<semaphore_mem>>, %arg16: memref<!tpu.dma_semaphore, #tpu.memory_space<semaphore_mem>>, %arg17: memref<!tpu.dma_semaphore, #tpu.memory_space<semaphore_mem>>, %arg18: memref<!tpu.dma_semaphore, #tpu.memory_space<semaphore_mem>>, %arg19: memref<!tpu.dma_semaphore, #tpu.memory_space<semaphore_mem>>, %arg20: memref<!tpu.dma_semaphore, #tpu.memory_space<semaphore_mem>>) attributes {dimension_semantics = [#tpu.dimension_semantics<core_parallel>, #tpu.dimension_semantics<subcore_parallel>], iteration_bounds = array<i64: 2, 16>, scalar_prefetch = 0 : i64, scratch_operands = 14 : i64, tpu.core_type = #tpu.core_type<sc_vector_subcore>, window_params = [{transform_indices = #map}, {transform_indices = #map}, {transform_indices = #map1}, {transform_indices = #map}, {transform_indices = #map}]} {
    %mul3A = arith.constant 2 : i32
    %mul3A_0 = arith.muli %arg1, %mul3A : i32
    %add3A = arith.addi %mul3A_0, %arg0 : i32
    %mul3A_1 = arith.constant 4 : i32
    %mul3A_2 = arith.muli %add3A, %mul3A_1 : i32
    %add3A_3 = arith.constant 0 : i32
    %add3A_4 = arith.addi %mul3A_2, %add3A_3 : i32
    %mul3A_5 = arith.constant 512 : i32
    %mul3A_6 = arith.muli %add3A_4, %mul3A_5 : i32
    %dma_start3A = tpu.memref_slice %arg4[%mul3A_6] : memref<65536xi32, #tpu.memory_space<hbm>> -> memref<512xi32, #tpu.memory_space<hbm>>
    %dma_start3A_7 = tpu.memref_slice %arg4[%mul3A_6] : memref<65536xi32, #tpu.memory_space<hbm>> -> memref<512xi32, #tpu.memory_space<hbm>>
    tpu.enqueue_dma source(%dma_start3A_7 : memref<512xi32, #tpu.memory_space<hbm>>) target(%arg7 : memref<512xi32, #tpu.memory_space<vmem>>) target_semaphore(%arg13 : memref<!tpu.dma_semaphore, #tpu.memory_space<semaphore_mem>>)
    %dma_wait3A = tpu.memref_slice %arg4[%mul3A_6] : memref<65536xi32, #tpu.memory_space<hbm>> -> memref<512xi32, #tpu.memory_space<hbm>>
    %dma_wait3A_8 = tpu.memref_slice %arg4[%mul3A_6] : memref<65536xi32, #tpu.memory_space<hbm>> -> memref<512xi32, #tpu.memory_space<hbm>>
    tpu.wait_dma2 semaphore(%arg13 : memref<!tpu.dma_semaphore, #tpu.memory_space<semaphore_mem>>) src(%dma_wait3A_8 : memref<512xi32, #tpu.memory_space<hbm>>) dst(%arg7 : memref<512xi32, #tpu.memory_space<vmem>>)
    %dma_start3A_9 = arith.constant 0 : i32
    %dma_start3A_10 = arith.constant 0 : i32
    %dma_start3A_11 = tpu.memref_slice %arg2[%dma_start3A_9, %dma_start3A_10] : memref<16384x64xf32, #tpu.memory_space<hbm>> -> memref<16384x64xf32, #tpu.memory_space<hbm>>
    tpu.enqueue_indirect_dma source(%dma_start3A_11 : memref<16384x64xf32, #tpu.memory_space<hbm>>) target(%arg9 : memref<512x64xf32, #tpu.memory_space<vmem>>) offsets(%arg7 : memref<512xi32, #tpu.memory_space<vmem>>) semaphore(%arg15 : memref<!tpu.dma_semaphore, #tpu.memory_space<semaphore_mem>>)
    %dma_start3A_12 = arith.constant 0 : i32
    %dma_start3A_13 = arith.constant 0 : i32
    %dma_start3A_14 = tpu.memref_slice %arg3[%dma_start3A_12, %dma_start3A_13] : memref<16384x16xf32, #tpu.memory_space<hbm>> -> memref<16384x16xf32, #tpu.memory_space<hbm>>
    tpu.enqueue_indirect_dma source(%dma_start3A_14 : memref<16384x16xf32, #tpu.memory_space<hbm>>) target(%arg11 : memref<512x16xf32, #tpu.memory_space<vmem>>) offsets(%arg7 : memref<512xi32, #tpu.memory_space<vmem>>) semaphore(%arg17 : memref<!tpu.dma_semaphore, #tpu.memory_space<semaphore_mem>>)
    %mul3A_15 = arith.constant 4 : i32
    %mul3A_16 = arith.muli %add3A, %mul3A_15 : i32
    %add3A_17 = arith.constant 1 : i32
    %add3A_18 = arith.addi %mul3A_16, %add3A_17 : i32
    %mul3A_19 = arith.constant 512 : i32
    %mul3A_20 = arith.muli %add3A_18, %mul3A_19 : i32
    %dma_start3A_21 = tpu.memref_slice %arg4[%mul3A_20] : memref<65536xi32, #tpu.memory_space<hbm>> -> memref<512xi32, #tpu.memory_space<hbm>>
    %dma_start3A_22 = tpu.memref_slice %arg4[%mul3A_20] : memref<65536xi32, #tpu.memory_space<hbm>> -> memref<512xi32, #tpu.memory_space<hbm>>
    tpu.enqueue_dma source(%dma_start3A_22 : memref<512xi32, #tpu.memory_space<hbm>>) target(%arg8 : memref<512xi32, #tpu.memory_space<vmem>>) target_semaphore(%arg14 : memref<!tpu.dma_semaphore, #tpu.memory_space<semaphore_mem>>)
    %dma_wait3A_23 = tpu.memref_slice %arg4[%mul3A_20] : memref<65536xi32, #tpu.memory_space<hbm>> -> memref<512xi32, #tpu.memory_space<hbm>>
    %dma_wait3A_24 = tpu.memref_slice %arg4[%mul3A_20] : memref<65536xi32, #tpu.memory_space<hbm>> -> memref<512xi32, #tpu.memory_space<hbm>>
    tpu.wait_dma2 semaphore(%arg14 : memref<!tpu.dma_semaphore, #tpu.memory_space<semaphore_mem>>) src(%dma_wait3A_24 : memref<512xi32, #tpu.memory_space<hbm>>) dst(%arg8 : memref<512xi32, #tpu.memory_space<vmem>>)
    %dma_start3A_25 = arith.constant 0 : i32
    %dma_start3A_26 = arith.constant 0 : i32
    %dma_start3A_27 = tpu.memref_slice %arg2[%dma_start3A_25, %dma_start3A_26] : memref<16384x64xf32, #tpu.memory_space<hbm>> -> memref<16384x64xf32, #tpu.memory_space<hbm>>
    tpu.enqueue_indirect_dma source(%dma_start3A_27 : memref<16384x64xf32, #tpu.memory_space<hbm>>) target(%arg10 : memref<512x64xf32, #tpu.memory_space<vmem>>) offsets(%arg8 : memref<512xi32, #tpu.memory_space<vmem>>) semaphore(%arg16 : memref<!tpu.dma_semaphore, #tpu.memory_space<semaphore_mem>>)
    %dma_start3A_28 = arith.constant 0 : i32
    %dma_start3A_29 = arith.constant 0 : i32
    %dma_start3A_30 = tpu.memref_slice %arg3[%dma_start3A_28, %dma_start3A_29] : memref<16384x16xf32, #tpu.memory_space<hbm>> -> memref<16384x16xf32, #tpu.memory_space<hbm>>
    tpu.enqueue_indirect_dma source(%dma_start3A_30 : memref<16384x16xf32, #tpu.memory_space<hbm>>) target(%arg12 : memref<512x16xf32, #tpu.memory_space<vmem>>) offsets(%arg8 : memref<512xi32, #tpu.memory_space<vmem>>) semaphore(%arg18 : memref<!tpu.dma_semaphore, #tpu.memory_space<semaphore_mem>>)
    %mul3A_31 = arith.constant 4 : i32
    %mul3A_32 = arith.muli %add3A, %mul3A_31 : i32
    %add3A_33 = arith.constant 0 : i32
    %add3A_34 = arith.addi %mul3A_32, %add3A_33 : i32
    %mul3A_35 = arith.constant 512 : i32
    %mul3A_36 = arith.muli %add3A_34, %mul3A_35 : i32
    %dma_wait3A_37 = arith.constant 0 : i32
    %dma_wait3A_38 = arith.constant 0 : i32
    %dma_wait3A_39 = tpu.memref_slice %arg2[%dma_wait3A_37, %dma_wait3A_38] : memref<16384x64xf32, #tpu.memory_space<hbm>> -> memref<16384x64xf32, #tpu.memory_space<hbm>>
    tpu.wait_indirect_dma semaphore(%arg15 : memref<!tpu.dma_semaphore, #tpu.memory_space<semaphore_mem>>) src(%dma_wait3A_39 : memref<16384x64xf32, #tpu.memory_space<hbm>>) dst(%arg9 : memref<512x64xf32, #tpu.memory_space<vmem>>)
    %dma_wait3A_40 = arith.constant 0 : i32
    %dma_wait3A_41 = arith.constant 0 : i32
    %dma_wait3A_42 = tpu.memref_slice %arg3[%dma_wait3A_40, %dma_wait3A_41] : memref<16384x16xf32, #tpu.memory_space<hbm>> -> memref<16384x16xf32, #tpu.memory_space<hbm>>
    tpu.wait_indirect_dma semaphore(%arg17 : memref<!tpu.dma_semaphore, #tpu.memory_space<semaphore_mem>>) src(%dma_wait3A_42 : memref<16384x16xf32, #tpu.memory_space<hbm>>) dst(%arg11 : memref<512x16xf32, #tpu.memory_space<vmem>>)
    %dma_start3A_43 = arith.constant 0 : i32
    %dma_start3A_44 = tpu.memref_slice %arg5[%mul3A_36, %dma_start3A_43] : memref<65536x64xf32, #tpu.memory_space<hbm>> -> memref<512x64xf32, #tpu.memory_space<hbm>>
    %dma_start3A_45 = arith.constant 0 : i32
    %dma_start3A_46 = tpu.memref_slice %arg5[%mul3A_36, %dma_start3A_45] : memref<65536x64xf32, #tpu.memory_space<hbm>> -> memref<512x64xf32, #tpu.memory_space<hbm>>
    tpu.enqueue_dma source(%arg9 : memref<512x64xf32, #tpu.memory_space<vmem>>) target(%dma_start3A_46 : memref<512x64xf32, #tpu.memory_space<hbm>>) target_semaphore(%arg19 : memref<!tpu.dma_semaphore, #tpu.memory_space<semaphore_mem>>)
    %dma_start3A_47 = arith.constant 0 : i32
    %dma_start3A_48 = tpu.memref_slice %arg6[%mul3A_36, %dma_start3A_47] : memref<65536x16xf32, #tpu.memory_space<hbm>> -> memref<512x16xf32, #tpu.memory_space<hbm>>
    %dma_start3A_49 = arith.constant 0 : i32
    %dma_start3A_50 = tpu.memref_slice %arg6[%mul3A_36, %dma_start3A_49] : memref<65536x16xf32, #tpu.memory_space<hbm>> -> memref<512x16xf32, #tpu.memory_space<hbm>>
    tpu.enqueue_dma source(%arg11 : memref<512x16xf32, #tpu.memory_space<vmem>>) target(%dma_start3A_50 : memref<512x16xf32, #tpu.memory_space<hbm>>) target_semaphore(%arg19 : memref<!tpu.dma_semaphore, #tpu.memory_space<semaphore_mem>>)
    %mul3A_51 = arith.constant 4 : i32
    %mul3A_52 = arith.muli %add3A, %mul3A_51 : i32
    %add3A_53 = arith.constant 0 : i32
    %add3A_54 = arith.addi %mul3A_52, %add3A_53 : i32
    %mul3A_55 = arith.constant 512 : i32
    %mul3A_56 = arith.muli %add3A_54, %mul3A_55 : i32
    %dma_wait3A_57 = arith.constant 0 : i32
    %dma_wait3A_58 = tpu.memref_slice %arg5[%mul3A_56, %dma_wait3A_57] : memref<65536x64xf32, #tpu.memory_space<hbm>> -> memref<512x64xf32, #tpu.memory_space<hbm>>
    %dma_wait3A_59 = arith.constant 0 : i32
    %dma_wait3A_60 = tpu.memref_slice %arg5[%mul3A_56, %dma_wait3A_59] : memref<65536x64xf32, #tpu.memory_space<hbm>> -> memref<512x64xf32, #tpu.memory_space<hbm>>
    tpu.wait_dma2 semaphore(%arg19 : memref<!tpu.dma_semaphore, #tpu.memory_space<semaphore_mem>>) src(%arg9 : memref<512x64xf32, #tpu.memory_space<vmem>>) dst(%dma_wait3A_60 : memref<512x64xf32, #tpu.memory_space<hbm>>)
    %dma_wait3A_61 = arith.constant 0 : i32
    %dma_wait3A_62 = tpu.memref_slice %arg6[%mul3A_56, %dma_wait3A_61] : memref<65536x16xf32, #tpu.memory_space<hbm>> -> memref<512x16xf32, #tpu.memory_space<hbm>>
    %dma_wait3A_63 = arith.constant 0 : i32
    %dma_wait3A_64 = tpu.memref_slice %arg6[%mul3A_56, %dma_wait3A_63] : memref<65536x16xf32, #tpu.memory_space<hbm>> -> memref<512x16xf32, #tpu.memory_space<hbm>>
    tpu.wait_dma2 semaphore(%arg19 : memref<!tpu.dma_semaphore, #tpu.memory_space<semaphore_mem>>) src(%arg11 : memref<512x16xf32, #tpu.memory_space<vmem>>) dst(%dma_wait3A_64 : memref<512x16xf32, #tpu.memory_space<hbm>>)
    %mul3A_65 = arith.constant 4 : i32
    %mul3A_66 = arith.muli %add3A, %mul3A_65 : i32
    %add3A_67 = arith.constant 2 : i32
    %add3A_68 = arith.addi %mul3A_66, %add3A_67 : i32
    %mul3A_69 = arith.constant 512 : i32
    %mul3A_70 = arith.muli %add3A_68, %mul3A_69 : i32
    %dma_start3A_71 = tpu.memref_slice %arg4[%mul3A_70] : memref<65536xi32, #tpu.memory_space<hbm>> -> memref<512xi32, #tpu.memory_space<hbm>>
    %dma_start3A_72 = tpu.memref_slice %arg4[%mul3A_70] : memref<65536xi32, #tpu.memory_space<hbm>> -> memref<512xi32, #tpu.memory_space<hbm>>
    tpu.enqueue_dma source(%dma_start3A_72 : memref<512xi32, #tpu.memory_space<hbm>>) target(%arg7 : memref<512xi32, #tpu.memory_space<vmem>>) target_semaphore(%arg13 : memref<!tpu.dma_semaphore, #tpu.memory_space<semaphore_mem>>)
    %dma_wait3A_73 = tpu.memref_slice %arg4[%mul3A_70] : memref<65536xi32, #tpu.memory_space<hbm>> -> memref<512xi32, #tpu.memory_space<hbm>>
    %dma_wait3A_74 = tpu.memref_slice %arg4[%mul3A_70] : memref<65536xi32, #tpu.memory_space<hbm>> -> memref<512xi32, #tpu.memory_space<hbm>>
    tpu.wait_dma2 semaphore(%arg13 : memref<!tpu.dma_semaphore, #tpu.memory_space<semaphore_mem>>) src(%dma_wait3A_74 : memref<512xi32, #tpu.memory_space<hbm>>) dst(%arg7 : memref<512xi32, #tpu.memory_space<vmem>>)
    %dma_start3A_75 = arith.constant 0 : i32
    %dma_start3A_76 = arith.constant 0 : i32
    %dma_start3A_77 = tpu.memref_slice %arg2[%dma_start3A_75, %dma_start3A_76] : memref<16384x64xf32, #tpu.memory_space<hbm>> -> memref<16384x64xf32, #tpu.memory_space<hbm>>
    tpu.enqueue_indirect_dma source(%dma_start3A_77 : memref<16384x64xf32, #tpu.memory_space<hbm>>) target(%arg9 : memref<512x64xf32, #tpu.memory_space<vmem>>) offsets(%arg7 : memref<512xi32, #tpu.memory_space<vmem>>) semaphore(%arg15 : memref<!tpu.dma_semaphore, #tpu.memory_space<semaphore_mem>>)
    %dma_start3A_78 = arith.constant 0 : i32
    %dma_start3A_79 = arith.constant 0 : i32
    %dma_start3A_80 = tpu.memref_slice %arg3[%dma_start3A_78, %dma_start3A_79] : memref<16384x16xf32, #tpu.memory_space<hbm>> -> memref<16384x16xf32, #tpu.memory_space<hbm>>
    tpu.enqueue_indirect_dma source(%dma_start3A_80 : memref<16384x16xf32, #tpu.memory_space<hbm>>) target(%arg11 : memref<512x16xf32, #tpu.memory_space<vmem>>) offsets(%arg7 : memref<512xi32, #tpu.memory_space<vmem>>) semaphore(%arg17 : memref<!tpu.dma_semaphore, #tpu.memory_space<semaphore_mem>>)
    %mul3A_81 = arith.constant 4 : i32
    %mul3A_82 = arith.muli %add3A, %mul3A_81 : i32
    %add3A_83 = arith.constant 1 : i32
    %add3A_84 = arith.addi %mul3A_82, %add3A_83 : i32
    %mul3A_85 = arith.constant 512 : i32
    %mul3A_86 = arith.muli %add3A_84, %mul3A_85 : i32
    %dma_wait3A_87 = arith.constant 0 : i32
    %dma_wait3A_88 = arith.constant 0 : i32
    %dma_wait3A_89 = tpu.memref_slice %arg2[%dma_wait3A_87, %dma_wait3A_88] : memref<16384x64xf32, #tpu.memory_space<hbm>> -> memref<16384x64xf32, #tpu.memory_space<hbm>>
    tpu.wait_indirect_dma semaphore(%arg16 : memref<!tpu.dma_semaphore, #tpu.memory_space<semaphore_mem>>) src(%dma_wait3A_89 : memref<16384x64xf32, #tpu.memory_space<hbm>>) dst(%arg10 : memref<512x64xf32, #tpu.memory_space<vmem>>)
    %dma_wait3A_90 = arith.constant 0 : i32
    %dma_wait3A_91 = arith.constant 0 : i32
    %dma_wait3A_92 = tpu.memref_slice %arg3[%dma_wait3A_90, %dma_wait3A_91] : memref<16384x16xf32, #tpu.memory_space<hbm>> -> memref<16384x16xf32, #tpu.memory_space<hbm>>
    tpu.wait_indirect_dma semaphore(%arg18 : memref<!tpu.dma_semaphore, #tpu.memory_space<semaphore_mem>>) src(%dma_wait3A_92 : memref<16384x16xf32, #tpu.memory_space<hbm>>) dst(%arg12 : memref<512x16xf32, #tpu.memory_space<vmem>>)
    %dma_start3A_93 = arith.constant 0 : i32
    %dma_start3A_94 = tpu.memref_slice %arg5[%mul3A_86, %dma_start3A_93] : memref<65536x64xf32, #tpu.memory_space<hbm>> -> memref<512x64xf32, #tpu.memory_space<hbm>>
    %dma_start3A_95 = arith.constant 0 : i32
    %dma_start3A_96 = tpu.memref_slice %arg5[%mul3A_86, %dma_start3A_95] : memref<65536x64xf32, #tpu.memory_space<hbm>> -> memref<512x64xf32, #tpu.memory_space<hbm>>
    tpu.enqueue_dma source(%arg10 : memref<512x64xf32, #tpu.memory_space<vmem>>) target(%dma_start3A_96 : memref<512x64xf32, #tpu.memory_space<hbm>>) target_semaphore(%arg20 : memref<!tpu.dma_semaphore, #tpu.memory_space<semaphore_mem>>)
    %dma_start3A_97 = arith.constant 0 : i32
    %dma_start3A_98 = tpu.memref_slice %arg6[%mul3A_86, %dma_start3A_97] : memref<65536x16xf32, #tpu.memory_space<hbm>> -> memref<512x16xf32, #tpu.memory_space<hbm>>
    %dma_start3A_99 = arith.constant 0 : i32
    %dma_start3A_100 = tpu.memref_slice %arg6[%mul3A_86, %dma_start3A_99] : memref<65536x16xf32, #tpu.memory_space<hbm>> -> memref<512x16xf32, #tpu.memory_space<hbm>>
    tpu.enqueue_dma source(%arg12 : memref<512x16xf32, #tpu.memory_space<vmem>>) target(%dma_start3A_100 : memref<512x16xf32, #tpu.memory_space<hbm>>) target_semaphore(%arg20 : memref<!tpu.dma_semaphore, #tpu.memory_space<semaphore_mem>>)
    %mul3A_101 = arith.constant 4 : i32
    %mul3A_102 = arith.muli %add3A, %mul3A_101 : i32
    %add3A_103 = arith.constant 1 : i32
    %add3A_104 = arith.addi %mul3A_102, %add3A_103 : i32
    %mul3A_105 = arith.constant 512 : i32
    %mul3A_106 = arith.muli %add3A_104, %mul3A_105 : i32
    %dma_wait3A_107 = arith.constant 0 : i32
    %dma_wait3A_108 = tpu.memref_slice %arg5[%mul3A_106, %dma_wait3A_107] : memref<65536x64xf32, #tpu.memory_space<hbm>> -> memref<512x64xf32, #tpu.memory_space<hbm>>
    %dma_wait3A_109 = arith.constant 0 : i32
    %dma_wait3A_110 = tpu.memref_slice %arg5[%mul3A_106, %dma_wait3A_109] : memref<65536x64xf32, #tpu.memory_space<hbm>> -> memref<512x64xf32, #tpu.memory_space<hbm>>
    tpu.wait_dma2 semaphore(%arg20 : memref<!tpu.dma_semaphore, #tpu.memory_space<semaphore_mem>>) src(%arg10 : memref<512x64xf32, #tpu.memory_space<vmem>>) dst(%dma_wait3A_110 : memref<512x64xf32, #tpu.memory_space<hbm>>)
    %dma_wait3A_111 = arith.constant 0 : i32
    %dma_wait3A_112 = tpu.memref_slice %arg6[%mul3A_106, %dma_wait3A_111] : memref<65536x16xf32, #tpu.memory_space<hbm>> -> memref<512x16xf32, #tpu.memory_space<hbm>>
    %dma_wait3A_113 = arith.constant 0 : i32
    %dma_wait3A_114 = tpu.memref_slice %arg6[%mul3A_106, %dma_wait3A_113] : memref<65536x16xf32, #tpu.memory_space<hbm>> -> memref<512x16xf32, #tpu.memory_space<hbm>>
    tpu.wait_dma2 semaphore(%arg20 : memref<!tpu.dma_semaphore, #tpu.memory_space<semaphore_mem>>) src(%arg12 : memref<512x16xf32, #tpu.memory_space<vmem>>) dst(%dma_wait3A_114 : memref<512x16xf32, #tpu.memory_space<hbm>>)
    %mul3A_115 = arith.constant 4 : i32
    %mul3A_116 = arith.muli %add3A, %mul3A_115 : i32
    %add3A_117 = arith.constant 3 : i32
    %add3A_118 = arith.addi %mul3A_116, %add3A_117 : i32
    %mul3A_119 = arith.constant 512 : i32
    %mul3A_120 = arith.muli %add3A_118, %mul3A_119 : i32
    %dma_start3A_121 = tpu.memref_slice %arg4[%mul3A_120] : memref<65536xi32, #tpu.memory_space<hbm>> -> memref<512xi32, #tpu.memory_space<hbm>>
    %dma_start3A_122 = tpu.memref_slice %arg4[%mul3A_120] : memref<65536xi32, #tpu.memory_space<hbm>> -> memref<512xi32, #tpu.memory_space<hbm>>
    tpu.enqueue_dma source(%dma_start3A_122 : memref<512xi32, #tpu.memory_space<hbm>>) target(%arg8 : memref<512xi32, #tpu.memory_space<vmem>>) target_semaphore(%arg14 : memref<!tpu.dma_semaphore, #tpu.memory_space<semaphore_mem>>)
    %dma_wait3A_123 = tpu.memref_slice %arg4[%mul3A_120] : memref<65536xi32, #tpu.memory_space<hbm>> -> memref<512xi32, #tpu.memory_space<hbm>>
    %dma_wait3A_124 = tpu.memref_slice %arg4[%mul3A_120] : memref<65536xi32, #tpu.memory_space<hbm>> -> memref<512xi32, #tpu.memory_space<hbm>>
    tpu.wait_dma2 semaphore(%arg14 : memref<!tpu.dma_semaphore, #tpu.memory_space<semaphore_mem>>) src(%dma_wait3A_124 : memref<512xi32, #tpu.memory_space<hbm>>) dst(%arg8 : memref<512xi32, #tpu.memory_space<vmem>>)
    %dma_start3A_125 = arith.constant 0 : i32
    %dma_start3A_126 = arith.constant 0 : i32
    %dma_start3A_127 = tpu.memref_slice %arg2[%dma_start3A_125, %dma_start3A_126] : memref<16384x64xf32, #tpu.memory_space<hbm>> -> memref<16384x64xf32, #tpu.memory_space<hbm>>
    tpu.enqueue_indirect_dma source(%dma_start3A_127 : memref<16384x64xf32, #tpu.memory_space<hbm>>) target(%arg10 : memref<512x64xf32, #tpu.memory_space<vmem>>) offsets(%arg8 : memref<512xi32, #tpu.memory_space<vmem>>) semaphore(%arg16 : memref<!tpu.dma_semaphore, #tpu.memory_space<semaphore_mem>>)
    %dma_start3A_128 = arith.constant 0 : i32
    %dma_start3A_129 = arith.constant 0 : i32
    %dma_start3A_130 = tpu.memref_slice %arg3[%dma_start3A_128, %dma_start3A_129] : memref<16384x16xf32, #tpu.memory_space<hbm>> -> memref<16384x16xf32, #tpu.memory_space<hbm>>
    tpu.enqueue_indirect_dma source(%dma_start3A_130 : memref<16384x16xf32, #tpu.memory_space<hbm>>) target(%arg12 : memref<512x16xf32, #tpu.memory_space<vmem>>) offsets(%arg8 : memref<512xi32, #tpu.memory_space<vmem>>) semaphore(%arg18 : memref<!tpu.dma_semaphore, #tpu.memory_space<semaphore_mem>>)
    %mul3A_131 = arith.constant 4 : i32
    %mul3A_132 = arith.muli %add3A, %mul3A_131 : i32
    %add3A_133 = arith.constant 2 : i32
    %add3A_134 = arith.addi %mul3A_132, %add3A_133 : i32
    %mul3A_135 = arith.constant 512 : i32
    %mul3A_136 = arith.muli %add3A_134, %mul3A_135 : i32
    %dma_wait3A_137 = arith.constant 0 : i32
    %dma_wait3A_138 = arith.constant 0 : i32
    %dma_wait3A_139 = tpu.memref_slice %arg2[%dma_wait3A_137, %dma_wait3A_138] : memref<16384x64xf32, #tpu.memory_space<hbm>> -> memref<16384x64xf32, #tpu.memory_space<hbm>>
    tpu.wait_indirect_dma semaphore(%arg15 : memref<!tpu.dma_semaphore, #tpu.memory_space<semaphore_mem>>) src(%dma_wait3A_139 : memref<16384x64xf32, #tpu.memory_space<hbm>>) dst(%arg9 : memref<512x64xf32, #tpu.memory_space<vmem>>)
    %dma_wait3A_140 = arith.constant 0 : i32
    %dma_wait3A_141 = arith.constant 0 : i32
    %dma_wait3A_142 = tpu.memref_slice %arg3[%dma_wait3A_140, %dma_wait3A_141] : memref<16384x16xf32, #tpu.memory_space<hbm>> -> memref<16384x16xf32, #tpu.memory_space<hbm>>
    tpu.wait_indirect_dma semaphore(%arg17 : memref<!tpu.dma_semaphore, #tpu.memory_space<semaphore_mem>>) src(%dma_wait3A_142 : memref<16384x16xf32, #tpu.memory_space<hbm>>) dst(%arg11 : memref<512x16xf32, #tpu.memory_space<vmem>>)
    %dma_start3A_143 = arith.constant 0 : i32
    %dma_start3A_144 = tpu.memref_slice %arg5[%mul3A_136, %dma_start3A_143] : memref<65536x64xf32, #tpu.memory_space<hbm>> -> memref<512x64xf32, #tpu.memory_space<hbm>>
    %dma_start3A_145 = arith.constant 0 : i32
    %dma_start3A_146 = tpu.memref_slice %arg5[%mul3A_136, %dma_start3A_145] : memref<65536x64xf32, #tpu.memory_space<hbm>> -> memref<512x64xf32, #tpu.memory_space<hbm>>
    tpu.enqueue_dma source(%arg9 : memref<512x64xf32, #tpu.memory_space<vmem>>) target(%dma_start3A_146 : memref<512x64xf32, #tpu.memory_space<hbm>>) target_semaphore(%arg19 : memref<!tpu.dma_semaphore, #tpu.memory_space<semaphore_mem>>)
    %dma_start3A_147 = arith.constant 0 : i32
    %dma_start3A_148 = tpu.memref_slice %arg6[%mul3A_136, %dma_start3A_147] : memref<65536x16xf32, #tpu.memory_space<hbm>> -> memref<512x16xf32, #tpu.memory_space<hbm>>
    %dma_start3A_149 = arith.constant 0 : i32
    %dma_start3A_150 = tpu.memref_slice %arg6[%mul3A_136, %dma_start3A_149] : memref<65536x16xf32, #tpu.memory_space<hbm>> -> memref<512x16xf32, #tpu.memory_space<hbm>>
    tpu.enqueue_dma source(%arg11 : memref<512x16xf32, #tpu.memory_space<vmem>>) target(%dma_start3A_150 : memref<512x16xf32, #tpu.memory_space<hbm>>) target_semaphore(%arg19 : memref<!tpu.dma_semaphore, #tpu.memory_space<semaphore_mem>>)
    %mul3A_151 = arith.constant 4 : i32
    %mul3A_152 = arith.muli %add3A, %mul3A_151 : i32
    %add3A_153 = arith.constant 2 : i32
    %add3A_154 = arith.addi %mul3A_152, %add3A_153 : i32
    %mul3A_155 = arith.constant 512 : i32
    %mul3A_156 = arith.muli %add3A_154, %mul3A_155 : i32
    %dma_wait3A_157 = arith.constant 0 : i32
    %dma_wait3A_158 = tpu.memref_slice %arg5[%mul3A_156, %dma_wait3A_157] : memref<65536x64xf32, #tpu.memory_space<hbm>> -> memref<512x64xf32, #tpu.memory_space<hbm>>
    %dma_wait3A_159 = arith.constant 0 : i32
    %dma_wait3A_160 = tpu.memref_slice %arg5[%mul3A_156, %dma_wait3A_159] : memref<65536x64xf32, #tpu.memory_space<hbm>> -> memref<512x64xf32, #tpu.memory_space<hbm>>
    tpu.wait_dma2 semaphore(%arg19 : memref<!tpu.dma_semaphore, #tpu.memory_space<semaphore_mem>>) src(%arg9 : memref<512x64xf32, #tpu.memory_space<vmem>>) dst(%dma_wait3A_160 : memref<512x64xf32, #tpu.memory_space<hbm>>)
    %dma_wait3A_161 = arith.constant 0 : i32
    %dma_wait3A_162 = tpu.memref_slice %arg6[%mul3A_156, %dma_wait3A_161] : memref<65536x16xf32, #tpu.memory_space<hbm>> -> memref<512x16xf32, #tpu.memory_space<hbm>>
    %dma_wait3A_163 = arith.constant 0 : i32
    %dma_wait3A_164 = tpu.memref_slice %arg6[%mul3A_156, %dma_wait3A_163] : memref<65536x16xf32, #tpu.memory_space<hbm>> -> memref<512x16xf32, #tpu.memory_space<hbm>>
    tpu.wait_dma2 semaphore(%arg19 : memref<!tpu.dma_semaphore, #tpu.memory_space<semaphore_mem>>) src(%arg11 : memref<512x16xf32, #tpu.memory_space<vmem>>) dst(%dma_wait3A_164 : memref<512x16xf32, #tpu.memory_space<hbm>>)
    %mul3A_165 = arith.constant 4 : i32
    %mul3A_166 = arith.muli %add3A, %mul3A_165 : i32
    %add3A_167 = arith.constant 3 : i32
    %add3A_168 = arith.addi %mul3A_166, %add3A_167 : i32
    %mul3A_169 = arith.constant 512 : i32
    %mul3A_170 = arith.muli %add3A_168, %mul3A_169 : i32
    %dma_wait3A_171 = arith.constant 0 : i32
    %dma_wait3A_172 = arith.constant 0 : i32
    %dma_wait3A_173 = tpu.memref_slice %arg2[%dma_wait3A_171, %dma_wait3A_172] : memref<16384x64xf32, #tpu.memory_space<hbm>> -> memref<16384x64xf32, #tpu.memory_space<hbm>>
    tpu.wait_indirect_dma semaphore(%arg16 : memref<!tpu.dma_semaphore, #tpu.memory_space<semaphore_mem>>) src(%dma_wait3A_173 : memref<16384x64xf32, #tpu.memory_space<hbm>>) dst(%arg10 : memref<512x64xf32, #tpu.memory_space<vmem>>)
    %dma_wait3A_174 = arith.constant 0 : i32
    %dma_wait3A_175 = arith.constant 0 : i32
    %dma_wait3A_176 = tpu.memref_slice %arg3[%dma_wait3A_174, %dma_wait3A_175] : memref<16384x16xf32, #tpu.memory_space<hbm>> -> memref<16384x16xf32, #tpu.memory_space<hbm>>
    tpu.wait_indirect_dma semaphore(%arg18 : memref<!tpu.dma_semaphore, #tpu.memory_space<semaphore_mem>>) src(%dma_wait3A_176 : memref<16384x16xf32, #tpu.memory_space<hbm>>) dst(%arg12 : memref<512x16xf32, #tpu.memory_space<vmem>>)
    %dma_start3A_177 = arith.constant 0 : i32
    %dma_start3A_178 = tpu.memref_slice %arg5[%mul3A_170, %dma_start3A_177] : memref<65536x64xf32, #tpu.memory_space<hbm>> -> memref<512x64xf32, #tpu.memory_space<hbm>>
    %dma_start3A_179 = arith.constant 0 : i32
    %dma_start3A_180 = tpu.memref_slice %arg5[%mul3A_170, %dma_start3A_179] : memref<65536x64xf32, #tpu.memory_space<hbm>> -> memref<512x64xf32, #tpu.memory_space<hbm>>
    tpu.enqueue_dma source(%arg10 : memref<512x64xf32, #tpu.memory_space<vmem>>) target(%dma_start3A_180 : memref<512x64xf32, #tpu.memory_space<hbm>>) target_semaphore(%arg20 : memref<!tpu.dma_semaphore, #tpu.memory_space<semaphore_mem>>)
    %dma_start3A_181 = arith.constant 0 : i32
    %dma_start3A_182 = tpu.memref_slice %arg6[%mul3A_170, %dma_start3A_181] : memref<65536x16xf32, #tpu.memory_space<hbm>> -> memref<512x16xf32, #tpu.memory_space<hbm>>
    %dma_start3A_183 = arith.constant 0 : i32
    %dma_start3A_184 = tpu.memref_slice %arg6[%mul3A_170, %dma_start3A_183] : memref<65536x16xf32, #tpu.memory_space<hbm>> -> memref<512x16xf32, #tpu.memory_space<hbm>>
    tpu.enqueue_dma source(%arg12 : memref<512x16xf32, #tpu.memory_space<vmem>>) target(%dma_start3A_184 : memref<512x16xf32, #tpu.memory_space<hbm>>) target_semaphore(%arg20 : memref<!tpu.dma_semaphore, #tpu.memory_space<semaphore_mem>>)
    %mul3A_185 = arith.constant 4 : i32
    %mul3A_186 = arith.muli %add3A, %mul3A_185 : i32
    %add3A_187 = arith.constant 3 : i32
    %add3A_188 = arith.addi %mul3A_186, %add3A_187 : i32
    %mul3A_189 = arith.constant 512 : i32
    %mul3A_190 = arith.muli %add3A_188, %mul3A_189 : i32
    %dma_wait3A_191 = arith.constant 0 : i32
    %dma_wait3A_192 = tpu.memref_slice %arg5[%mul3A_190, %dma_wait3A_191] : memref<65536x64xf32, #tpu.memory_space<hbm>> -> memref<512x64xf32, #tpu.memory_space<hbm>>
    %dma_wait3A_193 = arith.constant 0 : i32
    %dma_wait3A_194 = tpu.memref_slice %arg5[%mul3A_190, %dma_wait3A_193] : memref<65536x64xf32, #tpu.memory_space<hbm>> -> memref<512x64xf32, #tpu.memory_space<hbm>>
    tpu.wait_dma2 semaphore(%arg20 : memref<!tpu.dma_semaphore, #tpu.memory_space<semaphore_mem>>) src(%arg10 : memref<512x64xf32, #tpu.memory_space<vmem>>) dst(%dma_wait3A_194 : memref<512x64xf32, #tpu.memory_space<hbm>>)
    %dma_wait3A_195 = arith.constant 0 : i32
    %dma_wait3A_196 = tpu.memref_slice %arg6[%mul3A_190, %dma_wait3A_195] : memref<65536x16xf32, #tpu.memory_space<hbm>> -> memref<512x16xf32, #tpu.memory_space<hbm>>
    %dma_wait3A_197 = arith.constant 0 : i32
    %dma_wait3A_198 = tpu.memref_slice %arg6[%mul3A_190, %dma_wait3A_197] : memref<65536x16xf32, #tpu.memory_space<hbm>> -> memref<512x16xf32, #tpu.memory_space<hbm>>
    tpu.wait_dma2 semaphore(%arg20 : memref<!tpu.dma_semaphore, #tpu.memory_space<semaphore_mem>>) src(%arg12 : memref<512x16xf32, #tpu.memory_space<vmem>>) dst(%dma_wait3A_198 : memref<512x16xf32, #tpu.memory_space<hbm>>)
    return
  }
}

#map = affine_map<(d0, d1) -> (0, 0)>
#map1 = affine_map<(d0, d1) -> (0)>
module attributes {stable_mosaic.version = 14 : i64} {
  func.func @gather_k(%arg0: i32, %arg1: i32, %arg2: memref<16384x64xf32, #tpu.memory_space<hbm>>, %arg3: memref<16384x16xf32, #tpu.memory_space<hbm>>, %arg4: memref<65536xi32, #tpu.memory_space<hbm>>, %arg5: memref<65536x64xf32, #tpu.memory_space<hbm>>, %arg6: memref<65536x16xf32, #tpu.memory_space<hbm>>, %arg7: memref<512xi32, #tpu.memory_space<vmem>>, %arg8: memref<512xi32, #tpu.memory_space<vmem>>, %arg9: memref<512x64xf32, #tpu.memory_space<vmem>>, %arg10: memref<512x64xf32, #tpu.memory_space<vmem>>, %arg11: memref<512x16xf32, #tpu.memory_space<vmem>>, %arg12: memref<512x16xf32, #tpu.memory_space<vmem>>, %arg13: memref<!tpu.dma_semaphore, #tpu.memory_space<semaphore_mem>>, %arg14: memref<!tpu.dma_semaphore, #tpu.memory_space<semaphore_mem>>, %arg15: memref<!tpu.dma_semaphore, #tpu.memory_space<semaphore_mem>>, %arg16: memref<!tpu.dma_semaphore, #tpu.memory_space<semaphore_mem>>, %arg17: memref<!tpu.dma_semaphore, #tpu.memory_space<semaphore_mem>>, %arg18: memref<!tpu.dma_semaphore, #tpu.memory_space<semaphore_mem>>, %arg19: memref<!tpu.dma_semaphore, #tpu.memory_space<semaphore_mem>>, %arg20: memref<!tpu.dma_semaphore, #tpu.memory_space<semaphore_mem>>) attributes {dimension_semantics = [#tpu.dimension_semantics<core_parallel>, #tpu.dimension_semantics<subcore_parallel>], iteration_bounds = array<i64: 2, 16>, scalar_prefetch = 0 : i64, scratch_operands = 14 : i64, tpu.core_type = #tpu.core_type<sc_vector_subcore>, window_params = [{transform_indices = #map}, {transform_indices = #map}, {transform_indices = #map1}, {transform_indices = #map}, {transform_indices = #map}]} {
    %mul3A = arith.constant 2 : i32
    %mul3A_0 = arith.muli %arg1, %mul3A : i32
    %add3A = arith.addi %mul3A_0, %arg0 : i32
    %mul3A_1 = arith.constant 4 : i32
    %mul3A_2 = arith.muli %add3A, %mul3A_1 : i32
    %add3A_3 = arith.constant 0 : i32
    %add3A_4 = arith.addi %mul3A_2, %add3A_3 : i32
    %mul3A_5 = arith.constant 512 : i32
    %mul3A_6 = arith.muli %add3A_4, %mul3A_5 : i32
    %dma_start3A = tpu.memref_slice %arg4[%mul3A_6] : memref<65536xi32, #tpu.memory_space<hbm>> -> memref<512xi32, #tpu.memory_space<hbm>>
    %dma_start3A_7 = tpu.memref_slice %arg4[%mul3A_6] : memref<65536xi32, #tpu.memory_space<hbm>> -> memref<512xi32, #tpu.memory_space<hbm>>
    tpu.enqueue_dma source(%dma_start3A_7 : memref<512xi32, #tpu.memory_space<hbm>>) target(%arg7 : memref<512xi32, #tpu.memory_space<vmem>>) target_semaphore(%arg13 : memref<!tpu.dma_semaphore, #tpu.memory_space<semaphore_mem>>)
    %dma_wait3A = tpu.memref_slice %arg4[%mul3A_6] : memref<65536xi32, #tpu.memory_space<hbm>> -> memref<512xi32, #tpu.memory_space<hbm>>
    %dma_wait3A_8 = tpu.memref_slice %arg4[%mul3A_6] : memref<65536xi32, #tpu.memory_space<hbm>> -> memref<512xi32, #tpu.memory_space<hbm>>
    tpu.wait_dma2 semaphore(%arg13 : memref<!tpu.dma_semaphore, #tpu.memory_space<semaphore_mem>>) src(%dma_wait3A_8 : memref<512xi32, #tpu.memory_space<hbm>>) dst(%arg7 : memref<512xi32, #tpu.memory_space<vmem>>)
    %dma_start3A_9 = arith.constant 0 : i32
    %dma_start3A_10 = arith.constant 0 : i32
    %dma_start3A_11 = tpu.memref_slice %arg2[%dma_start3A_9, %dma_start3A_10] : memref<16384x64xf32, #tpu.memory_space<hbm>> -> memref<16384x64xf32, #tpu.memory_space<hbm>>
    tpu.enqueue_indirect_dma source(%dma_start3A_11 : memref<16384x64xf32, #tpu.memory_space<hbm>>) target(%arg9 : memref<512x64xf32, #tpu.memory_space<vmem>>) offsets(%arg7 : memref<512xi32, #tpu.memory_space<vmem>>) semaphore(%arg15 : memref<!tpu.dma_semaphore, #tpu.memory_space<semaphore_mem>>)
    %dma_start3A_12 = arith.constant 0 : i32
    %dma_start3A_13 = arith.constant 0 : i32
    %dma_start3A_14 = tpu.memref_slice %arg3[%dma_start3A_12, %dma_start3A_13] : memref<16384x16xf32, #tpu.memory_space<hbm>> -> memref<16384x16xf32, #tpu.memory_space<hbm>>
    tpu.enqueue_indirect_dma source(%dma_start3A_14 : memref<16384x16xf32, #tpu.memory_space<hbm>>) target(%arg11 : memref<512x16xf32, #tpu.memory_space<vmem>>) offsets(%arg7 : memref<512xi32, #tpu.memory_space<vmem>>) semaphore(%arg17 : memref<!tpu.dma_semaphore, #tpu.memory_space<semaphore_mem>>)
    %mul3A_15 = arith.constant 4 : i32
    %mul3A_16 = arith.muli %add3A, %mul3A_15 : i32
    %add3A_17 = arith.constant 1 : i32
    %add3A_18 = arith.addi %mul3A_16, %add3A_17 : i32
    %mul3A_19 = arith.constant 512 : i32
    %mul3A_20 = arith.muli %add3A_18, %mul3A_19 : i32
    %dma_start3A_21 = tpu.memref_slice %arg4[%mul3A_20] : memref<65536xi32, #tpu.memory_space<hbm>> -> memref<512xi32, #tpu.memory_space<hbm>>
    %dma_start3A_22 = tpu.memref_slice %arg4[%mul3A_20] : memref<65536xi32, #tpu.memory_space<hbm>> -> memref<512xi32, #tpu.memory_space<hbm>>
    tpu.enqueue_dma source(%dma_start3A_22 : memref<512xi32, #tpu.memory_space<hbm>>) target(%arg8 : memref<512xi32, #tpu.memory_space<vmem>>) target_semaphore(%arg14 : memref<!tpu.dma_semaphore, #tpu.memory_space<semaphore_mem>>)
    %dma_wait3A_23 = tpu.memref_slice %arg4[%mul3A_20] : memref<65536xi32, #tpu.memory_space<hbm>> -> memref<512xi32, #tpu.memory_space<hbm>>
    %dma_wait3A_24 = tpu.memref_slice %arg4[%mul3A_20] : memref<65536xi32, #tpu.memory_space<hbm>> -> memref<512xi32, #tpu.memory_space<hbm>>
    tpu.wait_dma2 semaphore(%arg14 : memref<!tpu.dma_semaphore, #tpu.memory_space<semaphore_mem>>) src(%dma_wait3A_24 : memref<512xi32, #tpu.memory_space<hbm>>) dst(%arg8 : memref<512xi32, #tpu.memory_space<vmem>>)
    %dma_start3A_25 = arith.constant 0 : i32
    %dma_start3A_26 = arith.constant 0 : i32
    %dma_start3A_27 = tpu.memref_slice %arg2[%dma_start3A_25, %dma_start3A_26] : memref<16384x64xf32, #tpu.memory_space<hbm>> -> memref<16384x64xf32, #tpu.memory_space<hbm>>
    tpu.enqueue_indirect_dma source(%dma_start3A_27 : memref<16384x64xf32, #tpu.memory_space<hbm>>) target(%arg10 : memref<512x64xf32, #tpu.memory_space<vmem>>) offsets(%arg8 : memref<512xi32, #tpu.memory_space<vmem>>) semaphore(%arg16 : memref<!tpu.dma_semaphore, #tpu.memory_space<semaphore_mem>>)
    %dma_start3A_28 = arith.constant 0 : i32
    %dma_start3A_29 = arith.constant 0 : i32
    %dma_start3A_30 = tpu.memref_slice %arg3[%dma_start3A_28, %dma_start3A_29] : memref<16384x16xf32, #tpu.memory_space<hbm>> -> memref<16384x16xf32, #tpu.memory_space<hbm>>
    tpu.enqueue_indirect_dma source(%dma_start3A_30 : memref<16384x16xf32, #tpu.memory_space<hbm>>) target(%arg12 : memref<512x16xf32, #tpu.memory_space<vmem>>) offsets(%arg8 : memref<512xi32, #tpu.memory_space<vmem>>) semaphore(%arg18 : memref<!tpu.dma_semaphore, #tpu.memory_space<semaphore_mem>>)
    %mul3A_31 = arith.constant 4 : i32
    %mul3A_32 = arith.muli %add3A, %mul3A_31 : i32
    %add3A_33 = arith.constant 0 : i32
    %add3A_34 = arith.addi %mul3A_32, %add3A_33 : i32
    %mul3A_35 = arith.constant 512 : i32
    %mul3A_36 = arith.muli %add3A_34, %mul3A_35 : i32
    %dma_wait3A_37 = arith.constant 0 : i32
    %dma_wait3A_38 = arith.constant 0 : i32
    %dma_wait3A_39 = tpu.memref_slice %arg2[%dma_wait3A_37, %dma_wait3A_38] : memref<16384x64xf32, #tpu.memory_space<hbm>> -> memref<16384x64xf32, #tpu.memory_space<hbm>>
    tpu.wait_indirect_dma semaphore(%arg15 : memref<!tpu.dma_semaphore, #tpu.memory_space<semaphore_mem>>) src(%dma_wait3A_39 : memref<16384x64xf32, #tpu.memory_space<hbm>>) dst(%arg9 : memref<512x64xf32, #tpu.memory_space<vmem>>)
    %dma_wait3A_40 = arith.constant 0 : i32
    %dma_wait3A_41 = arith.constant 0 : i32
    %dma_wait3A_42 = tpu.memref_slice %arg3[%dma_wait3A_40, %dma_wait3A_41] : memref<16384x16xf32, #tpu.memory_space<hbm>> -> memref<16384x16xf32, #tpu.memory_space<hbm>>
    tpu.wait_indirect_dma semaphore(%arg17 : memref<!tpu.dma_semaphore, #tpu.memory_space<semaphore_mem>>) src(%dma_wait3A_42 : memref<16384x16xf32, #tpu.memory_space<hbm>>) dst(%arg11 : memref<512x16xf32, #tpu.memory_space<vmem>>)
    %dma_start3A_43 = arith.constant 0 : i32
    %dma_start3A_44 = tpu.memref_slice %arg5[%mul3A_36, %dma_start3A_43] : memref<65536x64xf32, #tpu.memory_space<hbm>> -> memref<512x64xf32, #tpu.memory_space<hbm>>
    %dma_start3A_45 = arith.constant 0 : i32
    %dma_start3A_46 = tpu.memref_slice %arg5[%mul3A_36, %dma_start3A_45] : memref<65536x64xf32, #tpu.memory_space<hbm>> -> memref<512x64xf32, #tpu.memory_space<hbm>>
    tpu.enqueue_dma source(%arg9 : memref<512x64xf32, #tpu.memory_space<vmem>>) target(%dma_start3A_46 : memref<512x64xf32, #tpu.memory_space<hbm>>) target_semaphore(%arg19 : memref<!tpu.dma_semaphore, #tpu.memory_space<semaphore_mem>>)
    %dma_start3A_47 = arith.constant 0 : i32
    %dma_start3A_48 = tpu.memref_slice %arg6[%mul3A_36, %dma_start3A_47] : memref<65536x16xf32, #tpu.memory_space<hbm>> -> memref<512x16xf32, #tpu.memory_space<hbm>>
    %dma_start3A_49 = arith.constant 0 : i32
    %dma_start3A_50 = tpu.memref_slice %arg6[%mul3A_36, %dma_start3A_49] : memref<65536x16xf32, #tpu.memory_space<hbm>> -> memref<512x16xf32, #tpu.memory_space<hbm>>
    tpu.enqueue_dma source(%arg11 : memref<512x16xf32, #tpu.memory_space<vmem>>) target(%dma_start3A_50 : memref<512x16xf32, #tpu.memory_space<hbm>>) target_semaphore(%arg19 : memref<!tpu.dma_semaphore, #tpu.memory_space<semaphore_mem>>)
    %mul3A_51 = arith.constant 4 : i32
    %mul3A_52 = arith.muli %add3A, %mul3A_51 : i32
    %add3A_53 = arith.constant 0 : i32
    %add3A_54 = arith.addi %mul3A_52, %add3A_53 : i32
    %mul3A_55 = arith.constant 512 : i32
    %mul3A_56 = arith.muli %add3A_54, %mul3A_55 : i32
    %dma_wait3A_57 = arith.constant 0 : i32
    %dma_wait3A_58 = tpu.memref_slice %arg5[%mul3A_56, %dma_wait3A_57] : memref<65536x64xf32, #tpu.memory_space<hbm>> -> memref<512x64xf32, #tpu.memory_space<hbm>>
    %dma_wait3A_59 = arith.constant 0 : i32
    %dma_wait3A_60 = tpu.memref_slice %arg5[%mul3A_56, %dma_wait3A_59] : memref<65536x64xf32, #tpu.memory_space<hbm>> -> memref<512x64xf32, #tpu.memory_space<hbm>>
    tpu.wait_dma2 semaphore(%arg19 : memref<!tpu.dma_semaphore, #tpu.memory_space<semaphore_mem>>) src(%arg9 : memref<512x64xf32, #tpu.memory_space<vmem>>) dst(%dma_wait3A_60 : memref<512x64xf32, #tpu.memory_space<hbm>>)
    %dma_wait3A_61 = arith.constant 0 : i32
    %dma_wait3A_62 = tpu.memref_slice %arg6[%mul3A_56, %dma_wait3A_61] : memref<65536x16xf32, #tpu.memory_space<hbm>> -> memref<512x16xf32, #tpu.memory_space<hbm>>
    %dma_wait3A_63 = arith.constant 0 : i32
    %dma_wait3A_64 = tpu.memref_slice %arg6[%mul3A_56, %dma_wait3A_63] : memref<65536x16xf32, #tpu.memory_space<hbm>> -> memref<512x16xf32, #tpu.memory_space<hbm>>
    tpu.wait_dma2 semaphore(%arg19 : memref<!tpu.dma_semaphore, #tpu.memory_space<semaphore_mem>>) src(%arg11 : memref<512x16xf32, #tpu.memory_space<vmem>>) dst(%dma_wait3A_64 : memref<512x16xf32, #tpu.memory_space<hbm>>)
    %mul3A_65 = arith.constant 4 : i32
    %mul3A_66 = arith.muli %add3A, %mul3A_65 : i32
    %add3A_67 = arith.constant 2 : i32
    %add3A_68 = arith.addi %mul3A_66, %add3A_67 : i32
    %mul3A_69 = arith.constant 512 : i32
    %mul3A_70 = arith.muli %add3A_68, %mul3A_69 : i32
    %dma_start3A_71 = tpu.memref_slice %arg4[%mul3A_70] : memref<65536xi32, #tpu.memory_space<hbm>> -> memref<512xi32, #tpu.memory_space<hbm>>
    %dma_start3A_72 = tpu.memref_slice %arg4[%mul3A_70] : memref<65536xi32, #tpu.memory_space<hbm>> -> memref<512xi32, #tpu.memory_space<hbm>>
    tpu.enqueue_dma source(%dma_start3A_72 : memref<512xi32, #tpu.memory_space<hbm>>) target(%arg7 : memref<512xi32, #tpu.memory_space<vmem>>) target_semaphore(%arg13 : memref<!tpu.dma_semaphore, #tpu.memory_space<semaphore_mem>>)
    %dma_wait3A_73 = tpu.memref_slice %arg4[%mul3A_70] : memref<65536xi32, #tpu.memory_space<hbm>> -> memref<512xi32, #tpu.memory_space<hbm>>
    %dma_wait3A_74 = tpu.memref_slice %arg4[%mul3A_70] : memref<65536xi32, #tpu.memory_space<hbm>> -> memref<512xi32, #tpu.memory_space<hbm>>
    tpu.wait_dma2 semaphore(%arg13 : memref<!tpu.dma_semaphore, #tpu.memory_space<semaphore_mem>>) src(%dma_wait3A_74 : memref<512xi32, #tpu.memory_space<hbm>>) dst(%arg7 : memref<512xi32, #tpu.memory_space<vmem>>)
    %dma_start3A_75 = arith.constant 0 : i32
    %dma_start3A_76 = arith.constant 0 : i32
    %dma_start3A_77 = tpu.memref_slice %arg2[%dma_start3A_75, %dma_start3A_76] : memref<16384x64xf32, #tpu.memory_space<hbm>> -> memref<16384x64xf32, #tpu.memory_space<hbm>>
    tpu.enqueue_indirect_dma source(%dma_start3A_77 : memref<16384x64xf32, #tpu.memory_space<hbm>>) target(%arg9 : memref<512x64xf32, #tpu.memory_space<vmem>>) offsets(%arg7 : memref<512xi32, #tpu.memory_space<vmem>>) semaphore(%arg15 : memref<!tpu.dma_semaphore, #tpu.memory_space<semaphore_mem>>)
    %dma_start3A_78 = arith.constant 0 : i32
    %dma_start3A_79 = arith.constant 0 : i32
    %dma_start3A_80 = tpu.memref_slice %arg3[%dma_start3A_78, %dma_start3A_79] : memref<16384x16xf32, #tpu.memory_space<hbm>> -> memref<16384x16xf32, #tpu.memory_space<hbm>>
    tpu.enqueue_indirect_dma source(%dma_start3A_80 : memref<16384x16xf32, #tpu.memory_space<hbm>>) target(%arg11 : memref<512x16xf32, #tpu.memory_space<vmem>>) offsets(%arg7 : memref<512xi32, #tpu.memory_space<vmem>>) semaphore(%arg17 : memref<!tpu.dma_semaphore, #tpu.memory_space<semaphore_mem>>)
    %mul3A_81 = arith.constant 4 : i32
    %mul3A_82 = arith.muli %add3A, %mul3A_81 : i32
    %add3A_83 = arith.constant 1 : i32
    %add3A_84 = arith.addi %mul3A_82, %add3A_83 : i32
    %mul3A_85 = arith.constant 512 : i32
    %mul3A_86 = arith.muli %add3A_84, %mul3A_85 : i32
    %dma_wait3A_87 = arith.constant 0 : i32
    %dma_wait3A_88 = arith.constant 0 : i32
    %dma_wait3A_89 = tpu.memref_slice %arg2[%dma_wait3A_87, %dma_wait3A_88] : memref<16384x64xf32, #tpu.memory_space<hbm>> -> memref<16384x64xf32, #tpu.memory_space<hbm>>
    tpu.wait_indirect_dma semaphore(%arg16 : memref<!tpu.dma_semaphore, #tpu.memory_space<semaphore_mem>>) src(%dma_wait3A_89 : memref<16384x64xf32, #tpu.memory_space<hbm>>) dst(%arg10 : memref<512x64xf32, #tpu.memory_space<vmem>>)
    %dma_wait3A_90 = arith.constant 0 : i32
    %dma_wait3A_91 = arith.constant 0 : i32
    %dma_wait3A_92 = tpu.memref_slice %arg3[%dma_wait3A_90, %dma_wait3A_91] : memref<16384x16xf32, #tpu.memory_space<hbm>> -> memref<16384x16xf32, #tpu.memory_space<hbm>>
    tpu.wait_indirect_dma semaphore(%arg18 : memref<!tpu.dma_semaphore, #tpu.memory_space<semaphore_mem>>) src(%dma_wait3A_92 : memref<16384x16xf32, #tpu.memory_space<hbm>>) dst(%arg12 : memref<512x16xf32, #tpu.memory_space<vmem>>)
    %dma_start3A_93 = arith.constant 0 : i32
    %dma_start3A_94 = tpu.memref_slice %arg5[%mul3A_86, %dma_start3A_93] : memref<65536x64xf32, #tpu.memory_space<hbm>> -> memref<512x64xf32, #tpu.memory_space<hbm>>
    %dma_start3A_95 = arith.constant 0 : i32
    %dma_start3A_96 = tpu.memref_slice %arg5[%mul3A_86, %dma_start3A_95] : memref<65536x64xf32, #tpu.memory_space<hbm>> -> memref<512x64xf32, #tpu.memory_space<hbm>>
    tpu.enqueue_dma source(%arg10 : memref<512x64xf32, #tpu.memory_space<vmem>>) target(%dma_start3A_96 : memref<512x64xf32, #tpu.memory_space<hbm>>) target_semaphore(%arg20 : memref<!tpu.dma_semaphore, #tpu.memory_space<semaphore_mem>>)
    %dma_start3A_97 = arith.constant 0 : i32
    %dma_start3A_98 = tpu.memref_slice %arg6[%mul3A_86, %dma_start3A_97] : memref<65536x16xf32, #tpu.memory_space<hbm>> -> memref<512x16xf32, #tpu.memory_space<hbm>>
    %dma_start3A_99 = arith.constant 0 : i32
    %dma_start3A_100 = tpu.memref_slice %arg6[%mul3A_86, %dma_start3A_99] : memref<65536x16xf32, #tpu.memory_space<hbm>> -> memref<512x16xf32, #tpu.memory_space<hbm>>
    tpu.enqueue_dma source(%arg12 : memref<512x16xf32, #tpu.memory_space<vmem>>) target(%dma_start3A_100 : memref<512x16xf32, #tpu.memory_space<hbm>>) target_semaphore(%arg20 : memref<!tpu.dma_semaphore, #tpu.memory_space<semaphore_mem>>)
    %mul3A_101 = arith.constant 4 : i32
    %mul3A_102 = arith.muli %add3A, %mul3A_101 : i32
    %add3A_103 = arith.constant 1 : i32
    %add3A_104 = arith.addi %mul3A_102, %add3A_103 : i32
    %mul3A_105 = arith.constant 512 : i32
    %mul3A_106 = arith.muli %add3A_104, %mul3A_105 : i32
    %dma_wait3A_107 = arith.constant 0 : i32
    %dma_wait3A_108 = tpu.memref_slice %arg5[%mul3A_106, %dma_wait3A_107] : memref<65536x64xf32, #tpu.memory_space<hbm>> -> memref<512x64xf32, #tpu.memory_space<hbm>>
    %dma_wait3A_109 = arith.constant 0 : i32
    %dma_wait3A_110 = tpu.memref_slice %arg5[%mul3A_106, %dma_wait3A_109] : memref<65536x64xf32, #tpu.memory_space<hbm>> -> memref<512x64xf32, #tpu.memory_space<hbm>>
    tpu.wait_dma2 semaphore(%arg20 : memref<!tpu.dma_semaphore, #tpu.memory_space<semaphore_mem>>) src(%arg10 : memref<512x64xf32, #tpu.memory_space<vmem>>) dst(%dma_wait3A_110 : memref<512x64xf32, #tpu.memory_space<hbm>>)
    %dma_wait3A_111 = arith.constant 0 : i32
    %dma_wait3A_112 = tpu.memref_slice %arg6[%mul3A_106, %dma_wait3A_111] : memref<65536x16xf32, #tpu.memory_space<hbm>> -> memref<512x16xf32, #tpu.memory_space<hbm>>
    %dma_wait3A_113 = arith.constant 0 : i32
    %dma_wait3A_114 = tpu.memref_slice %arg6[%mul3A_106, %dma_wait3A_113] : memref<65536x16xf32, #tpu.memory_space<hbm>> -> memref<512x16xf32, #tpu.memory_space<hbm>>
    tpu.wait_dma2 semaphore(%arg20 : memref<!tpu.dma_semaphore, #tpu.memory_space<semaphore_mem>>) src(%arg12 : memref<512x16xf32, #tpu.memory_space<vmem>>) dst(%dma_wait3A_114 : memref<512x16xf32, #tpu.memory_space<hbm>>)
    %mul3A_115 = arith.constant 4 : i32
    %mul3A_116 = arith.muli %add3A, %mul3A_115 : i32
    %add3A_117 = arith.constant 3 : i32
    %add3A_118 = arith.addi %mul3A_116, %add3A_117 : i32
    %mul3A_119 = arith.constant 512 : i32
    %mul3A_120 = arith.muli %add3A_118, %mul3A_119 : i32
    %dma_start3A_121 = tpu.memref_slice %arg4[%mul3A_120] : memref<65536xi32, #tpu.memory_space<hbm>> -> memref<512xi32, #tpu.memory_space<hbm>>
    %dma_start3A_122 = tpu.memref_slice %arg4[%mul3A_120] : memref<65536xi32, #tpu.memory_space<hbm>> -> memref<512xi32, #tpu.memory_space<hbm>>
    tpu.enqueue_dma source(%dma_start3A_122 : memref<512xi32, #tpu.memory_space<hbm>>) target(%arg8 : memref<512xi32, #tpu.memory_space<vmem>>) target_semaphore(%arg14 : memref<!tpu.dma_semaphore, #tpu.memory_space<semaphore_mem>>)
    %dma_wait3A_123 = tpu.memref_slice %arg4[%mul3A_120] : memref<65536xi32, #tpu.memory_space<hbm>> -> memref<512xi32, #tpu.memory_space<hbm>>
    %dma_wait3A_124 = tpu.memref_slice %arg4[%mul3A_120] : memref<65536xi32, #tpu.memory_space<hbm>> -> memref<512xi32, #tpu.memory_space<hbm>>
    tpu.wait_dma2 semaphore(%arg14 : memref<!tpu.dma_semaphore, #tpu.memory_space<semaphore_mem>>) src(%dma_wait3A_124 : memref<512xi32, #tpu.memory_space<hbm>>) dst(%arg8 : memref<512xi32, #tpu.memory_space<vmem>>)
    %dma_start3A_125 = arith.constant 0 : i32
    %dma_start3A_126 = arith.constant 0 : i32
    %dma_start3A_127 = tpu.memref_slice %arg2[%dma_start3A_125, %dma_start3A_126] : memref<16384x64xf32, #tpu.memory_space<hbm>> -> memref<16384x64xf32, #tpu.memory_space<hbm>>
    tpu.enqueue_indirect_dma source(%dma_start3A_127 : memref<16384x64xf32, #tpu.memory_space<hbm>>) target(%arg10 : memref<512x64xf32, #tpu.memory_space<vmem>>) offsets(%arg8 : memref<512xi32, #tpu.memory_space<vmem>>) semaphore(%arg16 : memref<!tpu.dma_semaphore, #tpu.memory_space<semaphore_mem>>)
    %dma_start3A_128 = arith.constant 0 : i32
    %dma_start3A_129 = arith.constant 0 : i32
    %dma_start3A_130 = tpu.memref_slice %arg3[%dma_start3A_128, %dma_start3A_129] : memref<16384x16xf32, #tpu.memory_space<hbm>> -> memref<16384x16xf32, #tpu.memory_space<hbm>>
    tpu.enqueue_indirect_dma source(%dma_start3A_130 : memref<16384x16xf32, #tpu.memory_space<hbm>>) target(%arg12 : memref<512x16xf32, #tpu.memory_space<vmem>>) offsets(%arg8 : memref<512xi32, #tpu.memory_space<vmem>>) semaphore(%arg18 : memref<!tpu.dma_semaphore, #tpu.memory_space<semaphore_mem>>)
    %mul3A_131 = arith.constant 4 : i32
    %mul3A_132 = arith.muli %add3A, %mul3A_131 : i32
    %add3A_133 = arith.constant 2 : i32
    %add3A_134 = arith.addi %mul3A_132, %add3A_133 : i32
    %mul3A_135 = arith.constant 512 : i32
    %mul3A_136 = arith.muli %add3A_134, %mul3A_135 : i32
    %dma_wait3A_137 = arith.constant 0 : i32
    %dma_wait3A_138 = arith.constant 0 : i32
    %dma_wait3A_139 = tpu.memref_slice %arg2[%dma_wait3A_137, %dma_wait3A_138] : memref<16384x64xf32, #tpu.memory_space<hbm>> -> memref<16384x64xf32, #tpu.memory_space<hbm>>
    tpu.wait_indirect_dma semaphore(%arg15 : memref<!tpu.dma_semaphore, #tpu.memory_space<semaphore_mem>>) src(%dma_wait3A_139 : memref<16384x64xf32, #tpu.memory_space<hbm>>) dst(%arg9 : memref<512x64xf32, #tpu.memory_space<vmem>>)
    %dma_wait3A_140 = arith.constant 0 : i32
    %dma_wait3A_141 = arith.constant 0 : i32
    %dma_wait3A_142 = tpu.memref_slice %arg3[%dma_wait3A_140, %dma_wait3A_141] : memref<16384x16xf32, #tpu.memory_space<hbm>> -> memref<16384x16xf32, #tpu.memory_space<hbm>>
    tpu.wait_indirect_dma semaphore(%arg17 : memref<!tpu.dma_semaphore, #tpu.memory_space<semaphore_mem>>) src(%dma_wait3A_142 : memref<16384x16xf32, #tpu.memory_space<hbm>>) dst(%arg11 : memref<512x16xf32, #tpu.memory_space<vmem>>)
    %dma_start3A_143 = arith.constant 0 : i32
    %dma_start3A_144 = tpu.memref_slice %arg5[%mul3A_136, %dma_start3A_143] : memref<65536x64xf32, #tpu.memory_space<hbm>> -> memref<512x64xf32, #tpu.memory_space<hbm>>
    %dma_start3A_145 = arith.constant 0 : i32
    %dma_start3A_146 = tpu.memref_slice %arg5[%mul3A_136, %dma_start3A_145] : memref<65536x64xf32, #tpu.memory_space<hbm>> -> memref<512x64xf32, #tpu.memory_space<hbm>>
    tpu.enqueue_dma source(%arg9 : memref<512x64xf32, #tpu.memory_space<vmem>>) target(%dma_start3A_146 : memref<512x64xf32, #tpu.memory_space<hbm>>) target_semaphore(%arg19 : memref<!tpu.dma_semaphore, #tpu.memory_space<semaphore_mem>>)
    %dma_start3A_147 = arith.constant 0 : i32
    %dma_start3A_148 = tpu.memref_slice %arg6[%mul3A_136, %dma_start3A_147] : memref<65536x16xf32, #tpu.memory_space<hbm>> -> memref<512x16xf32, #tpu.memory_space<hbm>>
    %dma_start3A_149 = arith.constant 0 : i32
    %dma_start3A_150 = tpu.memref_slice %arg6[%mul3A_136, %dma_start3A_149] : memref<65536x16xf32, #tpu.memory_space<hbm>> -> memref<512x16xf32, #tpu.memory_space<hbm>>
    tpu.enqueue_dma source(%arg11 : memref<512x16xf32, #tpu.memory_space<vmem>>) target(%dma_start3A_150 : memref<512x16xf32, #tpu.memory_space<hbm>>) target_semaphore(%arg19 : memref<!tpu.dma_semaphore, #tpu.memory_space<semaphore_mem>>)
    %mul3A_151 = arith.constant 4 : i32
    %mul3A_152 = arith.muli %add3A, %mul3A_151 : i32
    %add3A_153 = arith.constant 2 : i32
    %add3A_154 = arith.addi %mul3A_152, %add3A_153 : i32
    %mul3A_155 = arith.constant 512 : i32
    %mul3A_156 = arith.muli %add3A_154, %mul3A_155 : i32
    %dma_wait3A_157 = arith.constant 0 : i32
    %dma_wait3A_158 = tpu.memref_slice %arg5[%mul3A_156, %dma_wait3A_157] : memref<65536x64xf32, #tpu.memory_space<hbm>> -> memref<512x64xf32, #tpu.memory_space<hbm>>
    %dma_wait3A_159 = arith.constant 0 : i32
    %dma_wait3A_160 = tpu.memref_slice %arg5[%mul3A_156, %dma_wait3A_159] : memref<65536x64xf32, #tpu.memory_space<hbm>> -> memref<512x64xf32, #tpu.memory_space<hbm>>
    tpu.wait_dma2 semaphore(%arg19 : memref<!tpu.dma_semaphore, #tpu.memory_space<semaphore_mem>>) src(%arg9 : memref<512x64xf32, #tpu.memory_space<vmem>>) dst(%dma_wait3A_160 : memref<512x64xf32, #tpu.memory_space<hbm>>)
    %dma_wait3A_161 = arith.constant 0 : i32
    %dma_wait3A_162 = tpu.memref_slice %arg6[%mul3A_156, %dma_wait3A_161] : memref<65536x16xf32, #tpu.memory_space<hbm>> -> memref<512x16xf32, #tpu.memory_space<hbm>>
    %dma_wait3A_163 = arith.constant 0 : i32
    %dma_wait3A_164 = tpu.memref_slice %arg6[%mul3A_156, %dma_wait3A_163] : memref<65536x16xf32, #tpu.memory_space<hbm>> -> memref<512x16xf32, #tpu.memory_space<hbm>>
    tpu.wait_dma2 semaphore(%arg19 : memref<!tpu.dma_semaphore, #tpu.memory_space<semaphore_mem>>) src(%arg11 : memref<512x16xf32, #tpu.memory_space<vmem>>) dst(%dma_wait3A_164 : memref<512x16xf32, #tpu.memory_space<hbm>>)
    %mul3A_165 = arith.constant 4 : i32
    %mul3A_166 = arith.muli %add3A, %mul3A_165 : i32
    %add3A_167 = arith.constant 3 : i32
    %add3A_168 = arith.addi %mul3A_166, %add3A_167 : i32
    %mul3A_169 = arith.constant 512 : i32
    %mul3A_170 = arith.muli %add3A_168, %mul3A_169 : i32
    %dma_wait3A_171 = arith.constant 0 : i32
    %dma_wait3A_172 = arith.constant 0 : i32
    %dma_wait3A_173 = tpu.memref_slice %arg2[%dma_wait3A_171, %dma_wait3A_172] : memref<16384x64xf32, #tpu.memory_space<hbm>> -> memref<16384x64xf32, #tpu.memory_space<hbm>>
    tpu.wait_indirect_dma semaphore(%arg16 : memref<!tpu.dma_semaphore, #tpu.memory_space<semaphore_mem>>) src(%dma_wait3A_173 : memref<16384x64xf32, #tpu.memory_space<hbm>>) dst(%arg10 : memref<512x64xf32, #tpu.memory_space<vmem>>)
    %dma_wait3A_174 = arith.constant 0 : i32
    %dma_wait3A_175 = arith.constant 0 : i32
    %dma_wait3A_176 = tpu.memref_slice %arg3[%dma_wait3A_174, %dma_wait3A_175] : memref<16384x16xf32, #tpu.memory_space<hbm>> -> memref<16384x16xf32, #tpu.memory_space<hbm>>
    tpu.wait_indirect_dma semaphore(%arg18 : memref<!tpu.dma_semaphore, #tpu.memory_space<semaphore_mem>>) src(%dma_wait3A_176 : memref<16384x16xf32, #tpu.memory_space<hbm>>) dst(%arg12 : memref<512x16xf32, #tpu.memory_space<vmem>>)
    %dma_start3A_177 = arith.constant 0 : i32
    %dma_start3A_178 = tpu.memref_slice %arg5[%mul3A_170, %dma_start3A_177] : memref<65536x64xf32, #tpu.memory_space<hbm>> -> memref<512x64xf32, #tpu.memory_space<hbm>>
    %dma_start3A_179 = arith.constant 0 : i32
    %dma_start3A_180 = tpu.memref_slice %arg5[%mul3A_170, %dma_start3A_179] : memref<65536x64xf32, #tpu.memory_space<hbm>> -> memref<512x64xf32, #tpu.memory_space<hbm>>
    tpu.enqueue_dma source(%arg10 : memref<512x64xf32, #tpu.memory_space<vmem>>) target(%dma_start3A_180 : memref<512x64xf32, #tpu.memory_space<hbm>>) target_semaphore(%arg20 : memref<!tpu.dma_semaphore, #tpu.memory_space<semaphore_mem>>)
    %dma_start3A_181 = arith.constant 0 : i32
    %dma_start3A_182 = tpu.memref_slice %arg6[%mul3A_170, %dma_start3A_181] : memref<65536x16xf32, #tpu.memory_space<hbm>> -> memref<512x16xf32, #tpu.memory_space<hbm>>
    %dma_start3A_183 = arith.constant 0 : i32
    %dma_start3A_184 = tpu.memref_slice %arg6[%mul3A_170, %dma_start3A_183] : memref<65536x16xf32, #tpu.memory_space<hbm>> -> memref<512x16xf32, #tpu.memory_space<hbm>>
    tpu.enqueue_dma source(%arg12 : memref<512x16xf32, #tpu.memory_space<vmem>>) target(%dma_start3A_184 : memref<512x16xf32, #tpu.memory_space<hbm>>) target_semaphore(%arg20 : memref<!tpu.dma_semaphore, #tpu.memory_space<semaphore_mem>>)
    %mul3A_185 = arith.constant 4 : i32
    %mul3A_186 = arith.muli %add3A, %mul3A_185 : i32
    %add3A_187 = arith.constant 3 : i32
    %add3A_188 = arith.addi %mul3A_186, %add3A_187 : i32
    %mul3A_189 = arith.constant 512 : i32
    %mul3A_190 = arith.muli %add3A_188, %mul3A_189 : i32
    %dma_wait3A_191 = arith.constant 0 : i32
    %dma_wait3A_192 = tpu.memref_slice %arg5[%mul3A_190, %dma_wait3A_191] : memref<65536x64xf32, #tpu.memory_space<hbm>> -> memref<512x64xf32, #tpu.memory_space<hbm>>
    %dma_wait3A_193 = arith.constant 0 : i32
    %dma_wait3A_194 = tpu.memref_slice %arg5[%mul3A_190, %dma_wait3A_193] : memref<65536x64xf32, #tpu.memory_space<hbm>> -> memref<512x64xf32, #tpu.memory_space<hbm>>
    tpu.wait_dma2 semaphore(%arg20 : memref<!tpu.dma_semaphore, #tpu.memory_space<semaphore_mem>>) src(%arg10 : memref<512x64xf32, #tpu.memory_space<vmem>>) dst(%dma_wait3A_194 : memref<512x64xf32, #tpu.memory_space<hbm>>)
    %dma_wait3A_195 = arith.constant 0 : i32
    %dma_wait3A_196 = tpu.memref_slice %arg6[%mul3A_190, %dma_wait3A_195] : memref<65536x16xf32, #tpu.memory_space<hbm>> -> memref<512x16xf32, #tpu.memory_space<hbm>>
    %dma_wait3A_197 = arith.constant 0 : i32
    %dma_wait3A_198 = tpu.memref_slice %arg6[%mul3A_190, %dma_wait3A_197] : memref<65536x16xf32, #tpu.memory_space<hbm>> -> memref<512x16xf32, #tpu.memory_space<hbm>>
    tpu.wait_dma2 semaphore(%arg20 : memref<!tpu.dma_semaphore, #tpu.memory_space<semaphore_mem>>) src(%arg12 : memref<512x16xf32, #tpu.memory_space<vmem>>) dst(%dma_wait3A_198 : memref<512x16xf32, #tpu.memory_space<hbm>>)
    return
  }
}

#map = affine_map<(d0, d1) -> (0, 0)>
#map1 = affine_map<(d0, d1) -> (0)>
module attributes {stable_mosaic.version = 14 : i64} {
  func.func @gather_k(%arg0: i32, %arg1: i32, %arg2: memref<16384x64xf32, #tpu.memory_space<hbm>>, %arg3: memref<16384x16xf32, #tpu.memory_space<hbm>>, %arg4: memref<65536xi32, #tpu.memory_space<hbm>>, %arg5: memref<65536x64xf32, #tpu.memory_space<hbm>>, %arg6: memref<65536x16xf32, #tpu.memory_space<hbm>>, %arg7: memref<512xi32, #tpu.memory_space<vmem>>, %arg8: memref<512xi32, #tpu.memory_space<vmem>>, %arg9: memref<512x64xf32, #tpu.memory_space<vmem>>, %arg10: memref<512x64xf32, #tpu.memory_space<vmem>>, %arg11: memref<512x16xf32, #tpu.memory_space<vmem>>, %arg12: memref<512x16xf32, #tpu.memory_space<vmem>>, %arg13: memref<!tpu.dma_semaphore, #tpu.memory_space<semaphore_mem>>, %arg14: memref<!tpu.dma_semaphore, #tpu.memory_space<semaphore_mem>>, %arg15: memref<!tpu.dma_semaphore, #tpu.memory_space<semaphore_mem>>, %arg16: memref<!tpu.dma_semaphore, #tpu.memory_space<semaphore_mem>>, %arg17: memref<!tpu.dma_semaphore, #tpu.memory_space<semaphore_mem>>, %arg18: memref<!tpu.dma_semaphore, #tpu.memory_space<semaphore_mem>>, %arg19: memref<!tpu.dma_semaphore, #tpu.memory_space<semaphore_mem>>, %arg20: memref<!tpu.dma_semaphore, #tpu.memory_space<semaphore_mem>>) attributes {dimension_semantics = [#tpu.dimension_semantics<core_parallel>, #tpu.dimension_semantics<subcore_parallel>], iteration_bounds = array<i64: 2, 16>, scalar_prefetch = 0 : i64, scratch_operands = 14 : i64, tpu.core_type = #tpu.core_type<sc_vector_subcore>, window_params = [{transform_indices = #map}, {transform_indices = #map}, {transform_indices = #map1}, {transform_indices = #map}, {transform_indices = #map}]} {
    %mul3A = arith.constant 2 : i32
    %mul3A_0 = arith.muli %arg1, %mul3A : i32
    %add3A = arith.addi %mul3A_0, %arg0 : i32
    %mul3A_1 = arith.constant 4 : i32
    %mul3A_2 = arith.muli %add3A, %mul3A_1 : i32
    %add3A_3 = arith.constant 0 : i32
    %add3A_4 = arith.addi %mul3A_2, %add3A_3 : i32
    %mul3A_5 = arith.constant 512 : i32
    %mul3A_6 = arith.muli %add3A_4, %mul3A_5 : i32
    %dma_start3A = tpu.memref_slice %arg4[%mul3A_6] : memref<65536xi32, #tpu.memory_space<hbm>> -> memref<512xi32, #tpu.memory_space<hbm>>
    %dma_start3A_7 = tpu.memref_slice %arg4[%mul3A_6] : memref<65536xi32, #tpu.memory_space<hbm>> -> memref<512xi32, #tpu.memory_space<hbm>>
    tpu.enqueue_dma source(%dma_start3A_7 : memref<512xi32, #tpu.memory_space<hbm>>) target(%arg7 : memref<512xi32, #tpu.memory_space<vmem>>) target_semaphore(%arg13 : memref<!tpu.dma_semaphore, #tpu.memory_space<semaphore_mem>>)
    %dma_wait3A = tpu.memref_slice %arg4[%mul3A_6] : memref<65536xi32, #tpu.memory_space<hbm>> -> memref<512xi32, #tpu.memory_space<hbm>>
    %dma_wait3A_8 = tpu.memref_slice %arg4[%mul3A_6] : memref<65536xi32, #tpu.memory_space<hbm>> -> memref<512xi32, #tpu.memory_space<hbm>>
    tpu.wait_dma2 semaphore(%arg13 : memref<!tpu.dma_semaphore, #tpu.memory_space<semaphore_mem>>) src(%dma_wait3A_8 : memref<512xi32, #tpu.memory_space<hbm>>) dst(%arg7 : memref<512xi32, #tpu.memory_space<vmem>>)
    %dma_start3A_9 = arith.constant 0 : i32
    %dma_start3A_10 = arith.constant 0 : i32
    %dma_start3A_11 = tpu.memref_slice %arg2[%dma_start3A_9, %dma_start3A_10] : memref<16384x64xf32, #tpu.memory_space<hbm>> -> memref<16384x64xf32, #tpu.memory_space<hbm>>
    tpu.enqueue_indirect_dma source(%dma_start3A_11 : memref<16384x64xf32, #tpu.memory_space<hbm>>) target(%arg9 : memref<512x64xf32, #tpu.memory_space<vmem>>) offsets(%arg7 : memref<512xi32, #tpu.memory_space<vmem>>) semaphore(%arg15 : memref<!tpu.dma_semaphore, #tpu.memory_space<semaphore_mem>>)
    %dma_start3A_12 = arith.constant 0 : i32
    %dma_start3A_13 = arith.constant 0 : i32
    %dma_start3A_14 = tpu.memref_slice %arg3[%dma_start3A_12, %dma_start3A_13] : memref<16384x16xf32, #tpu.memory_space<hbm>> -> memref<16384x16xf32, #tpu.memory_space<hbm>>
    tpu.enqueue_indirect_dma source(%dma_start3A_14 : memref<16384x16xf32, #tpu.memory_space<hbm>>) target(%arg11 : memref<512x16xf32, #tpu.memory_space<vmem>>) offsets(%arg7 : memref<512xi32, #tpu.memory_space<vmem>>) semaphore(%arg17 : memref<!tpu.dma_semaphore, #tpu.memory_space<semaphore_mem>>)
    %mul3A_15 = arith.constant 4 : i32
    %mul3A_16 = arith.muli %add3A, %mul3A_15 : i32
    %add3A_17 = arith.constant 1 : i32
    %add3A_18 = arith.addi %mul3A_16, %add3A_17 : i32
    %mul3A_19 = arith.constant 512 : i32
    %mul3A_20 = arith.muli %add3A_18, %mul3A_19 : i32
    %dma_start3A_21 = tpu.memref_slice %arg4[%mul3A_20] : memref<65536xi32, #tpu.memory_space<hbm>> -> memref<512xi32, #tpu.memory_space<hbm>>
    %dma_start3A_22 = tpu.memref_slice %arg4[%mul3A_20] : memref<65536xi32, #tpu.memory_space<hbm>> -> memref<512xi32, #tpu.memory_space<hbm>>
    tpu.enqueue_dma source(%dma_start3A_22 : memref<512xi32, #tpu.memory_space<hbm>>) target(%arg8 : memref<512xi32, #tpu.memory_space<vmem>>) target_semaphore(%arg14 : memref<!tpu.dma_semaphore, #tpu.memory_space<semaphore_mem>>)
    %dma_wait3A_23 = tpu.memref_slice %arg4[%mul3A_20] : memref<65536xi32, #tpu.memory_space<hbm>> -> memref<512xi32, #tpu.memory_space<hbm>>
    %dma_wait3A_24 = tpu.memref_slice %arg4[%mul3A_20] : memref<65536xi32, #tpu.memory_space<hbm>> -> memref<512xi32, #tpu.memory_space<hbm>>
    tpu.wait_dma2 semaphore(%arg14 : memref<!tpu.dma_semaphore, #tpu.memory_space<semaphore_mem>>) src(%dma_wait3A_24 : memref<512xi32, #tpu.memory_space<hbm>>) dst(%arg8 : memref<512xi32, #tpu.memory_space<vmem>>)
    %dma_start3A_25 = arith.constant 0 : i32
    %dma_start3A_26 = arith.constant 0 : i32
    %dma_start3A_27 = tpu.memref_slice %arg2[%dma_start3A_25, %dma_start3A_26] : memref<16384x64xf32, #tpu.memory_space<hbm>> -> memref<16384x64xf32, #tpu.memory_space<hbm>>
    tpu.enqueue_indirect_dma source(%dma_start3A_27 : memref<16384x64xf32, #tpu.memory_space<hbm>>) target(%arg10 : memref<512x64xf32, #tpu.memory_space<vmem>>) offsets(%arg8 : memref<512xi32, #tpu.memory_space<vmem>>) semaphore(%arg16 : memref<!tpu.dma_semaphore, #tpu.memory_space<semaphore_mem>>)
    %dma_start3A_28 = arith.constant 0 : i32
    %dma_start3A_29 = arith.constant 0 : i32
    %dma_start3A_30 = tpu.memref_slice %arg3[%dma_start3A_28, %dma_start3A_29] : memref<16384x16xf32, #tpu.memory_space<hbm>> -> memref<16384x16xf32, #tpu.memory_space<hbm>>
    tpu.enqueue_indirect_dma source(%dma_start3A_30 : memref<16384x16xf32, #tpu.memory_space<hbm>>) target(%arg12 : memref<512x16xf32, #tpu.memory_space<vmem>>) offsets(%arg8 : memref<512xi32, #tpu.memory_space<vmem>>) semaphore(%arg18 : memref<!tpu.dma_semaphore, #tpu.memory_space<semaphore_mem>>)
    %mul3A_31 = arith.constant 4 : i32
    %mul3A_32 = arith.muli %add3A, %mul3A_31 : i32
    %add3A_33 = arith.constant 0 : i32
    %add3A_34 = arith.addi %mul3A_32, %add3A_33 : i32
    %mul3A_35 = arith.constant 512 : i32
    %mul3A_36 = arith.muli %add3A_34, %mul3A_35 : i32
    %dma_wait3A_37 = arith.constant 0 : i32
    %dma_wait3A_38 = arith.constant 0 : i32
    %dma_wait3A_39 = tpu.memref_slice %arg2[%dma_wait3A_37, %dma_wait3A_38] : memref<16384x64xf32, #tpu.memory_space<hbm>> -> memref<16384x64xf32, #tpu.memory_space<hbm>>
    tpu.wait_indirect_dma semaphore(%arg15 : memref<!tpu.dma_semaphore, #tpu.memory_space<semaphore_mem>>) src(%dma_wait3A_39 : memref<16384x64xf32, #tpu.memory_space<hbm>>) dst(%arg9 : memref<512x64xf32, #tpu.memory_space<vmem>>)
    %dma_wait3A_40 = arith.constant 0 : i32
    %dma_wait3A_41 = arith.constant 0 : i32
    %dma_wait3A_42 = tpu.memref_slice %arg3[%dma_wait3A_40, %dma_wait3A_41] : memref<16384x16xf32, #tpu.memory_space<hbm>> -> memref<16384x16xf32, #tpu.memory_space<hbm>>
    tpu.wait_indirect_dma semaphore(%arg17 : memref<!tpu.dma_semaphore, #tpu.memory_space<semaphore_mem>>) src(%dma_wait3A_42 : memref<16384x16xf32, #tpu.memory_space<hbm>>) dst(%arg11 : memref<512x16xf32, #tpu.memory_space<vmem>>)
    %dma_start3A_43 = arith.constant 0 : i32
    %dma_start3A_44 = tpu.memref_slice %arg5[%mul3A_36, %dma_start3A_43] : memref<65536x64xf32, #tpu.memory_space<hbm>> -> memref<512x64xf32, #tpu.memory_space<hbm>>
    %dma_start3A_45 = arith.constant 0 : i32
    %dma_start3A_46 = tpu.memref_slice %arg5[%mul3A_36, %dma_start3A_45] : memref<65536x64xf32, #tpu.memory_space<hbm>> -> memref<512x64xf32, #tpu.memory_space<hbm>>
    tpu.enqueue_dma source(%arg9 : memref<512x64xf32, #tpu.memory_space<vmem>>) target(%dma_start3A_46 : memref<512x64xf32, #tpu.memory_space<hbm>>) target_semaphore(%arg19 : memref<!tpu.dma_semaphore, #tpu.memory_space<semaphore_mem>>)
    %dma_start3A_47 = arith.constant 0 : i32
    %dma_start3A_48 = tpu.memref_slice %arg6[%mul3A_36, %dma_start3A_47] : memref<65536x16xf32, #tpu.memory_space<hbm>> -> memref<512x16xf32, #tpu.memory_space<hbm>>
    %dma_start3A_49 = arith.constant 0 : i32
    %dma_start3A_50 = tpu.memref_slice %arg6[%mul3A_36, %dma_start3A_49] : memref<65536x16xf32, #tpu.memory_space<hbm>> -> memref<512x16xf32, #tpu.memory_space<hbm>>
    tpu.enqueue_dma source(%arg11 : memref<512x16xf32, #tpu.memory_space<vmem>>) target(%dma_start3A_50 : memref<512x16xf32, #tpu.memory_space<hbm>>) target_semaphore(%arg19 : memref<!tpu.dma_semaphore, #tpu.memory_space<semaphore_mem>>)
    %mul3A_51 = arith.constant 4 : i32
    %mul3A_52 = arith.muli %add3A, %mul3A_51 : i32
    %add3A_53 = arith.constant 0 : i32
    %add3A_54 = arith.addi %mul3A_52, %add3A_53 : i32
    %mul3A_55 = arith.constant 512 : i32
    %mul3A_56 = arith.muli %add3A_54, %mul3A_55 : i32
    %dma_wait3A_57 = arith.constant 0 : i32
    %dma_wait3A_58 = tpu.memref_slice %arg5[%mul3A_56, %dma_wait3A_57] : memref<65536x64xf32, #tpu.memory_space<hbm>> -> memref<512x64xf32, #tpu.memory_space<hbm>>
    %dma_wait3A_59 = arith.constant 0 : i32
    %dma_wait3A_60 = tpu.memref_slice %arg5[%mul3A_56, %dma_wait3A_59] : memref<65536x64xf32, #tpu.memory_space<hbm>> -> memref<512x64xf32, #tpu.memory_space<hbm>>
    tpu.wait_dma2 semaphore(%arg19 : memref<!tpu.dma_semaphore, #tpu.memory_space<semaphore_mem>>) src(%arg9 : memref<512x64xf32, #tpu.memory_space<vmem>>) dst(%dma_wait3A_60 : memref<512x64xf32, #tpu.memory_space<hbm>>)
    %dma_wait3A_61 = arith.constant 0 : i32
    %dma_wait3A_62 = tpu.memref_slice %arg6[%mul3A_56, %dma_wait3A_61] : memref<65536x16xf32, #tpu.memory_space<hbm>> -> memref<512x16xf32, #tpu.memory_space<hbm>>
    %dma_wait3A_63 = arith.constant 0 : i32
    %dma_wait3A_64 = tpu.memref_slice %arg6[%mul3A_56, %dma_wait3A_63] : memref<65536x16xf32, #tpu.memory_space<hbm>> -> memref<512x16xf32, #tpu.memory_space<hbm>>
    tpu.wait_dma2 semaphore(%arg19 : memref<!tpu.dma_semaphore, #tpu.memory_space<semaphore_mem>>) src(%arg11 : memref<512x16xf32, #tpu.memory_space<vmem>>) dst(%dma_wait3A_64 : memref<512x16xf32, #tpu.memory_space<hbm>>)
    %mul3A_65 = arith.constant 4 : i32
    %mul3A_66 = arith.muli %add3A, %mul3A_65 : i32
    %add3A_67 = arith.constant 2 : i32
    %add3A_68 = arith.addi %mul3A_66, %add3A_67 : i32
    %mul3A_69 = arith.constant 512 : i32
    %mul3A_70 = arith.muli %add3A_68, %mul3A_69 : i32
    %dma_start3A_71 = tpu.memref_slice %arg4[%mul3A_70] : memref<65536xi32, #tpu.memory_space<hbm>> -> memref<512xi32, #tpu.memory_space<hbm>>
    %dma_start3A_72 = tpu.memref_slice %arg4[%mul3A_70] : memref<65536xi32, #tpu.memory_space<hbm>> -> memref<512xi32, #tpu.memory_space<hbm>>
    tpu.enqueue_dma source(%dma_start3A_72 : memref<512xi32, #tpu.memory_space<hbm>>) target(%arg7 : memref<512xi32, #tpu.memory_space<vmem>>) target_semaphore(%arg13 : memref<!tpu.dma_semaphore, #tpu.memory_space<semaphore_mem>>)
    %dma_wait3A_73 = tpu.memref_slice %arg4[%mul3A_70] : memref<65536xi32, #tpu.memory_space<hbm>> -> memref<512xi32, #tpu.memory_space<hbm>>
    %dma_wait3A_74 = tpu.memref_slice %arg4[%mul3A_70] : memref<65536xi32, #tpu.memory_space<hbm>> -> memref<512xi32, #tpu.memory_space<hbm>>
    tpu.wait_dma2 semaphore(%arg13 : memref<!tpu.dma_semaphore, #tpu.memory_space<semaphore_mem>>) src(%dma_wait3A_74 : memref<512xi32, #tpu.memory_space<hbm>>) dst(%arg7 : memref<512xi32, #tpu.memory_space<vmem>>)
    %dma_start3A_75 = arith.constant 0 : i32
    %dma_start3A_76 = arith.constant 0 : i32
    %dma_start3A_77 = tpu.memref_slice %arg2[%dma_start3A_75, %dma_start3A_76] : memref<16384x64xf32, #tpu.memory_space<hbm>> -> memref<16384x64xf32, #tpu.memory_space<hbm>>
    tpu.enqueue_indirect_dma source(%dma_start3A_77 : memref<16384x64xf32, #tpu.memory_space<hbm>>) target(%arg9 : memref<512x64xf32, #tpu.memory_space<vmem>>) offsets(%arg7 : memref<512xi32, #tpu.memory_space<vmem>>) semaphore(%arg15 : memref<!tpu.dma_semaphore, #tpu.memory_space<semaphore_mem>>)
    %dma_start3A_78 = arith.constant 0 : i32
    %dma_start3A_79 = arith.constant 0 : i32
    %dma_start3A_80 = tpu.memref_slice %arg3[%dma_start3A_78, %dma_start3A_79] : memref<16384x16xf32, #tpu.memory_space<hbm>> -> memref<16384x16xf32, #tpu.memory_space<hbm>>
    tpu.enqueue_indirect_dma source(%dma_start3A_80 : memref<16384x16xf32, #tpu.memory_space<hbm>>) target(%arg11 : memref<512x16xf32, #tpu.memory_space<vmem>>) offsets(%arg7 : memref<512xi32, #tpu.memory_space<vmem>>) semaphore(%arg17 : memref<!tpu.dma_semaphore, #tpu.memory_space<semaphore_mem>>)
    %mul3A_81 = arith.constant 4 : i32
    %mul3A_82 = arith.muli %add3A, %mul3A_81 : i32
    %add3A_83 = arith.constant 1 : i32
    %add3A_84 = arith.addi %mul3A_82, %add3A_83 : i32
    %mul3A_85 = arith.constant 512 : i32
    %mul3A_86 = arith.muli %add3A_84, %mul3A_85 : i32
    %dma_wait3A_87 = arith.constant 0 : i32
    %dma_wait3A_88 = arith.constant 0 : i32
    %dma_wait3A_89 = tpu.memref_slice %arg2[%dma_wait3A_87, %dma_wait3A_88] : memref<16384x64xf32, #tpu.memory_space<hbm>> -> memref<16384x64xf32, #tpu.memory_space<hbm>>
    tpu.wait_indirect_dma semaphore(%arg16 : memref<!tpu.dma_semaphore, #tpu.memory_space<semaphore_mem>>) src(%dma_wait3A_89 : memref<16384x64xf32, #tpu.memory_space<hbm>>) dst(%arg10 : memref<512x64xf32, #tpu.memory_space<vmem>>)
    %dma_wait3A_90 = arith.constant 0 : i32
    %dma_wait3A_91 = arith.constant 0 : i32
    %dma_wait3A_92 = tpu.memref_slice %arg3[%dma_wait3A_90, %dma_wait3A_91] : memref<16384x16xf32, #tpu.memory_space<hbm>> -> memref<16384x16xf32, #tpu.memory_space<hbm>>
    tpu.wait_indirect_dma semaphore(%arg18 : memref<!tpu.dma_semaphore, #tpu.memory_space<semaphore_mem>>) src(%dma_wait3A_92 : memref<16384x16xf32, #tpu.memory_space<hbm>>) dst(%arg12 : memref<512x16xf32, #tpu.memory_space<vmem>>)
    %dma_start3A_93 = arith.constant 0 : i32
    %dma_start3A_94 = tpu.memref_slice %arg5[%mul3A_86, %dma_start3A_93] : memref<65536x64xf32, #tpu.memory_space<hbm>> -> memref<512x64xf32, #tpu.memory_space<hbm>>
    %dma_start3A_95 = arith.constant 0 : i32
    %dma_start3A_96 = tpu.memref_slice %arg5[%mul3A_86, %dma_start3A_95] : memref<65536x64xf32, #tpu.memory_space<hbm>> -> memref<512x64xf32, #tpu.memory_space<hbm>>
    tpu.enqueue_dma source(%arg10 : memref<512x64xf32, #tpu.memory_space<vmem>>) target(%dma_start3A_96 : memref<512x64xf32, #tpu.memory_space<hbm>>) target_semaphore(%arg20 : memref<!tpu.dma_semaphore, #tpu.memory_space<semaphore_mem>>)
    %dma_start3A_97 = arith.constant 0 : i32
    %dma_start3A_98 = tpu.memref_slice %arg6[%mul3A_86, %dma_start3A_97] : memref<65536x16xf32, #tpu.memory_space<hbm>> -> memref<512x16xf32, #tpu.memory_space<hbm>>
    %dma_start3A_99 = arith.constant 0 : i32
    %dma_start3A_100 = tpu.memref_slice %arg6[%mul3A_86, %dma_start3A_99] : memref<65536x16xf32, #tpu.memory_space<hbm>> -> memref<512x16xf32, #tpu.memory_space<hbm>>
    tpu.enqueue_dma source(%arg12 : memref<512x16xf32, #tpu.memory_space<vmem>>) target(%dma_start3A_100 : memref<512x16xf32, #tpu.memory_space<hbm>>) target_semaphore(%arg20 : memref<!tpu.dma_semaphore, #tpu.memory_space<semaphore_mem>>)
    %mul3A_101 = arith.constant 4 : i32
    %mul3A_102 = arith.muli %add3A, %mul3A_101 : i32
    %add3A_103 = arith.constant 1 : i32
    %add3A_104 = arith.addi %mul3A_102, %add3A_103 : i32
    %mul3A_105 = arith.constant 512 : i32
    %mul3A_106 = arith.muli %add3A_104, %mul3A_105 : i32
    %dma_wait3A_107 = arith.constant 0 : i32
    %dma_wait3A_108 = tpu.memref_slice %arg5[%mul3A_106, %dma_wait3A_107] : memref<65536x64xf32, #tpu.memory_space<hbm>> -> memref<512x64xf32, #tpu.memory_space<hbm>>
    %dma_wait3A_109 = arith.constant 0 : i32
    %dma_wait3A_110 = tpu.memref_slice %arg5[%mul3A_106, %dma_wait3A_109] : memref<65536x64xf32, #tpu.memory_space<hbm>> -> memref<512x64xf32, #tpu.memory_space<hbm>>
    tpu.wait_dma2 semaphore(%arg20 : memref<!tpu.dma_semaphore, #tpu.memory_space<semaphore_mem>>) src(%arg10 : memref<512x64xf32, #tpu.memory_space<vmem>>) dst(%dma_wait3A_110 : memref<512x64xf32, #tpu.memory_space<hbm>>)
    %dma_wait3A_111 = arith.constant 0 : i32
    %dma_wait3A_112 = tpu.memref_slice %arg6[%mul3A_106, %dma_wait3A_111] : memref<65536x16xf32, #tpu.memory_space<hbm>> -> memref<512x16xf32, #tpu.memory_space<hbm>>
    %dma_wait3A_113 = arith.constant 0 : i32
    %dma_wait3A_114 = tpu.memref_slice %arg6[%mul3A_106, %dma_wait3A_113] : memref<65536x16xf32, #tpu.memory_space<hbm>> -> memref<512x16xf32, #tpu.memory_space<hbm>>
    tpu.wait_dma2 semaphore(%arg20 : memref<!tpu.dma_semaphore, #tpu.memory_space<semaphore_mem>>) src(%arg12 : memref<512x16xf32, #tpu.memory_space<vmem>>) dst(%dma_wait3A_114 : memref<512x16xf32, #tpu.memory_space<hbm>>)
    %mul3A_115 = arith.constant 4 : i32
    %mul3A_116 = arith.muli %add3A, %mul3A_115 : i32
    %add3A_117 = arith.constant 3 : i32
    %add3A_118 = arith.addi %mul3A_116, %add3A_117 : i32
    %mul3A_119 = arith.constant 512 : i32
    %mul3A_120 = arith.muli %add3A_118, %mul3A_119 : i32
    %dma_start3A_121 = tpu.memref_slice %arg4[%mul3A_120] : memref<65536xi32, #tpu.memory_space<hbm>> -> memref<512xi32, #tpu.memory_space<hbm>>
    %dma_start3A_122 = tpu.memref_slice %arg4[%mul3A_120] : memref<65536xi32, #tpu.memory_space<hbm>> -> memref<512xi32, #tpu.memory_space<hbm>>
    tpu.enqueue_dma source(%dma_start3A_122 : memref<512xi32, #tpu.memory_space<hbm>>) target(%arg8 : memref<512xi32, #tpu.memory_space<vmem>>) target_semaphore(%arg14 : memref<!tpu.dma_semaphore, #tpu.memory_space<semaphore_mem>>)
    %dma_wait3A_123 = tpu.memref_slice %arg4[%mul3A_120] : memref<65536xi32, #tpu.memory_space<hbm>> -> memref<512xi32, #tpu.memory_space<hbm>>
    %dma_wait3A_124 = tpu.memref_slice %arg4[%mul3A_120] : memref<65536xi32, #tpu.memory_space<hbm>> -> memref<512xi32, #tpu.memory_space<hbm>>
    tpu.wait_dma2 semaphore(%arg14 : memref<!tpu.dma_semaphore, #tpu.memory_space<semaphore_mem>>) src(%dma_wait3A_124 : memref<512xi32, #tpu.memory_space<hbm>>) dst(%arg8 : memref<512xi32, #tpu.memory_space<vmem>>)
    %dma_start3A_125 = arith.constant 0 : i32
    %dma_start3A_126 = arith.constant 0 : i32
    %dma_start3A_127 = tpu.memref_slice %arg2[%dma_start3A_125, %dma_start3A_126] : memref<16384x64xf32, #tpu.memory_space<hbm>> -> memref<16384x64xf32, #tpu.memory_space<hbm>>
    tpu.enqueue_indirect_dma source(%dma_start3A_127 : memref<16384x64xf32, #tpu.memory_space<hbm>>) target(%arg10 : memref<512x64xf32, #tpu.memory_space<vmem>>) offsets(%arg8 : memref<512xi32, #tpu.memory_space<vmem>>) semaphore(%arg16 : memref<!tpu.dma_semaphore, #tpu.memory_space<semaphore_mem>>)
    %dma_start3A_128 = arith.constant 0 : i32
    %dma_start3A_129 = arith.constant 0 : i32
    %dma_start3A_130 = tpu.memref_slice %arg3[%dma_start3A_128, %dma_start3A_129] : memref<16384x16xf32, #tpu.memory_space<hbm>> -> memref<16384x16xf32, #tpu.memory_space<hbm>>
    tpu.enqueue_indirect_dma source(%dma_start3A_130 : memref<16384x16xf32, #tpu.memory_space<hbm>>) target(%arg12 : memref<512x16xf32, #tpu.memory_space<vmem>>) offsets(%arg8 : memref<512xi32, #tpu.memory_space<vmem>>) semaphore(%arg18 : memref<!tpu.dma_semaphore, #tpu.memory_space<semaphore_mem>>)
    %mul3A_131 = arith.constant 4 : i32
    %mul3A_132 = arith.muli %add3A, %mul3A_131 : i32
    %add3A_133 = arith.constant 2 : i32
    %add3A_134 = arith.addi %mul3A_132, %add3A_133 : i32
    %mul3A_135 = arith.constant 512 : i32
    %mul3A_136 = arith.muli %add3A_134, %mul3A_135 : i32
    %dma_wait3A_137 = arith.constant 0 : i32
    %dma_wait3A_138 = arith.constant 0 : i32
    %dma_wait3A_139 = tpu.memref_slice %arg2[%dma_wait3A_137, %dma_wait3A_138] : memref<16384x64xf32, #tpu.memory_space<hbm>> -> memref<16384x64xf32, #tpu.memory_space<hbm>>
    tpu.wait_indirect_dma semaphore(%arg15 : memref<!tpu.dma_semaphore, #tpu.memory_space<semaphore_mem>>) src(%dma_wait3A_139 : memref<16384x64xf32, #tpu.memory_space<hbm>>) dst(%arg9 : memref<512x64xf32, #tpu.memory_space<vmem>>)
    %dma_wait3A_140 = arith.constant 0 : i32
    %dma_wait3A_141 = arith.constant 0 : i32
    %dma_wait3A_142 = tpu.memref_slice %arg3[%dma_wait3A_140, %dma_wait3A_141] : memref<16384x16xf32, #tpu.memory_space<hbm>> -> memref<16384x16xf32, #tpu.memory_space<hbm>>
    tpu.wait_indirect_dma semaphore(%arg17 : memref<!tpu.dma_semaphore, #tpu.memory_space<semaphore_mem>>) src(%dma_wait3A_142 : memref<16384x16xf32, #tpu.memory_space<hbm>>) dst(%arg11 : memref<512x16xf32, #tpu.memory_space<vmem>>)
    %dma_start3A_143 = arith.constant 0 : i32
    %dma_start3A_144 = tpu.memref_slice %arg5[%mul3A_136, %dma_start3A_143] : memref<65536x64xf32, #tpu.memory_space<hbm>> -> memref<512x64xf32, #tpu.memory_space<hbm>>
    %dma_start3A_145 = arith.constant 0 : i32
    %dma_start3A_146 = tpu.memref_slice %arg5[%mul3A_136, %dma_start3A_145] : memref<65536x64xf32, #tpu.memory_space<hbm>> -> memref<512x64xf32, #tpu.memory_space<hbm>>
    tpu.enqueue_dma source(%arg9 : memref<512x64xf32, #tpu.memory_space<vmem>>) target(%dma_start3A_146 : memref<512x64xf32, #tpu.memory_space<hbm>>) target_semaphore(%arg19 : memref<!tpu.dma_semaphore, #tpu.memory_space<semaphore_mem>>)
    %dma_start3A_147 = arith.constant 0 : i32
    %dma_start3A_148 = tpu.memref_slice %arg6[%mul3A_136, %dma_start3A_147] : memref<65536x16xf32, #tpu.memory_space<hbm>> -> memref<512x16xf32, #tpu.memory_space<hbm>>
    %dma_start3A_149 = arith.constant 0 : i32
    %dma_start3A_150 = tpu.memref_slice %arg6[%mul3A_136, %dma_start3A_149] : memref<65536x16xf32, #tpu.memory_space<hbm>> -> memref<512x16xf32, #tpu.memory_space<hbm>>
    tpu.enqueue_dma source(%arg11 : memref<512x16xf32, #tpu.memory_space<vmem>>) target(%dma_start3A_150 : memref<512x16xf32, #tpu.memory_space<hbm>>) target_semaphore(%arg19 : memref<!tpu.dma_semaphore, #tpu.memory_space<semaphore_mem>>)
    %mul3A_151 = arith.constant 4 : i32
    %mul3A_152 = arith.muli %add3A, %mul3A_151 : i32
    %add3A_153 = arith.constant 2 : i32
    %add3A_154 = arith.addi %mul3A_152, %add3A_153 : i32
    %mul3A_155 = arith.constant 512 : i32
    %mul3A_156 = arith.muli %add3A_154, %mul3A_155 : i32
    %dma_wait3A_157 = arith.constant 0 : i32
    %dma_wait3A_158 = tpu.memref_slice %arg5[%mul3A_156, %dma_wait3A_157] : memref<65536x64xf32, #tpu.memory_space<hbm>> -> memref<512x64xf32, #tpu.memory_space<hbm>>
    %dma_wait3A_159 = arith.constant 0 : i32
    %dma_wait3A_160 = tpu.memref_slice %arg5[%mul3A_156, %dma_wait3A_159] : memref<65536x64xf32, #tpu.memory_space<hbm>> -> memref<512x64xf32, #tpu.memory_space<hbm>>
    tpu.wait_dma2 semaphore(%arg19 : memref<!tpu.dma_semaphore, #tpu.memory_space<semaphore_mem>>) src(%arg9 : memref<512x64xf32, #tpu.memory_space<vmem>>) dst(%dma_wait3A_160 : memref<512x64xf32, #tpu.memory_space<hbm>>)
    %dma_wait3A_161 = arith.constant 0 : i32
    %dma_wait3A_162 = tpu.memref_slice %arg6[%mul3A_156, %dma_wait3A_161] : memref<65536x16xf32, #tpu.memory_space<hbm>> -> memref<512x16xf32, #tpu.memory_space<hbm>>
    %dma_wait3A_163 = arith.constant 0 : i32
    %dma_wait3A_164 = tpu.memref_slice %arg6[%mul3A_156, %dma_wait3A_163] : memref<65536x16xf32, #tpu.memory_space<hbm>> -> memref<512x16xf32, #tpu.memory_space<hbm>>
    tpu.wait_dma2 semaphore(%arg19 : memref<!tpu.dma_semaphore, #tpu.memory_space<semaphore_mem>>) src(%arg11 : memref<512x16xf32, #tpu.memory_space<vmem>>) dst(%dma_wait3A_164 : memref<512x16xf32, #tpu.memory_space<hbm>>)
    %mul3A_165 = arith.constant 4 : i32
    %mul3A_166 = arith.muli %add3A, %mul3A_165 : i32
    %add3A_167 = arith.constant 3 : i32
    %add3A_168 = arith.addi %mul3A_166, %add3A_167 : i32
    %mul3A_169 = arith.constant 512 : i32
    %mul3A_170 = arith.muli %add3A_168, %mul3A_169 : i32
    %dma_wait3A_171 = arith.constant 0 : i32
    %dma_wait3A_172 = arith.constant 0 : i32
    %dma_wait3A_173 = tpu.memref_slice %arg2[%dma_wait3A_171, %dma_wait3A_172] : memref<16384x64xf32, #tpu.memory_space<hbm>> -> memref<16384x64xf32, #tpu.memory_space<hbm>>
    tpu.wait_indirect_dma semaphore(%arg16 : memref<!tpu.dma_semaphore, #tpu.memory_space<semaphore_mem>>) src(%dma_wait3A_173 : memref<16384x64xf32, #tpu.memory_space<hbm>>) dst(%arg10 : memref<512x64xf32, #tpu.memory_space<vmem>>)
    %dma_wait3A_174 = arith.constant 0 : i32
    %dma_wait3A_175 = arith.constant 0 : i32
    %dma_wait3A_176 = tpu.memref_slice %arg3[%dma_wait3A_174, %dma_wait3A_175] : memref<16384x16xf32, #tpu.memory_space<hbm>> -> memref<16384x16xf32, #tpu.memory_space<hbm>>
    tpu.wait_indirect_dma semaphore(%arg18 : memref<!tpu.dma_semaphore, #tpu.memory_space<semaphore_mem>>) src(%dma_wait3A_176 : memref<16384x16xf32, #tpu.memory_space<hbm>>) dst(%arg12 : memref<512x16xf32, #tpu.memory_space<vmem>>)
    %dma_start3A_177 = arith.constant 0 : i32
    %dma_start3A_178 = tpu.memref_slice %arg5[%mul3A_170, %dma_start3A_177] : memref<65536x64xf32, #tpu.memory_space<hbm>> -> memref<512x64xf32, #tpu.memory_space<hbm>>
    %dma_start3A_179 = arith.constant 0 : i32
    %dma_start3A_180 = tpu.memref_slice %arg5[%mul3A_170, %dma_start3A_179] : memref<65536x64xf32, #tpu.memory_space<hbm>> -> memref<512x64xf32, #tpu.memory_space<hbm>>
    tpu.enqueue_dma source(%arg10 : memref<512x64xf32, #tpu.memory_space<vmem>>) target(%dma_start3A_180 : memref<512x64xf32, #tpu.memory_space<hbm>>) target_semaphore(%arg20 : memref<!tpu.dma_semaphore, #tpu.memory_space<semaphore_mem>>)
    %dma_start3A_181 = arith.constant 0 : i32
    %dma_start3A_182 = tpu.memref_slice %arg6[%mul3A_170, %dma_start3A_181] : memref<65536x16xf32, #tpu.memory_space<hbm>> -> memref<512x16xf32, #tpu.memory_space<hbm>>
    %dma_start3A_183 = arith.constant 0 : i32
    %dma_start3A_184 = tpu.memref_slice %arg6[%mul3A_170, %dma_start3A_183] : memref<65536x16xf32, #tpu.memory_space<hbm>> -> memref<512x16xf32, #tpu.memory_space<hbm>>
    tpu.enqueue_dma source(%arg12 : memref<512x16xf32, #tpu.memory_space<vmem>>) target(%dma_start3A_184 : memref<512x16xf32, #tpu.memory_space<hbm>>) target_semaphore(%arg20 : memref<!tpu.dma_semaphore, #tpu.memory_space<semaphore_mem>>)
    %mul3A_185 = arith.constant 4 : i32
    %mul3A_186 = arith.muli %add3A, %mul3A_185 : i32
    %add3A_187 = arith.constant 3 : i32
    %add3A_188 = arith.addi %mul3A_186, %add3A_187 : i32
    %mul3A_189 = arith.constant 512 : i32
    %mul3A_190 = arith.muli %add3A_188, %mul3A_189 : i32
    %dma_wait3A_191 = arith.constant 0 : i32
    %dma_wait3A_192 = tpu.memref_slice %arg5[%mul3A_190, %dma_wait3A_191] : memref<65536x64xf32, #tpu.memory_space<hbm>> -> memref<512x64xf32, #tpu.memory_space<hbm>>
    %dma_wait3A_193 = arith.constant 0 : i32
    %dma_wait3A_194 = tpu.memref_slice %arg5[%mul3A_190, %dma_wait3A_193] : memref<65536x64xf32, #tpu.memory_space<hbm>> -> memref<512x64xf32, #tpu.memory_space<hbm>>
    tpu.wait_dma2 semaphore(%arg20 : memref<!tpu.dma_semaphore, #tpu.memory_space<semaphore_mem>>) src(%arg10 : memref<512x64xf32, #tpu.memory_space<vmem>>) dst(%dma_wait3A_194 : memref<512x64xf32, #tpu.memory_space<hbm>>)
    %dma_wait3A_195 = arith.constant 0 : i32
    %dma_wait3A_196 = tpu.memref_slice %arg6[%mul3A_190, %dma_wait3A_195] : memref<65536x16xf32, #tpu.memory_space<hbm>> -> memref<512x16xf32, #tpu.memory_space<hbm>>
    %dma_wait3A_197 = arith.constant 0 : i32
    %dma_wait3A_198 = tpu.memref_slice %arg6[%mul3A_190, %dma_wait3A_197] : memref<65536x16xf32, #tpu.memory_space<hbm>> -> memref<512x16xf32, #tpu.memory_space<hbm>>
    tpu.wait_dma2 semaphore(%arg20 : memref<!tpu.dma_semaphore, #tpu.memory_space<semaphore_mem>>) src(%arg12 : memref<512x16xf32, #tpu.memory_space<vmem>>) dst(%dma_wait3A_198 : memref<512x16xf32, #tpu.memory_space<hbm>>)
    return
  }
}

module attributes {stable_mosaic.version = 14 : i64} {
  func.func @_ballquery_body(%arg0: i32, %arg1: i32, %arg2: memref<1x3x128xf32, #tpu.memory_space<vmem>>, %arg3: memref<1x4096x3xf32, #tpu.memory_space<vmem>>, %arg4: memref<1x16x128xi32, #tpu.memory_space<vmem>>) attributes {dimension_semantics = [#tpu.dimension_semantics<arbitrary>, #tpu.dimension_semantics<arbitrary>], iteration_bounds = array<i64: 1, 32>, scalar_prefetch = 0 : i64, scratch_operands = 0 : i64, tpu.core_type = #tpu.core_type<tc>, window_params = [{transform_indices = @transform_0, window_bounds = array<i64: 1, 3, 128>}, {transform_indices = @transform_1, window_bounds = array<i64: 1, 4096, 3>}, {transform_indices = @transform_2, window_bounds = array<i64: 1, 16, 128>}]} {
    %get3A = arith.constant 0 : index
    %get3A_0 = arith.constant 0 : index
    %get3A_1 = arith.constant 0 : index
    %get3A_2 = vector.load %arg2[%get3A, %get3A_0, %get3A_1] : memref<1x3x128xf32, #tpu.memory_space<vmem>>, vector<1x3x128xf32>
    %get3A_3 = vector.shape_cast %get3A_2 : vector<1x3x128xf32> to vector<3x128xf32>
    %get3A_4 = arith.constant 0 : index
    %get3A_5 = arith.constant 0 : index
    %get3A_6 = arith.constant 0 : index
    %get3A_7 = vector.load %arg3[%get3A_4, %get3A_5, %get3A_6] : memref<1x4096x3xf32, #tpu.memory_space<vmem>>, vector<1x4096x3xf32>
    %get3A_8 = vector.shape_cast %get3A_7 : vector<1x4096x3xf32> to vector<4096x3xf32>
    %slice3A = vector.extract_strided_slice %get3A_3 {offsets = [0, 0], sizes = [1, 128], strides = [1, 1]} : vector<3x128xf32> to vector<1x128xf32>
    %slice3A_9 = vector.extract_strided_slice %get3A_3 {offsets = [0, 0], sizes = [1, 128], strides = [1, 1]} : vector<3x128xf32> to vector<1x128xf32>
    %mul3A = arith.mulf %slice3A, %slice3A_9 : vector<1x128xf32>
    %slice3A_10 = vector.extract_strided_slice %get3A_3 {offsets = [1, 0], sizes = [1, 128], strides = [1, 1]} : vector<3x128xf32> to vector<1x128xf32>
    %slice3A_11 = vector.extract_strided_slice %get3A_3 {offsets = [1, 0], sizes = [1, 128], strides = [1, 1]} : vector<3x128xf32> to vector<1x128xf32>
    %mul3A_12 = arith.mulf %slice3A_10, %slice3A_11 : vector<1x128xf32>
    %add3A = arith.addf %mul3A, %mul3A_12 : vector<1x128xf32>
    %slice3A_13 = vector.extract_strided_slice %get3A_3 {offsets = [2, 0], sizes = [1, 128], strides = [1, 1]} : vector<3x128xf32> to vector<1x128xf32>
    %slice3A_14 = vector.extract_strided_slice %get3A_3 {offsets = [2, 0], sizes = [1, 128], strides = [1, 1]} : vector<3x128xf32> to vector<1x128xf32>
    %mul3A_15 = arith.mulf %slice3A_13, %slice3A_14 : vector<1x128xf32>
    %add3A_16 = arith.addf %add3A, %mul3A_15 : vector<1x128xf32>
    %slice3A_17 = vector.extract_strided_slice %get3A_8 {offsets = [0, 0], sizes = [4096, 1], strides = [1, 1]} : vector<4096x3xf32> to vector<4096x1xf32>
    %slice3A_18 = vector.extract_strided_slice %get3A_8 {offsets = [0, 0], sizes = [4096, 1], strides = [1, 1]} : vector<4096x3xf32> to vector<4096x1xf32>
    %mul3A_19 = arith.mulf %slice3A_17, %slice3A_18 : vector<4096x1xf32>
    %slice3A_20 = vector.extract_strided_slice %get3A_8 {offsets = [0, 1], sizes = [4096, 1], strides = [1, 1]} : vector<4096x3xf32> to vector<4096x1xf32>
    %slice3A_21 = vector.extract_strided_slice %get3A_8 {offsets = [0, 1], sizes = [4096, 1], strides = [1, 1]} : vector<4096x3xf32> to vector<4096x1xf32>
    %mul3A_22 = arith.mulf %slice3A_20, %slice3A_21 : vector<4096x1xf32>
    %add3A_23 = arith.addf %mul3A_19, %mul3A_22 : vector<4096x1xf32>
    %slice3A_24 = vector.extract_strided_slice %get3A_8 {offsets = [0, 2], sizes = [4096, 1], strides = [1, 1]} : vector<4096x3xf32> to vector<4096x1xf32>
    %slice3A_25 = vector.extract_strided_slice %get3A_8 {offsets = [0, 2], sizes = [4096, 1], strides = [1, 1]} : vector<4096x3xf32> to vector<4096x1xf32>
    %mul3A_26 = arith.mulf %slice3A_24, %slice3A_25 : vector<4096x1xf32>
    %add3A_27 = arith.addf %add3A_23, %mul3A_26 : vector<4096x1xf32>
    %convert_element_type3A = arith.truncf %get3A_8 : vector<4096x3xf32> to vector<4096x3xbf16>
    %convert_element_type3A_28 = arith.truncf %get3A_3 : vector<3x128xf32> to vector<3x128xbf16>
    %dot_general3A = arith.constant dense<0.000000e+00> : vector<4096x128xf32>
    %dot_general3A_29 = tpu.matmul %convert_element_type3A, %convert_element_type3A_28, %dot_general3A {dimension_numbers = #tpu.dot_dimension_numbers<[1], [0], [0], [1], [0, 0, 1, 1], [], []>, transpose_lhs_hint = false} : vector<4096x3xbf16>, vector<3x128xbf16>, vector<4096x128xf32> -> vector<4096x128xf32>
    %add3A_30 = vector.broadcast %add3A_27 : vector<4096x1xf32> to vector<4096x128xf32>
    %add3A_31 = vector.broadcast %add3A_16 : vector<1x128xf32> to vector<4096x128xf32>
    %add3A_32 = arith.addf %add3A_30, %add3A_31 : vector<4096x128xf32>
    %mul3A_33 = arith.constant 2.000000e+00 : f32
    %mul3A_34 = vector.broadcast %mul3A_33 : f32 to vector<4096x128xf32>
    %mul3A_35 = arith.mulf %mul3A_34, %dot_general3A_29 : vector<4096x128xf32>
    %sub3A = arith.subf %add3A_32, %mul3A_35 : vector<4096x128xf32>
    %iota3A = tpu.iota {dimensions = array<i32: 0>} : vector<4096x128xi32>
    %gt3A = arith.constant 4.000000e-02 : f32
    %gt3A_36 = vector.broadcast %gt3A : f32 to vector<4096x128xf32>
    %gt3A_37 = arith.cmpf ogt, %sub3A, %gt3A_36 : vector<4096x128xf32>
    %jit3A = arith.constant 4096 : i32
    %broadcast_in_dim3A = vector.broadcast %jit3A : i32 to vector<4096x128xi32>
    %select_n3A = arith.select %gt3A_37, %broadcast_in_dim3A, %iota3A : vector<4096x128xi1>, vector<4096x128xi32>
    %reduce_min3A = arith.constant dense<2147483647> : vector<128xi32>
    %reduce_min3A_38 = vector.multi_reduction <minsi>, %select_n3A, %reduce_min3A [0] : vector<4096x128xi32> to vector<128xi32>
    %min3A = arith.constant 4096 : i32
    %min3A_39 = vector.broadcast %min3A : i32 to vector<128xi32>
    %min3A_40 = arith.minsi %reduce_min3A_38, %min3A_39 : vector<128xi32>
    %mul3A_41 = arith.constant 4096 : i32
    %mul3A_42 = arith.muli %arg0, %mul3A_41 : i32
    %add3A_43 = vector.broadcast %mul3A_42 : i32 to vector<128xi32>
    %add3A_44 = arith.addi %min3A_40, %add3A_43 : vector<128xi32>
    %swap3A = arith.constant 0 : index
    %swap3A_45 = arith.constant 0 : index
    %swap3A_46 = arith.constant 0 : index
    %swap3A_47 = vector.load %arg4[%swap3A, %swap3A_45, %swap3A_46] : memref<1x16x128xi32, #tpu.memory_space<vmem>>, vector<1x1x128xi32>
    %swap3A_48 = vector.shape_cast %swap3A_47 : vector<1x1x128xi32> to vector<128xi32>
    %swap3A_49 = vector.shape_cast %add3A_44 : vector<128xi32> to vector<1x1x128xi32>
    tpu.vector_store %arg4[%swap3A, %swap3A_45, %swap3A_46], %swap3A_49 {strides = array<i32>} : memref<1x16x128xi32, #tpu.memory_space<vmem>>, vector<1x1x128xi32>,
    %broadcast_in_dim3A_50 = vector.shape_cast %reduce_min3A_38 : vector<128xi32> to vector<1x128xi32>
    %le3A = vector.broadcast %broadcast_in_dim3A_50 : vector<1x128xi32> to vector<4096x128xi32>
    %le3A_51 = arith.cmpi sle, %select_n3A, %le3A : vector<4096x128xi32>
    %jit3A_52 = arith.constant 32000 : i32
    %broadcast_in_dim3A_53 = vector.broadcast %jit3A_52 : i32 to vector<4096x128xi32>
    %select_n3A_54 = arith.select %le3A_51, %broadcast_in_dim3A_53, %select_n3A : vector<4096x128xi1>, vector<4096x128xi32>
    %reduce_min3A_55 = arith.constant dense<2147483647> : vector<128xi32>
    %reduce_min3A_56 = vector.multi_reduction <minsi>, %select_n3A_54, %reduce_min3A_55 [0] : vector<4096x128xi32> to vector<128xi32>
    %min3A_57 = arith.constant 4096 : i32
    %min3A_58 = vector.broadcast %min3A_57 : i32 to vector<128xi32>
    %min3A_59 = arith.minsi %reduce_min3A_56, %min3A_58 : vector<128xi32>
    %eq3A = arith.constant 4096 : i32
    %eq3A_60 = vector.broadcast %eq3A : i32 to vector<128xi32>
    %eq3A_61 = arith.cmpi eq, %min3A_59, %eq3A_60 : vector<128xi32>
    %select_n3A_62 = arith.select %eq3A_61, %min3A_40, %min3A_59 : vector<128xi1>, vector<128xi32>
    %mul3A_63 = arith.constant 4096 : i32
    %mul3A_64 = arith.muli %arg0, %mul3A_63 : i32
    %add3A_65 = vector.broadcast %mul3A_64 : i32 to vector<128xi32>
    %add3A_66 = arith.addi %select_n3A_62, %add3A_65 : vector<128xi32>
    %swap3A_67 = arith.constant 0 : index
    %swap3A_68 = arith.constant 1 : index
    %swap3A_69 = arith.constant 0 : index
    %swap3A_70 = vector.load %arg4[%swap3A_67, %swap3A_68, %swap3A_69] : memref<1x16x128xi32, #tpu.memory_space<vmem>>, vector<1x1x128xi32>
    %swap3A_71 = vector.shape_cast %swap3A_70 : vector<1x1x128xi32> to vector<128xi32>
    %swap3A_72 = vector.shape_cast %add3A_66 : vector<128xi32> to vector<1x1x128xi32>
    tpu.vector_store %arg4[%swap3A_67, %swap3A_68, %swap3A_69], %swap3A_72 {strides = array<i32>} : memref<1x16x128xi32, #tpu.memory_space<vmem>>, vector<1x1x128xi32>,
    %broadcast_in_dim3A_73 = vector.shape_cast %reduce_min3A_56 : vector<128xi32> to vector<1x128xi32>
    %le3A_74 = vector.broadcast %broadcast_in_dim3A_73 : vector<1x128xi32> to vector<4096x128xi32>
    %le3A_75 = arith.cmpi sle, %select_n3A_54, %le3A_74 : vector<4096x128xi32>
    %jit3A_76 = arith.constant 32000 : i32
    %broadcast_in_dim3A_77 = vector.broadcast %jit3A_76 : i32 to vector<4096x128xi32>
    %select_n3A_78 = arith.select %le3A_75, %broadcast_in_dim3A_77, %select_n3A_54 : vector<4096x128xi1>, vector<4096x128xi32>
    %reduce_min3A_79 = arith.constant dense<2147483647> : vector<128xi32>
    %reduce_min3A_80 = vector.multi_reduction <minsi>, %select_n3A_78, %reduce_min3A_79 [0] : vector<4096x128xi32> to vector<128xi32>
    %min3A_81 = arith.constant 4096 : i32
    %min3A_82 = vector.broadcast %min3A_81 : i32 to vector<128xi32>
    %min3A_83 = arith.minsi %reduce_min3A_80, %min3A_82 : vector<128xi32>
    %eq3A_84 = arith.constant 4096 : i32
    %eq3A_85 = vector.broadcast %eq3A_84 : i32 to vector<128xi32>
    %eq3A_86 = arith.cmpi eq, %min3A_83, %eq3A_85 : vector<128xi32>
    %select_n3A_87 = arith.select %eq3A_86, %min3A_40, %min3A_83 : vector<128xi1>, vector<128xi32>
    %mul3A_88 = arith.constant 4096 : i32
    %mul3A_89 = arith.muli %arg0, %mul3A_88 : i32
    %add3A_90 = vector.broadcast %mul3A_89 : i32 to vector<128xi32>
    %add3A_91 = arith.addi %select_n3A_87, %add3A_90 : vector<128xi32>
    %swap3A_92 = arith.constant 0 : index
    %swap3A_93 = arith.constant 2 : index
    %swap3A_94 = arith.constant 0 : index
    %swap3A_95 = vector.load %arg4[%swap3A_92, %swap3A_93, %swap3A_94] : memref<1x16x128xi32, #tpu.memory_space<vmem>>, vector<1x1x128xi32>
    %swap3A_96 = vector.shape_cast %swap3A_95 : vector<1x1x128xi32> to vector<128xi32>
    %swap3A_97 = vector.shape_cast %add3A_91 : vector<128xi32> to vector<1x1x128xi32>
    tpu.vector_store %arg4[%swap3A_92, %swap3A_93, %swap3A_94], %swap3A_97 {strides = array<i32>} : memref<1x16x128xi32, #tpu.memory_space<vmem>>, vector<1x1x128xi32>,
    %broadcast_in_dim3A_98 = vector.shape_cast %reduce_min3A_80 : vector<128xi32> to vector<1x128xi32>
    %le3A_99 = vector.broadcast %broadcast_in_dim3A_98 : vector<1x128xi32> to vector<4096x128xi32>
    %le3A_100 = arith.cmpi sle, %select_n3A_78, %le3A_99 : vector<4096x128xi32>
    %jit3A_101 = arith.constant 32000 : i32
    %broadcast_in_dim3A_102 = vector.broadcast %jit3A_101 : i32 to vector<4096x128xi32>
    %select_n3A_103 = arith.select %le3A_100, %broadcast_in_dim3A_102, %select_n3A_78 : vector<4096x128xi1>, vector<4096x128xi32>
    %reduce_min3A_104 = arith.constant dense<2147483647> : vector<128xi32>
    %reduce_min3A_105 = vector.multi_reduction <minsi>, %select_n3A_103, %reduce_min3A_104 [0] : vector<4096x128xi32> to vector<128xi32>
    %min3A_106 = arith.constant 4096 : i32
    %min3A_107 = vector.broadcast %min3A_106 : i32 to vector<128xi32>
    %min3A_108 = arith.minsi %reduce_min3A_105, %min3A_107 : vector<128xi32>
    %eq3A_109 = arith.constant 4096 : i32
    %eq3A_110 = vector.broadcast %eq3A_109 : i32 to vector<128xi32>
    %eq3A_111 = arith.cmpi eq, %min3A_108, %eq3A_110 : vector<128xi32>
    %select_n3A_112 = arith.select %eq3A_111, %min3A_40, %min3A_108 : vector<128xi1>, vector<128xi32>
    %mul3A_113 = arith.constant 4096 : i32
    %mul3A_114 = arith.muli %arg0, %mul3A_113 : i32
    %add3A_115 = vector.broadcast %mul3A_114 : i32 to vector<128xi32>
    %add3A_116 = arith.addi %select_n3A_112, %add3A_115 : vector<128xi32>
    %swap3A_117 = arith.constant 0 : index
    %swap3A_118 = arith.constant 3 : index
    %swap3A_119 = arith.constant 0 : index
    %swap3A_120 = vector.load %arg4[%swap3A_117, %swap3A_118, %swap3A_119] : memref<1x16x128xi32, #tpu.memory_space<vmem>>, vector<1x1x128xi32>
    %swap3A_121 = vector.shape_cast %swap3A_120 : vector<1x1x128xi32> to vector<128xi32>
    %swap3A_122 = vector.shape_cast %add3A_116 : vector<128xi32> to vector<1x1x128xi32>
    tpu.vector_store %arg4[%swap3A_117, %swap3A_118, %swap3A_119], %swap3A_122 {strides = array<i32>} : memref<1x16x128xi32, #tpu.memory_space<vmem>>, vector<1x1x128xi32>,
    %broadcast_in_dim3A_123 = vector.shape_cast %reduce_min3A_105 : vector<128xi32> to vector<1x128xi32>
    %le3A_124 = vector.broadcast %broadcast_in_dim3A_123 : vector<1x128xi32> to vector<4096x128xi32>
    %le3A_125 = arith.cmpi sle, %select_n3A_103, %le3A_124 : vector<4096x128xi32>
    %jit3A_126 = arith.constant 32000 : i32
    %broadcast_in_dim3A_127 = vector.broadcast %jit3A_126 : i32 to vector<4096x128xi32>
    %select_n3A_128 = arith.select %le3A_125, %broadcast_in_dim3A_127, %select_n3A_103 : vector<4096x128xi1>, vector<4096x128xi32>
    %reduce_min3A_129 = arith.constant dense<2147483647> : vector<128xi32>
    %reduce_min3A_130 = vector.multi_reduction <minsi>, %select_n3A_128, %reduce_min3A_129 [0] : vector<4096x128xi32> to vector<128xi32>
    %min3A_131 = arith.constant 4096 : i32
    %min3A_132 = vector.broadcast %min3A_131 : i32 to vector<128xi32>
    %min3A_133 = arith.minsi %reduce_min3A_130, %min3A_132 : vector<128xi32>
    %eq3A_134 = arith.constant 4096 : i32
    %eq3A_135 = vector.broadcast %eq3A_134 : i32 to vector<128xi32>
    %eq3A_136 = arith.cmpi eq, %min3A_133, %eq3A_135 : vector<128xi32>
    %select_n3A_137 = arith.select %eq3A_136, %min3A_40, %min3A_133 : vector<128xi1>, vector<128xi32>
    %mul3A_138 = arith.constant 4096 : i32
    %mul3A_139 = arith.muli %arg0, %mul3A_138 : i32
    %add3A_140 = vector.broadcast %mul3A_139 : i32 to vector<128xi32>
    %add3A_141 = arith.addi %select_n3A_137, %add3A_140 : vector<128xi32>
    %swap3A_142 = arith.constant 0 : index
    %swap3A_143 = arith.constant 4 : index
    %swap3A_144 = arith.constant 0 : index
    %swap3A_145 = vector.load %arg4[%swap3A_142, %swap3A_143, %swap3A_144] : memref<1x16x128xi32, #tpu.memory_space<vmem>>, vector<1x1x128xi32>
    %swap3A_146 = vector.shape_cast %swap3A_145 : vector<1x1x128xi32> to vector<128xi32>
    %swap3A_147 = vector.shape_cast %add3A_141 : vector<128xi32> to vector<1x1x128xi32>
    tpu.vector_store %arg4[%swap3A_142, %swap3A_143, %swap3A_144], %swap3A_147 {strides = array<i32>} : memref<1x16x128xi32, #tpu.memory_space<vmem>>, vector<1x1x128xi32>,
    %broadcast_in_dim3A_148 = vector.shape_cast %reduce_min3A_130 : vector<128xi32> to vector<1x128xi32>
    %le3A_149 = vector.broadcast %broadcast_in_dim3A_148 : vector<1x128xi32> to vector<4096x128xi32>
    %le3A_150 = arith.cmpi sle, %select_n3A_128, %le3A_149 : vector<4096x128xi32>
    %jit3A_151 = arith.constant 32000 : i32
    %broadcast_in_dim3A_152 = vector.broadcast %jit3A_151 : i32 to vector<4096x128xi32>
    %select_n3A_153 = arith.select %le3A_150, %broadcast_in_dim3A_152, %select_n3A_128 : vector<4096x128xi1>, vector<4096x128xi32>
    %reduce_min3A_154 = arith.constant dense<2147483647> : vector<128xi32>
    %reduce_min3A_155 = vector.multi_reduction <minsi>, %select_n3A_153, %reduce_min3A_154 [0] : vector<4096x128xi32> to vector<128xi32>
    %min3A_156 = arith.constant 4096 : i32
    %min3A_157 = vector.broadcast %min3A_156 : i32 to vector<128xi32>
    %min3A_158 = arith.minsi %reduce_min3A_155, %min3A_157 : vector<128xi32>
    %eq3A_159 = arith.constant 4096 : i32
    %eq3A_160 = vector.broadcast %eq3A_159 : i32 to vector<128xi32>
    %eq3A_161 = arith.cmpi eq, %min3A_158, %eq3A_160 : vector<128xi32>
    %select_n3A_162 = arith.select %eq3A_161, %min3A_40, %min3A_158 : vector<128xi1>, vector<128xi32>
    %mul3A_163 = arith.constant 4096 : i32
    %mul3A_164 = arith.muli %arg0, %mul3A_163 : i32
    %add3A_165 = vector.broadcast %mul3A_164 : i32 to vector<128xi32>
    %add3A_166 = arith.addi %select_n3A_162, %add3A_165 : vector<128xi32>
    %swap3A_167 = arith.constant 0 : index
    %swap3A_168 = arith.constant 5 : index
    %swap3A_169 = arith.constant 0 : index
    %swap3A_170 = vector.load %arg4[%swap3A_167, %swap3A_168, %swap3A_169] : memref<1x16x128xi32, #tpu.memory_space<vmem>>, vector<1x1x128xi32>
    %swap3A_171 = vector.shape_cast %swap3A_170 : vector<1x1x128xi32> to vector<128xi32>
    %swap3A_172 = vector.shape_cast %add3A_166 : vector<128xi32> to vector<1x1x128xi32>
    tpu.vector_store %arg4[%swap3A_167, %swap3A_168, %swap3A_169], %swap3A_172 {strides = array<i32>} : memref<1x16x128xi32, #tpu.memory_space<vmem>>, vector<1x1x128xi32>,
    %broadcast_in_dim3A_173 = vector.shape_cast %reduce_min3A_155 : vector<128xi32> to vector<1x128xi32>
    %le3A_174 = vector.broadcast %broadcast_in_dim3A_173 : vector<1x128xi32> to vector<4096x128xi32>
    %le3A_175 = arith.cmpi sle, %select_n3A_153, %le3A_174 : vector<4096x128xi32>
    %jit3A_176 = arith.constant 32000 : i32
    %broadcast_in_dim3A_177 = vector.broadcast %jit3A_176 : i32 to vector<4096x128xi32>
    %select_n3A_178 = arith.select %le3A_175, %broadcast_in_dim3A_177, %select_n3A_153 : vector<4096x128xi1>, vector<4096x128xi32>
    %reduce_min3A_179 = arith.constant dense<2147483647> : vector<128xi32>
    %reduce_min3A_180 = vector.multi_reduction <minsi>, %select_n3A_178, %reduce_min3A_179 [0] : vector<4096x128xi32> to vector<128xi32>
    %min3A_181 = arith.constant 4096 : i32
    %min3A_182 = vector.broadcast %min3A_181 : i32 to vector<128xi32>
    %min3A_183 = arith.minsi %reduce_min3A_180, %min3A_182 : vector<128xi32>
    %eq3A_184 = arith.constant 4096 : i32
    %eq3A_185 = vector.broadcast %eq3A_184 : i32 to vector<128xi32>
    %eq3A_186 = arith.cmpi eq, %min3A_183, %eq3A_185 : vector<128xi32>
    %select_n3A_187 = arith.select %eq3A_186, %min3A_40, %min3A_183 : vector<128xi1>, vector<128xi32>
    %mul3A_188 = arith.constant 4096 : i32
    %mul3A_189 = arith.muli %arg0, %mul3A_188 : i32
    %add3A_190 = vector.broadcast %mul3A_189 : i32 to vector<128xi32>
    %add3A_191 = arith.addi %select_n3A_187, %add3A_190 : vector<128xi32>
    %swap3A_192 = arith.constant 0 : index
    %swap3A_193 = arith.constant 6 : index
    %swap3A_194 = arith.constant 0 : index
    %swap3A_195 = vector.load %arg4[%swap3A_192, %swap3A_193, %swap3A_194] : memref<1x16x128xi32, #tpu.memory_space<vmem>>, vector<1x1x128xi32>
    %swap3A_196 = vector.shape_cast %swap3A_195 : vector<1x1x128xi32> to vector<128xi32>
    %swap3A_197 = vector.shape_cast %add3A_191 : vector<128xi32> to vector<1x1x128xi32>
    tpu.vector_store %arg4[%swap3A_192, %swap3A_193, %swap3A_194], %swap3A_197 {strides = array<i32>} : memref<1x16x128xi32, #tpu.memory_space<vmem>>, vector<1x1x128xi32>,
    %broadcast_in_dim3A_198 = vector.shape_cast %reduce_min3A_180 : vector<128xi32> to vector<1x128xi32>
    %le3A_199 = vector.broadcast %broadcast_in_dim3A_198 : vector<1x128xi32> to vector<4096x128xi32>
    %le3A_200 = arith.cmpi sle, %select_n3A_178, %le3A_199 : vector<4096x128xi32>
    %jit3A_201 = arith.constant 32000 : i32
    %broadcast_in_dim3A_202 = vector.broadcast %jit3A_201 : i32 to vector<4096x128xi32>
    %select_n3A_203 = arith.select %le3A_200, %broadcast_in_dim3A_202, %select_n3A_178 : vector<4096x128xi1>, vector<4096x128xi32>
    %reduce_min3A_204 = arith.constant dense<2147483647> : vector<128xi32>
    %reduce_min3A_205 = vector.multi_reduction <minsi>, %select_n3A_203, %reduce_min3A_204 [0] : vector<4096x128xi32> to vector<128xi32>
    %min3A_206 = arith.constant 4096 : i32
    %min3A_207 = vector.broadcast %min3A_206 : i32 to vector<128xi32>
    %min3A_208 = arith.minsi %reduce_min3A_205, %min3A_207 : vector<128xi32>
    %eq3A_209 = arith.constant 4096 : i32
    %eq3A_210 = vector.broadcast %eq3A_209 : i32 to vector<128xi32>
    %eq3A_211 = arith.cmpi eq, %min3A_208, %eq3A_210 : vector<128xi32>
    %select_n3A_212 = arith.select %eq3A_211, %min3A_40, %min3A_208 : vector<128xi1>, vector<128xi32>
    %mul3A_213 = arith.constant 4096 : i32
    %mul3A_214 = arith.muli %arg0, %mul3A_213 : i32
    %add3A_215 = vector.broadcast %mul3A_214 : i32 to vector<128xi32>
    %add3A_216 = arith.addi %select_n3A_212, %add3A_215 : vector<128xi32>
    %swap3A_217 = arith.constant 0 : index
    %swap3A_218 = arith.constant 7 : index
    %swap3A_219 = arith.constant 0 : index
    %swap3A_220 = vector.load %arg4[%swap3A_217, %swap3A_218, %swap3A_219] : memref<1x16x128xi32, #tpu.memory_space<vmem>>, vector<1x1x128xi32>
    %swap3A_221 = vector.shape_cast %swap3A_220 : vector<1x1x128xi32> to vector<128xi32>
    %swap3A_222 = vector.shape_cast %add3A_216 : vector<128xi32> to vector<1x1x128xi32>
    tpu.vector_store %arg4[%swap3A_217, %swap3A_218, %swap3A_219], %swap3A_222 {strides = array<i32>} : memref<1x16x128xi32, #tpu.memory_space<vmem>>, vector<1x1x128xi32>,
    %broadcast_in_dim3A_223 = vector.shape_cast %reduce_min3A_205 : vector<128xi32> to vector<1x128xi32>
    %le3A_224 = vector.broadcast %broadcast_in_dim3A_223 : vector<1x128xi32> to vector<4096x128xi32>
    %le3A_225 = arith.cmpi sle, %select_n3A_203, %le3A_224 : vector<4096x128xi32>
    %jit3A_226 = arith.constant 32000 : i32
    %broadcast_in_dim3A_227 = vector.broadcast %jit3A_226 : i32 to vector<4096x128xi32>
    %select_n3A_228 = arith.select %le3A_225, %broadcast_in_dim3A_227, %select_n3A_203 : vector<4096x128xi1>, vector<4096x128xi32>
    %reduce_min3A_229 = arith.constant dense<2147483647> : vector<128xi32>
    %reduce_min3A_230 = vector.multi_reduction <minsi>, %select_n3A_228, %reduce_min3A_229 [0] : vector<4096x128xi32> to vector<128xi32>
    %min3A_231 = arith.constant 4096 : i32
    %min3A_232 = vector.broadcast %min3A_231 : i32 to vector<128xi32>
    %min3A_233 = arith.minsi %reduce_min3A_230, %min3A_232 : vector<128xi32>
    %eq3A_234 = arith.constant 4096 : i32
    %eq3A_235 = vector.broadcast %eq3A_234 : i32 to vector<128xi32>
    %eq3A_236 = arith.cmpi eq, %min3A_233, %eq3A_235 : vector<128xi32>
    %select_n3A_237 = arith.select %eq3A_236, %min3A_40, %min3A_233 : vector<128xi1>, vector<128xi32>
    %mul3A_238 = arith.constant 4096 : i32
    %mul3A_239 = arith.muli %arg0, %mul3A_238 : i32
    %add3A_240 = vector.broadcast %mul3A_239 : i32 to vector<128xi32>
    %add3A_241 = arith.addi %select_n3A_237, %add3A_240 : vector<128xi32>
    %swap3A_242 = arith.constant 0 : index
    %swap3A_243 = arith.constant 8 : index
    %swap3A_244 = arith.constant 0 : index
    %swap3A_245 = vector.load %arg4[%swap3A_242, %swap3A_243, %swap3A_244] : memref<1x16x128xi32, #tpu.memory_space<vmem>>, vector<1x1x128xi32>
    %swap3A_246 = vector.shape_cast %swap3A_245 : vector<1x1x128xi32> to vector<128xi32>
    %swap3A_247 = vector.shape_cast %add3A_241 : vector<128xi32> to vector<1x1x128xi32>
    tpu.vector_store %arg4[%swap3A_242, %swap3A_243, %swap3A_244], %swap3A_247 {strides = array<i32>} : memref<1x16x128xi32, #tpu.memory_space<vmem>>, vector<1x1x128xi32>,
    %broadcast_in_dim3A_248 = vector.shape_cast %reduce_min3A_230 : vector<128xi32> to vector<1x128xi32>
    %le3A_249 = vector.broadcast %broadcast_in_dim3A_248 : vector<1x128xi32> to vector<4096x128xi32>
    %le3A_250 = arith.cmpi sle, %select_n3A_228, %le3A_249 : vector<4096x128xi32>
    %jit3A_251 = arith.constant 32000 : i32
    %broadcast_in_dim3A_252 = vector.broadcast %jit3A_251 : i32 to vector<4096x128xi32>
    %select_n3A_253 = arith.select %le3A_250, %broadcast_in_dim3A_252, %select_n3A_228 : vector<4096x128xi1>, vector<4096x128xi32>
    %reduce_min3A_254 = arith.constant dense<2147483647> : vector<128xi32>
    %reduce_min3A_255 = vector.multi_reduction <minsi>, %select_n3A_253, %reduce_min3A_254 [0] : vector<4096x128xi32> to vector<128xi32>
    %min3A_256 = arith.constant 4096 : i32
    %min3A_257 = vector.broadcast %min3A_256 : i32 to vector<128xi32>
    %min3A_258 = arith.minsi %reduce_min3A_255, %min3A_257 : vector<128xi32>
    %eq3A_259 = arith.constant 4096 : i32
    %eq3A_260 = vector.broadcast %eq3A_259 : i32 to vector<128xi32>
    %eq3A_261 = arith.cmpi eq, %min3A_258, %eq3A_260 : vector<128xi32>
    %select_n3A_262 = arith.select %eq3A_261, %min3A_40, %min3A_258 : vector<128xi1>, vector<128xi32>
    %mul3A_263 = arith.constant 4096 : i32
    %mul3A_264 = arith.muli %arg0, %mul3A_263 : i32
    %add3A_265 = vector.broadcast %mul3A_264 : i32 to vector<128xi32>
    %add3A_266 = arith.addi %select_n3A_262, %add3A_265 : vector<128xi32>
    %swap3A_267 = arith.constant 0 : index
    %swap3A_268 = arith.constant 9 : index
    %swap3A_269 = arith.constant 0 : index
    %swap3A_270 = vector.load %arg4[%swap3A_267, %swap3A_268, %swap3A_269] : memref<1x16x128xi32, #tpu.memory_space<vmem>>, vector<1x1x128xi32>
    %swap3A_271 = vector.shape_cast %swap3A_270 : vector<1x1x128xi32> to vector<128xi32>
    %swap3A_272 = vector.shape_cast %add3A_266 : vector<128xi32> to vector<1x1x128xi32>
    tpu.vector_store %arg4[%swap3A_267, %swap3A_268, %swap3A_269], %swap3A_272 {strides = array<i32>} : memref<1x16x128xi32, #tpu.memory_space<vmem>>, vector<1x1x128xi32>,
    %broadcast_in_dim3A_273 = vector.shape_cast %reduce_min3A_255 : vector<128xi32> to vector<1x128xi32>
    %le3A_274 = vector.broadcast %broadcast_in_dim3A_273 : vector<1x128xi32> to vector<4096x128xi32>
    %le3A_275 = arith.cmpi sle, %select_n3A_253, %le3A_274 : vector<4096x128xi32>
    %jit3A_276 = arith.constant 32000 : i32
    %broadcast_in_dim3A_277 = vector.broadcast %jit3A_276 : i32 to vector<4096x128xi32>
    %select_n3A_278 = arith.select %le3A_275, %broadcast_in_dim3A_277, %select_n3A_253 : vector<4096x128xi1>, vector<4096x128xi32>
    %reduce_min3A_279 = arith.constant dense<2147483647> : vector<128xi32>
    %reduce_min3A_280 = vector.multi_reduction <minsi>, %select_n3A_278, %reduce_min3A_279 [0] : vector<4096x128xi32> to vector<128xi32>
    %min3A_281 = arith.constant 4096 : i32
    %min3A_282 = vector.broadcast %min3A_281 : i32 to vector<128xi32>
    %min3A_283 = arith.minsi %reduce_min3A_280, %min3A_282 : vector<128xi32>
    %eq3A_284 = arith.constant 4096 : i32
    %eq3A_285 = vector.broadcast %eq3A_284 : i32 to vector<128xi32>
    %eq3A_286 = arith.cmpi eq, %min3A_283, %eq3A_285 : vector<128xi32>
    %select_n3A_287 = arith.select %eq3A_286, %min3A_40, %min3A_283 : vector<128xi1>, vector<128xi32>
    %mul3A_288 = arith.constant 4096 : i32
    %mul3A_289 = arith.muli %arg0, %mul3A_288 : i32
    %add3A_290 = vector.broadcast %mul3A_289 : i32 to vector<128xi32>
    %add3A_291 = arith.addi %select_n3A_287, %add3A_290 : vector<128xi32>
    %swap3A_292 = arith.constant 0 : index
    %swap3A_293 = arith.constant 10 : index
    %swap3A_294 = arith.constant 0 : index
    %swap3A_295 = vector.load %arg4[%swap3A_292, %swap3A_293, %swap3A_294] : memref<1x16x128xi32, #tpu.memory_space<vmem>>, vector<1x1x128xi32>
    %swap3A_296 = vector.shape_cast %swap3A_295 : vector<1x1x128xi32> to vector<128xi32>
    %swap3A_297 = vector.shape_cast %add3A_291 : vector<128xi32> to vector<1x1x128xi32>
    tpu.vector_store %arg4[%swap3A_292, %swap3A_293, %swap3A_294], %swap3A_297 {strides = array<i32>} : memref<1x16x128xi32, #tpu.memory_space<vmem>>, vector<1x1x128xi32>,
    %broadcast_in_dim3A_298 = vector.shape_cast %reduce_min3A_280 : vector<128xi32> to vector<1x128xi32>
    %le3A_299 = vector.broadcast %broadcast_in_dim3A_298 : vector<1x128xi32> to vector<4096x128xi32>
    %le3A_300 = arith.cmpi sle, %select_n3A_278, %le3A_299 : vector<4096x128xi32>
    %jit3A_301 = arith.constant 32000 : i32
    %broadcast_in_dim3A_302 = vector.broadcast %jit3A_301 : i32 to vector<4096x128xi32>
    %select_n3A_303 = arith.select %le3A_300, %broadcast_in_dim3A_302, %select_n3A_278 : vector<4096x128xi1>, vector<4096x128xi32>
    %reduce_min3A_304 = arith.constant dense<2147483647> : vector<128xi32>
    %reduce_min3A_305 = vector.multi_reduction <minsi>, %select_n3A_303, %reduce_min3A_304 [0] : vector<4096x128xi32> to vector<128xi32>
    %min3A_306 = arith.constant 4096 : i32
    %min3A_307 = vector.broadcast %min3A_306 : i32 to vector<128xi32>
    %min3A_308 = arith.minsi %reduce_min3A_305, %min3A_307 : vector<128xi32>
    %eq3A_309 = arith.constant 4096 : i32
    %eq3A_310 = vector.broadcast %eq3A_309 : i32 to vector<128xi32>
    %eq3A_311 = arith.cmpi eq, %min3A_308, %eq3A_310 : vector<128xi32>
    %select_n3A_312 = arith.select %eq3A_311, %min3A_40, %min3A_308 : vector<128xi1>, vector<128xi32>
    %mul3A_313 = arith.constant 4096 : i32
    %mul3A_314 = arith.muli %arg0, %mul3A_313 : i32
    %add3A_315 = vector.broadcast %mul3A_314 : i32 to vector<128xi32>
    %add3A_316 = arith.addi %select_n3A_312, %add3A_315 : vector<128xi32>
    %swap3A_317 = arith.constant 0 : index
    %swap3A_318 = arith.constant 11 : index
    %swap3A_319 = arith.constant 0 : index
    %swap3A_320 = vector.load %arg4[%swap3A_317, %swap3A_318, %swap3A_319] : memref<1x16x128xi32, #tpu.memory_space<vmem>>, vector<1x1x128xi32>
    %swap3A_321 = vector.shape_cast %swap3A_320 : vector<1x1x128xi32> to vector<128xi32>
    %swap3A_322 = vector.shape_cast %add3A_316 : vector<128xi32> to vector<1x1x128xi32>
    tpu.vector_store %arg4[%swap3A_317, %swap3A_318, %swap3A_319], %swap3A_322 {strides = array<i32>} : memref<1x16x128xi32, #tpu.memory_space<vmem>>, vector<1x1x128xi32>,
    %broadcast_in_dim3A_323 = vector.shape_cast %reduce_min3A_305 : vector<128xi32> to vector<1x128xi32>
    %le3A_324 = vector.broadcast %broadcast_in_dim3A_323 : vector<1x128xi32> to vector<4096x128xi32>
    %le3A_325 = arith.cmpi sle, %select_n3A_303, %le3A_324 : vector<4096x128xi32>
    %jit3A_326 = arith.constant 32000 : i32
    %broadcast_in_dim3A_327 = vector.broadcast %jit3A_326 : i32 to vector<4096x128xi32>
    %select_n3A_328 = arith.select %le3A_325, %broadcast_in_dim3A_327, %select_n3A_303 : vector<4096x128xi1>, vector<4096x128xi32>
    %reduce_min3A_329 = arith.constant dense<2147483647> : vector<128xi32>
    %reduce_min3A_330 = vector.multi_reduction <minsi>, %select_n3A_328, %reduce_min3A_329 [0] : vector<4096x128xi32> to vector<128xi32>
    %min3A_331 = arith.constant 4096 : i32
    %min3A_332 = vector.broadcast %min3A_331 : i32 to vector<128xi32>
    %min3A_333 = arith.minsi %reduce_min3A_330, %min3A_332 : vector<128xi32>
    %eq3A_334 = arith.constant 4096 : i32
    %eq3A_335 = vector.broadcast %eq3A_334 : i32 to vector<128xi32>
    %eq3A_336 = arith.cmpi eq, %min3A_333, %eq3A_335 : vector<128xi32>
    %select_n3A_337 = arith.select %eq3A_336, %min3A_40, %min3A_333 : vector<128xi1>, vector<128xi32>
    %mul3A_338 = arith.constant 4096 : i32
    %mul3A_339 = arith.muli %arg0, %mul3A_338 : i32
    %add3A_340 = vector.broadcast %mul3A_339 : i32 to vector<128xi32>
    %add3A_341 = arith.addi %select_n3A_337, %add3A_340 : vector<128xi32>
    %swap3A_342 = arith.constant 0 : index
    %swap3A_343 = arith.constant 12 : index
    %swap3A_344 = arith.constant 0 : index
    %swap3A_345 = vector.load %arg4[%swap3A_342, %swap3A_343, %swap3A_344] : memref<1x16x128xi32, #tpu.memory_space<vmem>>, vector<1x1x128xi32>
    %swap3A_346 = vector.shape_cast %swap3A_345 : vector<1x1x128xi32> to vector<128xi32>
    %swap3A_347 = vector.shape_cast %add3A_341 : vector<128xi32> to vector<1x1x128xi32>
    tpu.vector_store %arg4[%swap3A_342, %swap3A_343, %swap3A_344], %swap3A_347 {strides = array<i32>} : memref<1x16x128xi32, #tpu.memory_space<vmem>>, vector<1x1x128xi32>,
    %broadcast_in_dim3A_348 = vector.shape_cast %reduce_min3A_330 : vector<128xi32> to vector<1x128xi32>
    %le3A_349 = vector.broadcast %broadcast_in_dim3A_348 : vector<1x128xi32> to vector<4096x128xi32>
    %le3A_350 = arith.cmpi sle, %select_n3A_328, %le3A_349 : vector<4096x128xi32>
    %jit3A_351 = arith.constant 32000 : i32
    %broadcast_in_dim3A_352 = vector.broadcast %jit3A_351 : i32 to vector<4096x128xi32>
    %select_n3A_353 = arith.select %le3A_350, %broadcast_in_dim3A_352, %select_n3A_328 : vector<4096x128xi1>, vector<4096x128xi32>
    %reduce_min3A_354 = arith.constant dense<2147483647> : vector<128xi32>
    %reduce_min3A_355 = vector.multi_reduction <minsi>, %select_n3A_353, %reduce_min3A_354 [0] : vector<4096x128xi32> to vector<128xi32>
    %min3A_356 = arith.constant 4096 : i32
    %min3A_357 = vector.broadcast %min3A_356 : i32 to vector<128xi32>
    %min3A_358 = arith.minsi %reduce_min3A_355, %min3A_357 : vector<128xi32>
    %eq3A_359 = arith.constant 4096 : i32
    %eq3A_360 = vector.broadcast %eq3A_359 : i32 to vector<128xi32>
    %eq3A_361 = arith.cmpi eq, %min3A_358, %eq3A_360 : vector<128xi32>
    %select_n3A_362 = arith.select %eq3A_361, %min3A_40, %min3A_358 : vector<128xi1>, vector<128xi32>
    %mul3A_363 = arith.constant 4096 : i32
    %mul3A_364 = arith.muli %arg0, %mul3A_363 : i32
    %add3A_365 = vector.broadcast %mul3A_364 : i32 to vector<128xi32>
    %add3A_366 = arith.addi %select_n3A_362, %add3A_365 : vector<128xi32>
    %swap3A_367 = arith.constant 0 : index
    %swap3A_368 = arith.constant 13 : index
    %swap3A_369 = arith.constant 0 : index
    %swap3A_370 = vector.load %arg4[%swap3A_367, %swap3A_368, %swap3A_369] : memref<1x16x128xi32, #tpu.memory_space<vmem>>, vector<1x1x128xi32>
    %swap3A_371 = vector.shape_cast %swap3A_370 : vector<1x1x128xi32> to vector<128xi32>
    %swap3A_372 = vector.shape_cast %add3A_366 : vector<128xi32> to vector<1x1x128xi32>
    tpu.vector_store %arg4[%swap3A_367, %swap3A_368, %swap3A_369], %swap3A_372 {strides = array<i32>} : memref<1x16x128xi32, #tpu.memory_space<vmem>>, vector<1x1x128xi32>,
    %broadcast_in_dim3A_373 = vector.shape_cast %reduce_min3A_355 : vector<128xi32> to vector<1x128xi32>
    %le3A_374 = vector.broadcast %broadcast_in_dim3A_373 : vector<1x128xi32> to vector<4096x128xi32>
    %le3A_375 = arith.cmpi sle, %select_n3A_353, %le3A_374 : vector<4096x128xi32>
    %jit3A_376 = arith.constant 32000 : i32
    %broadcast_in_dim3A_377 = vector.broadcast %jit3A_376 : i32 to vector<4096x128xi32>
    %select_n3A_378 = arith.select %le3A_375, %broadcast_in_dim3A_377, %select_n3A_353 : vector<4096x128xi1>, vector<4096x128xi32>
    %reduce_min3A_379 = arith.constant dense<2147483647> : vector<128xi32>
    %reduce_min3A_380 = vector.multi_reduction <minsi>, %select_n3A_378, %reduce_min3A_379 [0] : vector<4096x128xi32> to vector<128xi32>
    %min3A_381 = arith.constant 4096 : i32
    %min3A_382 = vector.broadcast %min3A_381 : i32 to vector<128xi32>
    %min3A_383 = arith.minsi %reduce_min3A_380, %min3A_382 : vector<128xi32>
    %eq3A_384 = arith.constant 4096 : i32
    %eq3A_385 = vector.broadcast %eq3A_384 : i32 to vector<128xi32>
    %eq3A_386 = arith.cmpi eq, %min3A_383, %eq3A_385 : vector<128xi32>
    %select_n3A_387 = arith.select %eq3A_386, %min3A_40, %min3A_383 : vector<128xi1>, vector<128xi32>
    %mul3A_388 = arith.constant 4096 : i32
    %mul3A_389 = arith.muli %arg0, %mul3A_388 : i32
    %add3A_390 = vector.broadcast %mul3A_389 : i32 to vector<128xi32>
    %add3A_391 = arith.addi %select_n3A_387, %add3A_390 : vector<128xi32>
    %swap3A_392 = arith.constant 0 : index
    %swap3A_393 = arith.constant 14 : index
    %swap3A_394 = arith.constant 0 : index
    %swap3A_395 = vector.load %arg4[%swap3A_392, %swap3A_393, %swap3A_394] : memref<1x16x128xi32, #tpu.memory_space<vmem>>, vector<1x1x128xi32>
    %swap3A_396 = vector.shape_cast %swap3A_395 : vector<1x1x128xi32> to vector<128xi32>
    %swap3A_397 = vector.shape_cast %add3A_391 : vector<128xi32> to vector<1x1x128xi32>
    tpu.vector_store %arg4[%swap3A_392, %swap3A_393, %swap3A_394], %swap3A_397 {strides = array<i32>} : memref<1x16x128xi32, #tpu.memory_space<vmem>>, vector<1x1x128xi32>,
    %broadcast_in_dim3A_398 = vector.shape_cast %reduce_min3A_380 : vector<128xi32> to vector<1x128xi32>
    %le3A_399 = vector.broadcast %broadcast_in_dim3A_398 : vector<1x128xi32> to vector<4096x128xi32>
    %le3A_400 = arith.cmpi sle, %select_n3A_378, %le3A_399 : vector<4096x128xi32>
    %jit3A_401 = arith.constant 32000 : i32
    %broadcast_in_dim3A_402 = vector.broadcast %jit3A_401 : i32 to vector<4096x128xi32>
    %select_n3A_403 = arith.select %le3A_400, %broadcast_in_dim3A_402, %select_n3A_378 : vector<4096x128xi1>, vector<4096x128xi32>
    %reduce_min3A_404 = arith.constant dense<2147483647> : vector<128xi32>
    %reduce_min3A_405 = vector.multi_reduction <minsi>, %select_n3A_403, %reduce_min3A_404 [0] : vector<4096x128xi32> to vector<128xi32>
    %min3A_406 = arith.constant 4096 : i32
    %min3A_407 = vector.broadcast %min3A_406 : i32 to vector<128xi32>
    %min3A_408 = arith.minsi %reduce_min3A_405, %min3A_407 : vector<128xi32>
    %eq3A_409 = arith.constant 4096 : i32
    %eq3A_410 = vector.broadcast %eq3A_409 : i32 to vector<128xi32>
    %eq3A_411 = arith.cmpi eq, %min3A_408, %eq3A_410 : vector<128xi32>
    %select_n3A_412 = arith.select %eq3A_411, %min3A_40, %min3A_408 : vector<128xi1>, vector<128xi32>
    %mul3A_413 = arith.constant 4096 : i32
    %mul3A_414 = arith.muli %arg0, %mul3A_413 : i32
    %add3A_415 = vector.broadcast %mul3A_414 : i32 to vector<128xi32>
    %add3A_416 = arith.addi %select_n3A_412, %add3A_415 : vector<128xi32>
    %swap3A_417 = arith.constant 0 : index
    %swap3A_418 = arith.constant 15 : index
    %swap3A_419 = arith.constant 0 : index
    %swap3A_420 = vector.load %arg4[%swap3A_417, %swap3A_418, %swap3A_419] : memref<1x16x128xi32, #tpu.memory_space<vmem>>, vector<1x1x128xi32>
    %swap3A_421 = vector.shape_cast %swap3A_420 : vector<1x1x128xi32> to vector<128xi32>
    %swap3A_422 = vector.shape_cast %add3A_416 : vector<128xi32> to vector<1x1x128xi32>
    tpu.vector_store %arg4[%swap3A_417, %swap3A_418, %swap3A_419], %swap3A_422 {strides = array<i32>} : memref<1x16x128xi32, #tpu.memory_space<vmem>>, vector<1x1x128xi32>,
    return
  }
  func.func @transform_0(%arg0: i32, %arg1: i32) -> (i32, i32, i32) {
    %c0_i32 = arith.constant 0 : i32
    %c0_i32_0 = arith.constant 0 : i32
    return %arg0, %c0_i32, %arg1 : i32, i32, i32
  }
  func.func @transform_1(%arg0: i32, %arg1: i32) -> (i32, i32, i32) {
    %c0_i32 = arith.constant 0 : i32
    %c0_i32_0 = arith.constant 0 : i32
    %c0_i32_1 = arith.constant 0 : i32
    return %arg0, %c0_i32, %c0_i32_0 : i32, i32, i32
  }
  func.func @transform_2(%arg0: i32, %arg1: i32) -> (i32, i32, i32) {
    %c0_i32 = arith.constant 0 : i32
    %c0_i32_0 = arith.constant 0 : i32
    return %arg0, %c0_i32, %arg1 : i32, i32, i32
  }
}

module attributes {stable_mosaic.version = 14 : i64} {
  func.func @_mlp_body(%arg0: i32, %arg1: i32, %arg2: memref<1x128x3xf32, #tpu.memory_space<vmem>>, %arg3: memref<1x128x64xf32, #tpu.memory_space<vmem>>, %arg4: memref<1x16x128x64xf32, #tpu.memory_space<vmem>>, %arg5: memref<1x16x128x16xf32, #tpu.memory_space<vmem>>, %arg6: memref<3x64xf32, #tpu.memory_space<vmem>>, %arg7: memref<1x64xf32, #tpu.memory_space<vmem>>, %arg8: memref<64x64xf32, #tpu.memory_space<vmem>>, %arg9: memref<1x64xf32, #tpu.memory_space<vmem>>, %arg10: memref<64x64xf32, #tpu.memory_space<vmem>>, %arg11: memref<1x64xf32, #tpu.memory_space<vmem>>, %arg12: memref<64x64xf32, #tpu.memory_space<vmem>>, %arg13: memref<1x64xf32, #tpu.memory_space<vmem>>, %arg14: memref<64x64xf32, #tpu.memory_space<vmem>>, %arg15: memref<1x64xf32, #tpu.memory_space<vmem>>, %arg16: memref<1x128x64xf32, #tpu.memory_space<vmem>>) attributes {dimension_semantics = [#tpu.dimension_semantics<arbitrary>, #tpu.dimension_semantics<arbitrary>], iteration_bounds = array<i64: 1, 32>, scalar_prefetch = 0 : i64, scratch_operands = 0 : i64, tpu.core_type = #tpu.core_type<tc>, window_params = [{transform_indices = @transform_0, window_bounds = array<i64: 1, 128, 3>}, {transform_indices = @transform_1, window_bounds = array<i64: 1, 128, 64>}, {transform_indices = @transform_2, window_bounds = array<i64: 1, 16, 128, 64>}, {transform_indices = @transform_3, window_bounds = array<i64: 1, 16, 128, 16>}, {pipeline_mode = #tpu.pipeline_mode<synchronous>, transform_indices = @transform_4, window_bounds = array<i64: 3, 64>}, {pipeline_mode = #tpu.pipeline_mode<synchronous>, transform_indices = @transform_5, window_bounds = array<i64: 1, 64>}, {pipeline_mode = #tpu.pipeline_mode<synchronous>, transform_indices = @transform_6, window_bounds = array<i64: 64, 64>}, {pipeline_mode = #tpu.pipeline_mode<synchronous>, transform_indices = @transform_7, window_bounds = array<i64: 1, 64>}, {pipeline_mode = #tpu.pipeline_mode<synchronous>, transform_indices = @transform_8, window_bounds = array<i64: 64, 64>}, {pipeline_mode = #tpu.pipeline_mode<synchronous>, transform_indices = @transform_9, window_bounds = array<i64: 1, 64>}, {pipeline_mode = #tpu.pipeline_mode<synchronous>, transform_indices = @transform_10, window_bounds = array<i64: 64, 64>}, {pipeline_mode = #tpu.pipeline_mode<synchronous>, transform_indices = @transform_11, window_bounds = array<i64: 1, 64>}, {pipeline_mode = #tpu.pipeline_mode<synchronous>, transform_indices = @transform_12, window_bounds = array<i64: 64, 64>}, {pipeline_mode = #tpu.pipeline_mode<synchronous>, transform_indices = @transform_13, window_bounds = array<i64: 1, 64>}, {transform_indices = @transform_14, window_bounds = array<i64: 1, 128, 64>}]} {
    %get3A = arith.constant 0 : index
    %get3A_0 = arith.constant 0 : index
    %get3A_1 = arith.constant 0 : index
    %get3A_2 = vector.load %arg2[%get3A, %get3A_0, %get3A_1] : memref<1x128x3xf32, #tpu.memory_space<vmem>>, vector<1x128x3xf32>
    %get3A_3 = vector.shape_cast %get3A_2 : vector<1x128x3xf32> to vector<128x3xf32>
    %get3A_4 = arith.constant 0 : index
    %get3A_5 = arith.constant 0 : index
    %get3A_6 = arith.constant 0 : index
    %get3A_7 = arith.constant 0 : index
    %get3A_8 = vector.load %arg4[%get3A_4, %get3A_5, %get3A_6, %get3A_7] : memref<1x16x128x64xf32, #tpu.memory_space<vmem>>, vector<1x16x128x64xf32>
    %get3A_9 = vector.shape_cast %get3A_8 : vector<1x16x128x64xf32> to vector<16x128x64xf32>
    %get3A_10 = arith.constant 0 : index
    %get3A_11 = arith.constant 0 : index
    %get3A_12 = arith.constant 0 : index
    %get3A_13 = arith.constant 0 : index
    %get3A_14 = vector.load %arg5[%get3A_10, %get3A_11, %get3A_12, %get3A_13] : memref<1x16x128x16xf32, #tpu.memory_space<vmem>>, vector<1x16x128x16xf32>
    %get3A_15 = vector.shape_cast %get3A_14 : vector<1x16x128x16xf32> to vector<16x128x16xf32>
    %slice3A = vector.extract_strided_slice %get3A_3 {offsets = [0, 0], sizes = [128, 1], strides = [1, 1]} : vector<128x3xf32> to vector<128x1xf32>
    %broadcast_in_dim3A = vector.shape_cast %slice3A : vector<128x1xf32> to vector<1x128x1xf32>
    %slice3A_16 = vector.extract_strided_slice %get3A_15 {offsets = [0, 0, 0], sizes = [16, 128, 1], strides = [1, 1, 1]} : vector<16x128x16xf32> to vector<16x128x1xf32>
    %sub3A = vector.broadcast %broadcast_in_dim3A : vector<1x128x1xf32> to vector<16x128x1xf32>
    %sub3A_17 = arith.subf %sub3A, %slice3A_16 : vector<16x128x1xf32>
    %get3A_18 = arith.constant 0 : index
    %get3A_19 = arith.constant 0 : index
    %get3A_20 = vector.load %arg6[%get3A_18, %get3A_19] : memref<3x64xf32, #tpu.memory_space<vmem>>, vector<1x64xf32>
    %broadcast_in_dim3A_21 = vector.shape_cast %get3A_20 : vector<1x64xf32> to vector<1x1x64xf32>
    %mul3A = vector.broadcast %sub3A_17 : vector<16x128x1xf32> to vector<16x128x64xf32>
    %mul3A_22 = vector.broadcast %broadcast_in_dim3A_21 : vector<1x1x64xf32> to vector<16x128x64xf32>
    %mul3A_23 = arith.mulf %mul3A, %mul3A_22 : vector<16x128x64xf32>
    %slice3A_24 = vector.extract_strided_slice %get3A_3 {offsets = [0, 1], sizes = [128, 1], strides = [1, 1]} : vector<128x3xf32> to vector<128x1xf32>
    %broadcast_in_dim3A_25 = vector.shape_cast %slice3A_24 : vector<128x1xf32> to vector<1x128x1xf32>
    %slice3A_26 = vector.extract_strided_slice %get3A_15 {offsets = [0, 0, 1], sizes = [16, 128, 1], strides = [1, 1, 1]} : vector<16x128x16xf32> to vector<16x128x1xf32>
    %sub3A_27 = vector.broadcast %broadcast_in_dim3A_25 : vector<1x128x1xf32> to vector<16x128x1xf32>
    %sub3A_28 = arith.subf %sub3A_27, %slice3A_26 : vector<16x128x1xf32>
    %get3A_29 = arith.constant 1 : index
    %get3A_30 = arith.constant 0 : index
    %get3A_31 = vector.load %arg6[%get3A_29, %get3A_30] : memref<3x64xf32, #tpu.memory_space<vmem>>, vector<1x64xf32>
    %broadcast_in_dim3A_32 = vector.shape_cast %get3A_31 : vector<1x64xf32> to vector<1x1x64xf32>
    %mul3A_33 = vector.broadcast %sub3A_28 : vector<16x128x1xf32> to vector<16x128x64xf32>
    %mul3A_34 = vector.broadcast %broadcast_in_dim3A_32 : vector<1x1x64xf32> to vector<16x128x64xf32>
    %mul3A_35 = arith.mulf %mul3A_33, %mul3A_34 : vector<16x128x64xf32>
    %add3A = arith.addf %mul3A_23, %mul3A_35 : vector<16x128x64xf32>
    %slice3A_36 = vector.extract_strided_slice %get3A_3 {offsets = [0, 2], sizes = [128, 1], strides = [1, 1]} : vector<128x3xf32> to vector<128x1xf32>
    %broadcast_in_dim3A_37 = vector.shape_cast %slice3A_36 : vector<128x1xf32> to vector<1x128x1xf32>
    %slice3A_38 = vector.extract_strided_slice %get3A_15 {offsets = [0, 0, 2], sizes = [16, 128, 1], strides = [1, 1, 1]} : vector<16x128x16xf32> to vector<16x128x1xf32>
    %sub3A_39 = vector.broadcast %broadcast_in_dim3A_37 : vector<1x128x1xf32> to vector<16x128x1xf32>
    %sub3A_40 = arith.subf %sub3A_39, %slice3A_38 : vector<16x128x1xf32>
    %get3A_41 = arith.constant 2 : index
    %get3A_42 = arith.constant 0 : index
    %get3A_43 = vector.load %arg6[%get3A_41, %get3A_42] : memref<3x64xf32, #tpu.memory_space<vmem>>, vector<1x64xf32>
    %broadcast_in_dim3A_44 = vector.shape_cast %get3A_43 : vector<1x64xf32> to vector<1x1x64xf32>
    %mul3A_45 = vector.broadcast %sub3A_40 : vector<16x128x1xf32> to vector<16x128x64xf32>
    %mul3A_46 = vector.broadcast %broadcast_in_dim3A_44 : vector<1x1x64xf32> to vector<16x128x64xf32>
    %mul3A_47 = arith.mulf %mul3A_45, %mul3A_46 : vector<16x128x64xf32>
    %add3A_48 = arith.addf %add3A, %mul3A_47 : vector<16x128x64xf32>
    %get3A_49 = arith.constant 0 : index
    %get3A_50 = arith.constant 0 : index
    %get3A_51 = vector.load %arg7[%get3A_49, %get3A_50] : memref<1x64xf32, #tpu.memory_space<vmem>>, vector<1x64xf32>
    %get3A_52 = vector.shape_cast %get3A_51 : vector<1x64xf32> to vector<64xf32>
    %broadcast_in_dim3A_53 = vector.shape_cast %get3A_52 : vector<64xf32> to vector<1x1x64xf32>
    %add3A_54 = vector.broadcast %broadcast_in_dim3A_53 : vector<1x1x64xf32> to vector<16x128x64xf32>
    %add3A_55 = arith.addf %add3A_48, %add3A_54 : vector<16x128x64xf32>
    %max3A = arith.constant 0.000000e+00 : f32
    %max3A_56 = vector.broadcast %max3A : f32 to vector<16x128x64xf32>
    %max3A_57 = arith.maximumf %add3A_55, %max3A_56 : vector<16x128x64xf32>
    %reshape3A = vector.shape_cast %max3A_57 : vector<16x128x64xf32> to vector<2048x64xf32>
    %convert_element_type3A = arith.truncf %reshape3A : vector<2048x64xf32> to vector<2048x64xbf16>
    %get3A_58 = arith.constant 0 : index
    %get3A_59 = arith.constant 0 : index
    %get3A_60 = vector.load %arg8[%get3A_58, %get3A_59] : memref<64x64xf32, #tpu.memory_space<vmem>>, vector<64x64xf32>
    %convert_element_type3A_61 = arith.truncf %get3A_60 : vector<64x64xf32> to vector<64x64xbf16>
    %dot_general3A = arith.constant dense<0.000000e+00> : vector<2048x64xf32>
    %dot_general3A_62 = tpu.matmul %convert_element_type3A, %convert_element_type3A_61, %dot_general3A {dimension_numbers = #tpu.dot_dimension_numbers<[1], [0], [0], [1], [0, 0, 1, 1], [], []>, transpose_lhs_hint = false} : vector<2048x64xbf16>, vector<64x64xbf16>, vector<2048x64xf32> -> vector<2048x64xf32>
    %get3A_63 = arith.constant 0 : index
    %get3A_64 = arith.constant 0 : index
    %get3A_65 = vector.load %arg9[%get3A_63, %get3A_64] : memref<1x64xf32, #tpu.memory_space<vmem>>, vector<1x64xf32>
    %get3A_66 = vector.shape_cast %get3A_65 : vector<1x64xf32> to vector<64xf32>
    %broadcast_in_dim3A_67 = vector.shape_cast %get3A_66 : vector<64xf32> to vector<1x64xf32>
    %add3A_68 = vector.broadcast %broadcast_in_dim3A_67 : vector<1x64xf32> to vector<2048x64xf32>
    %add3A_69 = arith.addf %dot_general3A_62, %add3A_68 : vector<2048x64xf32>
    %reshape3A_70 = vector.shape_cast %get3A_9 : vector<16x128x64xf32> to vector<2048x64xf32>
    %add3A_71 = arith.addf %reshape3A_70, %add3A_69 : vector<2048x64xf32>
    %convert_element_type3A_72 = arith.truncf %add3A_71 : vector<2048x64xf32> to vector<2048x64xbf16>
    %get3A_73 = arith.constant 0 : index
    %get3A_74 = arith.constant 0 : index
    %get3A_75 = vector.load %arg10[%get3A_73, %get3A_74] : memref<64x64xf32, #tpu.memory_space<vmem>>, vector<64x64xf32>
    %convert_element_type3A_76 = arith.truncf %get3A_75 : vector<64x64xf32> to vector<64x64xbf16>
    %dot_general3A_77 = arith.constant dense<0.000000e+00> : vector<2048x64xf32>
    %dot_general3A_78 = tpu.matmul %convert_element_type3A_72, %convert_element_type3A_76, %dot_general3A_77 {dimension_numbers = #tpu.dot_dimension_numbers<[1], [0], [0], [1], [0, 0, 1, 1], [], []>, transpose_lhs_hint = false} : vector<2048x64xbf16>, vector<64x64xbf16>, vector<2048x64xf32> -> vector<2048x64xf32>
    %get3A_79 = arith.constant 0 : index
    %get3A_80 = arith.constant 0 : index
    %get3A_81 = vector.load %arg11[%get3A_79, %get3A_80] : memref<1x64xf32, #tpu.memory_space<vmem>>, vector<1x64xf32>
    %get3A_82 = vector.shape_cast %get3A_81 : vector<1x64xf32> to vector<64xf32>
    %broadcast_in_dim3A_83 = vector.shape_cast %get3A_82 : vector<64xf32> to vector<1x64xf32>
    %add3A_84 = vector.broadcast %broadcast_in_dim3A_83 : vector<1x64xf32> to vector<2048x64xf32>
    %add3A_85 = arith.addf %dot_general3A_78, %add3A_84 : vector<2048x64xf32>
    %max3A_86 = arith.constant 0.000000e+00 : f32
    %max3A_87 = vector.broadcast %max3A_86 : f32 to vector<2048x64xf32>
    %max3A_88 = arith.maximumf %add3A_85, %max3A_87 : vector<2048x64xf32>
    %convert_element_type3A_89 = arith.truncf %max3A_88 : vector<2048x64xf32> to vector<2048x64xbf16>
    %get3A_90 = arith.constant 0 : index
    %get3A_91 = arith.constant 0 : index
    %get3A_92 = vector.load %arg12[%get3A_90, %get3A_91] : memref<64x64xf32, #tpu.memory_space<vmem>>, vector<64x64xf32>
    %convert_element_type3A_93 = arith.truncf %get3A_92 : vector<64x64xf32> to vector<64x64xbf16>
    %dot_general3A_94 = arith.constant dense<0.000000e+00> : vector<2048x64xf32>
    %dot_general3A_95 = tpu.matmul %convert_element_type3A_89, %convert_element_type3A_93, %dot_general3A_94 {dimension_numbers = #tpu.dot_dimension_numbers<[1], [0], [0], [1], [0, 0, 1, 1], [], []>, transpose_lhs_hint = false} : vector<2048x64xbf16>, vector<64x64xbf16>, vector<2048x64xf32> -> vector<2048x64xf32>
    %get3A_96 = arith.constant 0 : index
    %get3A_97 = arith.constant 0 : index
    %get3A_98 = vector.load %arg13[%get3A_96, %get3A_97] : memref<1x64xf32, #tpu.memory_space<vmem>>, vector<1x64xf32>
    %get3A_99 = vector.shape_cast %get3A_98 : vector<1x64xf32> to vector<64xf32>
    %broadcast_in_dim3A_100 = vector.shape_cast %get3A_99 : vector<64xf32> to vector<1x64xf32>
    %add3A_101 = vector.broadcast %broadcast_in_dim3A_100 : vector<1x64xf32> to vector<2048x64xf32>
    %add3A_102 = arith.addf %dot_general3A_95, %add3A_101 : vector<2048x64xf32>
    %max3A_103 = arith.constant 0.000000e+00 : f32
    %max3A_104 = vector.broadcast %max3A_103 : f32 to vector<2048x64xf32>
    %max3A_105 = arith.maximumf %add3A_102, %max3A_104 : vector<2048x64xf32>
    %reshape3A_106 = vector.shape_cast %max3A_105 : vector<2048x64xf32> to vector<16x128x64xf32>
    %reduce_max3A = arith.constant dense<0xFF800000> : vector<128x64xf32>
    %reduce_max3A_107 = vector.multi_reduction <maximumf>, %reshape3A_106, %reduce_max3A [0] : vector<16x128x64xf32> to vector<128x64xf32>
    %convert_element_type3A_108 = arith.truncf %reduce_max3A_107 : vector<128x64xf32> to vector<128x64xbf16>
    %get3A_109 = arith.constant 0 : index
    %get3A_110 = arith.constant 0 : index
    %get3A_111 = vector.load %arg14[%get3A_109, %get3A_110] : memref<64x64xf32, #tpu.memory_space<vmem>>, vector<64x64xf32>
    %convert_element_type3A_112 = arith.truncf %get3A_111 : vector<64x64xf32> to vector<64x64xbf16>
    %dot_general3A_113 = arith.constant dense<0.000000e+00> : vector<128x64xf32>
    %dot_general3A_114 = tpu.matmul %convert_element_type3A_108, %convert_element_type3A_112, %dot_general3A_113 {dimension_numbers = #tpu.dot_dimension_numbers<[1], [0], [0], [1], [0, 0, 1, 1], [], []>, transpose_lhs_hint = false} : vector<128x64xbf16>, vector<64x64xbf16>, vector<128x64xf32> -> vector<128x64xf32>
    %get3A_115 = arith.constant 0 : index
    %get3A_116 = arith.constant 0 : index
    %get3A_117 = vector.load %arg15[%get3A_115, %get3A_116] : memref<1x64xf32, #tpu.memory_space<vmem>>, vector<1x64xf32>
    %get3A_118 = vector.shape_cast %get3A_117 : vector<1x64xf32> to vector<64xf32>
    %broadcast_in_dim3A_119 = vector.shape_cast %get3A_118 : vector<64xf32> to vector<1x64xf32>
    %add3A_120 = vector.broadcast %broadcast_in_dim3A_119 : vector<1x64xf32> to vector<128x64xf32>
    %add3A_121 = arith.addf %dot_general3A_114, %add3A_120 : vector<128x64xf32>
    %get3A_122 = arith.constant 0 : index
    %get3A_123 = arith.constant 0 : index
    %get3A_124 = arith.constant 0 : index
    %get3A_125 = vector.load %arg3[%get3A_122, %get3A_123, %get3A_124] : memref<1x128x64xf32, #tpu.memory_space<vmem>>, vector<1x128x64xf32>
    %get3A_126 = vector.shape_cast %get3A_125 : vector<1x128x64xf32> to vector<128x64xf32>
    %add3A_127 = arith.addf %add3A_121, %get3A_126 : vector<128x64xf32>
    %swap3A = arith.constant 0 : index
    %swap3A_128 = arith.constant 0 : index
    %swap3A_129 = arith.constant 0 : index
    %swap3A_130 = vector.load %arg16[%swap3A, %swap3A_128, %swap3A_129] : memref<1x128x64xf32, #tpu.memory_space<vmem>>, vector<1x128x64xf32>
    %swap3A_131 = vector.shape_cast %swap3A_130 : vector<1x128x64xf32> to vector<128x64xf32>
    %swap3A_132 = vector.shape_cast %add3A_127 : vector<128x64xf32> to vector<1x128x64xf32>
    tpu.vector_store %arg16[%swap3A, %swap3A_128, %swap3A_129], %swap3A_132 {strides = array<i32>} : memref<1x128x64xf32, #tpu.memory_space<vmem>>, vector<1x128x64xf32>,
    return
  }
  func.func @transform_0(%arg0: i32, %arg1: i32) -> (i32, i32, i32) {
    %c0_i32 = arith.constant 0 : i32
    %c0_i32_0 = arith.constant 0 : i32
    return %arg0, %arg1, %c0_i32 : i32, i32, i32
  }
  func.func @transform_1(%arg0: i32, %arg1: i32) -> (i32, i32, i32) {
    %c0_i32 = arith.constant 0 : i32
    %c0_i32_0 = arith.constant 0 : i32
    return %arg0, %arg1, %c0_i32 : i32, i32, i32
  }
  func.func @transform_2(%arg0: i32, %arg1: i32) -> (i32, i32, i32, i32) {
    %c0_i32 = arith.constant 0 : i32
    %c0_i32_0 = arith.constant 0 : i32
    %c0_i32_1 = arith.constant 0 : i32
    return %arg0, %c0_i32, %arg1, %c0_i32_0 : i32, i32, i32, i32
  }
  func.func @transform_3(%arg0: i32, %arg1: i32) -> (i32, i32, i32, i32) {
    %c0_i32 = arith.constant 0 : i32
    %c0_i32_0 = arith.constant 0 : i32
    %c0_i32_1 = arith.constant 0 : i32
    return %arg0, %c0_i32, %arg1, %c0_i32_0 : i32, i32, i32, i32
  }
  func.func @transform_4(%arg0: i32, %arg1: i32) -> (i32, i32) {
    %c0_i32 = arith.constant 0 : i32
    %c0_i32_0 = arith.constant 0 : i32
    %c0_i32_1 = arith.constant 0 : i32
    return %c0_i32, %c0_i32_0 : i32, i32
  }
  func.func @transform_5(%arg0: i32, %arg1: i32) -> (i32, i32) {
    %c0_i32 = arith.constant 0 : i32
    %c0_i32_0 = arith.constant 0 : i32
    %c0_i32_1 = arith.constant 0 : i32
    return %c0_i32, %c0_i32_0 : i32, i32
  }
  func.func @transform_6(%arg0: i32, %arg1: i32) -> (i32, i32) {
    %c0_i32 = arith.constant 0 : i32
    %c0_i32_0 = arith.constant 0 : i32
    %c0_i32_1 = arith.constant 0 : i32
    return %c0_i32, %c0_i32_0 : i32, i32
  }
  func.func @transform_7(%arg0: i32, %arg1: i32) -> (i32, i32) {
    %c0_i32 = arith.constant 0 : i32
    %c0_i32_0 = arith.constant 0 : i32
    %c0_i32_1 = arith.constant 0 : i32
    return %c0_i32, %c0_i32_0 : i32, i32
  }
  func.func @transform_8(%arg0: i32, %arg1: i32) -> (i32, i32) {
    %c0_i32 = arith.constant 0 : i32
    %c0_i32_0 = arith.constant 0 : i32
    %c0_i32_1 = arith.constant 0 : i32
    return %c0_i32, %c0_i32_0 : i32, i32
  }
  func.func @transform_9(%arg0: i32, %arg1: i32) -> (i32, i32) {
    %c0_i32 = arith.constant 0 : i32
    %c0_i32_0 = arith.constant 0 : i32
    %c0_i32_1 = arith.constant 0 : i32
    return %c0_i32, %c0_i32_0 : i32, i32
  }
  func.func @transform_10(%arg0: i32, %arg1: i32) -> (i32, i32) {
    %c0_i32 = arith.constant 0 : i32
    %c0_i32_0 = arith.constant 0 : i32
    %c0_i32_1 = arith.constant 0 : i32
    return %c0_i32, %c0_i32_0 : i32, i32
  }
  func.func @transform_11(%arg0: i32, %arg1: i32) -> (i32, i32) {
    %c0_i32 = arith.constant 0 : i32
    %c0_i32_0 = arith.constant 0 : i32
    %c0_i32_1 = arith.constant 0 : i32
    return %c0_i32, %c0_i32_0 : i32, i32
  }
  func.func @transform_12(%arg0: i32, %arg1: i32) -> (i32, i32) {
    %c0_i32 = arith.constant 0 : i32
    %c0_i32_0 = arith.constant 0 : i32
    %c0_i32_1 = arith.constant 0 : i32
    return %c0_i32, %c0_i32_0 : i32, i32
  }
  func.func @transform_13(%arg0: i32, %arg1: i32) -> (i32, i32) {
    %c0_i32 = arith.constant 0 : i32
    %c0_i32_0 = arith.constant 0 : i32
    %c0_i32_1 = arith.constant 0 : i32
    return %c0_i32, %c0_i32_0 : i32, i32
  }
  func.func @transform_14(%arg0: i32, %arg1: i32) -> (i32, i32, i32) {
    %c0_i32 = arith.constant 0 : i32
    %c0_i32_0 = arith.constant 0 : i32
    return %arg0, %arg1, %c0_i32 : i32, i32, i32
  }
}

</mosaic_0001>

<sc_bundles>
// kernel: kernel.14.cloned.1.call-start
scs
__scs_entry_jumppad:
0x0: {  	(pc) =	sbr.rel $0x88, $3  }
0x1: {  	(tag) =	ssettag $0x0;
	lr =	simm.s32 $0x1  }
0x2: {  	[smem:$0x3F8B] =	sst lr;
	_ =	strace $0xD0000000  }
0x3: {  	_ = 	snop  }
0x4: {  	_ = 	snop  }
0x5: {  	_ = 	snop  }
0x6: {  	_ = 	snop  }
0x7: {  	_ = 	snop  }
__scs_overlays_trampoline_lowered:
0x8: {  	[smem:$0x3F9A] =	sst s0  }
0x9: {  	[smem:$0x3F9B] =	sst s1  }
0xa: {  	[smem:$0x3F9C] =	sst s2  }
0xb: {  	[smem:$0x3F9D] =	sst s3  }
0xc: {  	[smem:$0x3F9E] =	sst s4  }
0xd: {  	[smem:$0x3F9F] =	sst s5  }
0xe: {  	[smem:$0x3FA0] =	sst s6  }
0xf: {  	[smem:$0x3FA1] =	sst s7  }
0x10: {  	[smem:$0x3FA2] =	sst s8  }
0x11: {  	[smem:$0x3FA3] =	sst s9;
	s0 =	simm.s32 @!p0 $0x0  }
0x12: {  	s1 =	sld [smem:$0x3F89];
	s0 =	simm.s32 @p0 $0x1  }
0x13: {  	[smem:$0x3FA4] =	sst s0;
	s0 =	simm.s32 @!p1 $0x0  }
0x14: {  	s2 =	sld [smem:$0x3F88];
	s0 =	simm.s32 @p1 $0x1  }
0x15: {  	[smem:$0x3FA5] =	sst s0;
	s0 =	simm.s32 @!p2 $0x0  }
0x16: {  	s3 =	sld [smem:$0x3FDB];
	s0 =	simm.s32 @p2 $0x1  }
0x17: {  	s4 =	simm.s32 $0x1BF5;
	[smem:$0x3FA7] =	sst s0  }
0x18: {  	s0 =	sld [smem:$0x3F8A];
	_ =	swait.ge [sflag:s4], $0x0  }
0x19: {  	s7 =	sld [smem:$0x3F8B]  }
0x1a: {  	s8 =	sadd.s32 $0xFFFFE003, lr  }
0x1b: {  	s9 =	sadd.s32 $0xFFFFFEF7, lr;
	s5 =	simm.s32 $0xFFFFFFFF;
	p2 =	slt.u32 s8, $0xFFFFF086  }
0x1c: {  	p1 =	slt.u32 s9, $0xF7A;
	s5 =	simm.s32 @!p2 $0x0  }
0x1d: {  	s5 =	simm.s32 @p1 $0x1;
	p0 =	seq.s32 s7, s2  }
0x1e: {  	s7 =	smul.u32 @!p0 $0xF7A, s2;
	p2 =	seq.s32 @!p0 s5, $0x0  }
0x1f: {  	s9 =	smul.u32 $0xF7A, s1;
	s8 =	simm.s32 @!p0 $0x1BF5;
	p2 =	por !p2, p0  }
0x20: {  	[sflag:s8] =	ssyncset.s32 @!p0 $0xFFFFF086;
	s6 =	sadd.s32 @!p0 s3, s7;
	s7 =	simm.s32 @!p0 $0x108  }
0x21: {  	s3 =	sadd.s32 s3, s9;
	s6 =	sadd.s32 @!p0 $0x88, s6;
	s7 =	simm.s32 @p2 $0x1082  }
0x22: {  	[simem:s7], [sflag:s8] =	dma.local @!p0 [hbm:s6], $0xF7A  }
0x23: {  	s9 =	sor.u32 $0xD0000000, s2;
	s6 =	simm.s32 $0x108;
	_ =	swait.ge @!p0 [sflag:s8], $0x0  }
0x24: {  	s3 =	sadd.s32 $0x88, s3;
	s6 =	simm.s32 @!p1 $0x1082;
	[sflag:s4] =	ssyncset.s32 $0xFFFFF086  }
0x25: {  	[simem:s6], [sflag:s4] =	dma.local [hbm:s3], $0xF7A  }
0x26: {  	[smem:$0x3F8B] =	sst s1;
	(tag) =	ssettag s2;
	_ =	strace s9  }
0x27: {  	s1 =	sld [smem:$0x3F9B]  }
0x28: {  	s2 =	sld [smem:$0x3F9C]  }
0x29: {  	s4 =	sld [smem:$0x3F9E]  }
0x2a: {  	p0 =	seq.s32 s5, $0x0;
	s5 =	sld [smem:$0x3F9F]  }
0x2b: {  	s6 =	sld [smem:$0x3FA0]  }
0x2c: {  	s7 =	sld [smem:$0x3FA1]  }
0x2d: {  	s3 =	simm.s32 $0x108;
	s8 =	sld [smem:$0x3FA2]  }
0x2e: {  	s3 =	simm.s32 @!p0 $0x1082;
	s9 =	sld [smem:$0x3FA3]  }
0x2f: {  	lr =	sadd.s32 s0, s3;
	s0 =	sld [smem:$0x3F9A]  }
0x30: {  	s3 =	sld [smem:$0x3F9D]  }
0x31: {  	[smem:$0x3FA6] =	sst s10  }
0x32: {  	s10 =	sld [smem:$0x3FA4];
	_ =	sdelay $0x3  }
0x33: {  	p0 =	seq.s32 s10, $0x1;
	s10 =	sld [smem:$0x3FA6];
	_ =	sdelay $0x3  }
0x34: {  	[smem:$0x3FA6] =	sst s10  }
0x35: {  	s10 =	sld [smem:$0x3FA5];
	_ =	sdelay $0x3  }
0x36: {  	p1 =	seq.s32 s10, $0x1;
	s10 =	sld [smem:$0x3FA6];
	_ =	sdelay $0x3  }
0x37: {  	[smem:$0x3FA6] =	sst s10  }
0x38: {  	s10 =	sld [smem:$0x3FA7]  }
0x39: {  	_ = 	snop;
	(pc) =	sbr.ind lr, $3  }
0x3a: {  	_ = 	snop  }
0x3b: {  	_ = 	snop  }
0x3c: {  	p2 =	seq.s32 s10, $0x1;
	s10 =	sld [smem:$0x3FA6]  }
0x3d: {  	_ =	shalt  }
0x3e: {  	_ =	shalt  }
0x3f: {  	_ =	shalt  }
0x40: {  	_ =	shalt  }
0x41: {  	_ =	shalt  }
0x42: {  	_ =	shalt  }
0x43: {  	_ =	shalt  }
0x44: {  	_ =	shalt  }
0x45: {  	_ =	shalt  }
0x46: {  	_ =	shalt  }
0x47: {  	_ =	shalt  }
0x48: {  	_ =	shalt  }
0x49: {  	_ =	shalt  }
0x4a: {  	_ =	shalt  }
0x4b: {  	_ =	shalt  }
0x4c: {  	_ =	shalt  }
0x4d: {  	_ =	shalt  }
0x4e: {  	_ =	shalt  }
0x4f: {  	_ =	shalt  }
0x50: {  	_ =	shalt  }
0x51: {  	_ =	shalt  }
0x52: {  	_ =	shalt  }
0x53: {  	_ =	shalt  }
0x54: {  	_ =	shalt  }
0x55: {  	_ =	shalt  }
0x56: {  	_ =	shalt  }
0x57: {  	_ =	shalt  }
0x58: {  	_ =	shalt  }
0x59: {  	_ =	shalt  }
0x5a: {  	_ =	shalt  }
0x5b: {  	_ =	shalt  }
0x5c: {  	_ =	shalt  }
0x5d: {  	_ =	shalt  }
0x5e: {  	_ =	shalt  }
0x5f: {  	_ =	shalt  }
0x60: {  	_ =	shalt  }
0x61: {  	_ =	shalt  }
0x62: {  	_ =	shalt  }
0x63: {  	_ =	shalt  }
0x64: {  	_ =	shalt  }
0x65: {  	_ =	shalt  }
0x66: {  	_ =	shalt  }
0x67: {  	_ =	shalt  }
0x68: {  	_ =	shalt  }
0x69: {  	_ =	shalt  }
0x6a: {  	_ =	shalt  }
0x6b: {  	_ =	shalt  }
0x6c: {  	_ =	shalt  }
0x6d: {  	_ =	shalt  }
0x6e: {  	_ =	shalt  }
0x6f: {  	_ =	shalt  }
0x70: {  	_ =	shalt  }
0x71: {  	_ =	shalt  }
0x72: {  	_ =	shalt  }
0x73: {  	_ =	shalt  }
0x74: {  	_ =	shalt  }
0x75: {  	_ =	shalt  }
0x76: {  	_ =	shalt  }
0x77: {  	_ =	shalt  }
0x78: {  	_ =	shalt  }
0x79: {  	_ =	shalt  }
0x7a: {  	_ =	shalt  }
0x7b: {  	_ =	shalt  }
0x7c: {  	_ =	shalt  }
0x7d: {  	_ =	shalt  }
0x7e: {  	_ =	shalt  }
0x7f: {  	_ =	shalt  }
0x80: {  	_ =	shalt  }
0x81: {  	_ =	shalt  }
0x82: {  	_ =	shalt  }
0x83: {  	_ =	shalt  }
0x84: {  	_ =	shalt  }
0x85: {  	_ =	shalt  }
0x86: {  	_ =	shalt  }
0x87: {  	_ =	shalt  }
.Lfunc_end0:
.L_simem_size_0:
called_computation_lowered:
.L_overlay_start_0:
0x88: {  	s2 =	sld [smem:$0x3FD9]  }
0x89: {  	s3 =	sld [smem:$0x3FFE];
	_ =	sdelay $0x1  }
0x8a: {  	s1 =	srdreg.scid  }
0x8b: {  	s0 =	sand.u32 $0x1, s1  }
0x8c: {  	s15 =	sshll.u32 s0, $0xA;
	s2 =	sadd.s32 s3, s2  }
0x8d: {  	s2 =	sadd.s32 s2, s15  }
0x8e: {  	[smem:$0x3FB2] =	sst s2  }
0x8f: {  	_ = 	snop  }
0x90: {  	s2 =	sld [smem:$0x3FD0];
	_ =	sdelay $0x2  }
0x91: {  	s16 =	simm.s32 $0xD;
	s4 =	simm.s32 $0x10  }
0x92: {  	[smem:s4], [sflag:s16] =	dma.local [hbm:s2], $0x1  }
0x93: {  	_ =	swait.eq [sflag:s16], $0x1  }
0x94: {  	[sflag:s16] =	ssyncset.done $0x0  }
0x95: {  	[sflag:s16] =	ssyncadd.s32 $0xFFFFFFFF  }
0x96: {  	s17 =	sld [smem:$0x11];
	(tm) =	ssettm $0x1  }
0x97: {  	s18 =	sld [smem:$0x3FFB];
	_ =	sdelay $0x3  }
0x98: {  	_ =	strace s18  }
0x99: {  	s2 =	sld [smem:$0x3FFC];
	_ =	sdelay $0x3  }
0x9a: {  	_ =	strace s2  }
0x9b: {  	s2 =	sld [smem:$0x3FFD];
	_ =	sdelay $0x3  }
0x9c: {  	_ =	strace s2  }
0x9d: {  	_ =	strace $0x8FFFFFFF  }
0x9e: {  	s19 =	sld [smem:$0x3FDB];
	_ =	sdelay $0x1  }
0x9f: {  	s20 =	simm.s32 $_scs_section_size  }
0xa0: {  	s5 =	simm.s32 $_size__tile_overlayer_lowered;
	s6 =	simm.s32 $_tile_overlayer_lowered  }
0xa1: {  	s7 =	simm.s32 $0x1BFF;
	s21 =	sshll.u32 s6, $0x1;
	s4 =	sadd.s32 s20, s19  }
0xa2: {  	s22 =	simm.s32 $0x0;
	s5 =	sshll.u32 s5, $0x1;
	s6 =	sadd.s32 s21, s4  }
0xa3: {  	[timem:s22], [sflag:s7] =	dma.local [hbm:s6], s5  }
0xa4: {  	_ =	swait.ge [sflag:s7], s5  }
0xa5: {  	s5 =	ssub.s32 $0x0, s5;
	[sflag:s7] =	ssyncset.done $0x0  }
0xa6: {  	[sflag:s7] =	ssyncadd.s32 s5;
	_ =	sdelay $0x1  }
0xa7: {  	s23 =	simm.s32 $0x1B8B  }
0xa8: {  	_ =	swait.ge [sflag:s23], $0x1  }
0xa9: {  	[sflag:s23] =	ssyncset.done $0x0  }
0xaa: {  	[sflag:s23] =	ssyncadd.s32 $0xFFFFFFFF  }
0xab: {  	s5 =	sld [smem:$0x0]  }
0xac: {  	s6 =	sand.u32 $0xFFFFFFFE, s1  }
0xad: {  	p0 =	sne.s32 s1, s6  }
0xae: {  	s6 =	sshll.u32 @p0 s6, $0xE  }
0xaf: {  	s6 =	sadd.s32 @p0 $0x11B8D, s6;
	s7 =	sshll.u32 @p0 s5, $0x11  }
0xb0: {  	s6 =	sor.u32 @p0 s7, s6  }
0xb1: {  	[sflag:s6] =	ssyncadd.remote.s32 @p0 $0x1;
	_ =	sdelay $0x1  }
0xb2: {  	s6 =	simm.s32 @p0 $0x1B8D  }
0xb3: {  	_ =	swait.eq @p0 [sflag:s6], $0x1  }
0xb4: {  	[sflag:s6] =	ssyncadd.s32 @p0 $0xFFFFFFFF  }
0xb5: {  	s7 =	sshll.u32 @!p0 s1, $0xE  }
0xb6: {  	s7 =	sor.u32 @!p0 $0x4000, s7;
	s6 =	simm.s32 @!p0 $0x1B8D  }
0xb7: {  	s5 =	sshll.u32 @!p0 s5, $0x11;
	s7 =	sadd.s32 @!p0 $0x11B8D, s7;
	_ =	swait.eq @!p0 [sflag:s6], $0x1  }
0xb8: {  	s5 =	sor.u32 @!p0 s5, s7;
	[sflag:s6] =	ssyncadd.s32 @!p0 $0xFFFFFFFF  }
0xb9: {  	s25 =	simm.s32 $0x1B8E;
	s24 =	sld [smem:$0x3FFE];
	[sflag:s5] =	ssyncadd.remote.s32 @!p0 $0x1  }
0xba: {  	s26 =	simm.s32 $execute0_lowered;
	[smem:$0x3FD2] =	sst s25  }
0xbb: {  	s6 =	sshll.u32 s26, $0x1;
	_ =	strace $0x8000004F;
	[dreg:$0x1] =	wrdreg $0xFFFFFFFF  }
0xbc: {  	s28 =	simm.s32 $_size_execute0_lowered;
	s4 =	sadd.s32 s4, s6;
	[dreg:$0x0] =	wrdreg $0x0  }
0xbd: {  	s6 =	sshll.u32 s28, $0x1;
	[dreg:$0x2] =	wrdreg s4  }
0xbe: {  	[dreg:$0x3] =	wrdreg s6  }
0xbf: {  	[dreg:$0x4] =	wrdreg $0xC0  }
0xc0: {  	_ =	task [dreg:s22], $0x5FFFF  }
0xc1: {  	[dreg:$0x1] =	wrdreg $0xFFFFFFFF  }
0xc2: {  	[dreg:$0x0] =	wrdreg $0x60  }
0xc3: {  	[dreg:$0x2] =	wrdreg s17  }
0xc4: {  	[dreg:$0x3] =	wrdreg s24  }
0xc5: {  	[dreg:$0x4] =	wrdreg $0x9  }
0xc6: {  	_ =	task.clear_ibuf [dreg:s22], $0x5FFFF;
	_ =	strace $0x9000004F  }
0xc7: {  	s29 =	simm.s32 $0x9;
	_ =	strace $0x80000051  }
0xc8: {  	_ =	swait.ge [sflag:s29], $0x1  }
0xc9: {  	[sflag:s29] =	ssyncadd.s32 $0xFFFFFFFF  }
0xca: {  	_ =	strace $0x90000051  }
0xcb: {  	_ =	sfence  }
0xcc: {  	s30 =	sld [smem:$0x0];
	_ =	sdelay $0x2  }
0xcd: {  	s31 =	sshll.u32 s1, $0xD;
	s1 =	sshrl.u32 s1, $0x2  }
0xce: {  	s4 =	sand.u32 $0x4000, s31;
	s1 =	sadd.s32 s1, s30  }
0xcf: {  	s0 =	sor.u32 s4, s0;
	s1 =	sshll.u32 s1, $0x11  }
0xd0: {  	s0 =	sor.u32 s1, s0  }
0xd1: {  	s0 =	sadd.s32 $0x8F2B, s0  }
0xd2: {  	[sflag:s0] =	ssyncadd.remote.s32 $0x1  }
0xd3: {  	_ =	sfence.sel $0xFFFF  }
0xd4: {  	[dreg:$0x0] =	wrdreg $0xFFFFFFFF;
	(pc) =	sbr.abs _section_cstart, $3  }
0xd5: {  	[dreg:$0x1] =	wrdreg $0xFFFFFFFF  }
0xd6: {  	_ =	task.clear_ibuf [dreg:s22], $0x2FFFF;
	_ =	strace $0x9FFFFFFF  }
0xd7: {  	(tm) =	ssettm $0x7FFFFFFF  }
tec
execute0_lowered:
.L_overlay_start_1:
0x0: {  	(tag) =	ssettag $0x1  }
0x1: {  	s1 =	srdreg.scid;
	s0 =	stileid.u32  }
0x2: {  	s2 =	rddreg [dreg:$0x0];
	s31 =	sand.u32 $0x1, s1;
	s4 =	sshll.u32 s0, $0x1  }
0x3: {  	s16 =	rddreg [dreg:$0x1];
	s3 =	simm.s32 $0x0;
	s17 =	sor.u32 s31, s4  }
0x4: {  	[smem:$0x7FF] =	sst s3;
	s25 =	sadd.s32 $0x4D400, s16;
	s4 =	sshll.u32 s17, $0x8  }
0x5: {  	s5 =	simm.s32 $0x1;
	_ =	strace $0x80000050;
	s4 =	sadd.s32 s25, s4  }
0x6: {  	[tilespmem:s3], [sflag:$0x1] =	stream.linear.gather [hbm4b:s4+s3], $0x200, $0x38;
	[tilespmem:$0x14400] =	vst v63  }
0x7: {  	_ =	swait.ge [sflag:s5], $0x200  }
0x8: {  	s6 =	simm.s32 $0x200;
	s26 =	sshll.u32 s17, $0xB;
	[sflag:s5] =	ssyncset.done $0x0  }
0x9: {  	s7 =	simm.s32 $0x400;
	s23 =	sor.u32 $0x200, s26;
	[sflag:s5] =	ssyncadd.s32 $0xFFFFFE00  }
0xa: {  	[tilespmem:s7], [sflag:$0x3] =	stream.indirect.gather [hbm4b:s2+s6], $0x40, s3, s6, $0xb8;
	[tilespmem:$0x14400] =	vst v63  }
0xb: {  	s9 =	simm.s32 $0x10400;
	s8 =	sadd.s32 $0x67400, s16;
	s10 =	sshrl.u32 s23, $0x3  }
0xc: {  	[tilespmem:s9], [sflag:$0x5] =	stream.indirect.gather [hbm4b:s8+s6], $0x10, s3, s6, $0xb8;
	[tilespmem:$0x14400] =	vst v63  }
0xd: {  	s11 =	simm.s32 $0x2;
	s10 =	sadd.s32 s25, s10  }
0xe: {  	[tilespmem:s6], [sflag:$0x2] =	stream.linear.gather [hbm4b:s10+s3], $0x200, $0x38;
	[tilespmem:$0x14400] =	vst v63  }
0xf: {  	_ =	swait.ge [sflag:s11], $0x200  }
0x10: {  	[sflag:s11] =	ssyncset.done $0x0  }
0x11: {  	s12 =	simm.s32 $0x8400;
	[sflag:s11] =	ssyncadd.s32 $0xFFFFFE00  }
0x12: {  	[tilespmem:s12], [sflag:$0x4] =	stream.indirect.gather [hbm4b:s2+s6], $0x40, s6, s6, $0xb8;
	[tilespmem:$0x14400] =	vst v63  }
0x13: {  	s13 =	simm.s32 $0x12400;
	s14 =	simm.s32 $0x3  }
0x14: {  	[tilespmem:s13], [sflag:$0x6] =	stream.indirect.gather [hbm4b:s8+s6], $0x10, s6, s6, $0xb8;
	[tilespmem:$0x14400] =	vst v63  }
0x15: {  	_ =	swait.ge [sflag:s14], $0x8000  }
0x16: {  	[sflag:s14] =	ssyncset.done $0x0  }
0x17: {  	s15 =	simm.s32 $0x5;
	[sflag:s14] =	ssyncadd.s32 $0xFFFF8000  }
0x18: {  	s29 =	sadd.s32 $0x22F400, s16;
	_ =	swait.ge [sflag:s15], $0x2000  }
0x19: {  	s30 =	sadd.s32 $0x2AF400, s16;
	s24 =	sshll.u32 s17, $0xE;
	[sflag:s15] =	ssyncset.done $0x0  }
0x1a: {  	s17 =	sshll.u32 s17, $0xC;
	s16 =	sadd.s32 s29, s24;
	[sflag:s15] =	ssyncadd.s32 $0xFFFFE000  }
0x1b: {  	[hbm4b:s16+s3] =	stream.linear.scatter [tilespmem:s7], [sflag:$0x7], $0x8000, $0x38;
	[tilespmem:$0x14400] =	vst v63  }
0x1c: {  	s18 =	simm.s32 $0x7;
	s17 =	sadd.s32 s30, s17  }
0x1d: {  	[hbm4b:s17+s3] =	stream.linear.scatter [tilespmem:s9], [sflag:$0x7], $0x2000, $0x38;
	[tilespmem:$0x14400] =	vst v63  }
0x1e: {  	_ =	swait.ge [sflag:s18], $0x8000  }
0x1f: {  	[sflag:s18] =	ssyncset.done $0x0  }
0x20: {  	[sflag:s18] =	ssyncadd.s32 $0xFFFF8000  }
0x21: {  	s28 =	sor.u32 $0x400, s26;
	_ =	swait.ge [sflag:s18], $0x2000  }
0x22: {  	s19 =	sshrl.u32 s28, $0x3;
	[sflag:s18] =	ssyncset.done $0x0  }
0x23: {  	s19 =	sadd.s32 s25, s19;
	[sflag:s18] =	ssyncadd.s32 $0xFFFFE000  }
0x24: {  	[tilespmem:s3], [sflag:$0x1] =	stream.linear.gather [hbm4b:s19+s3], $0x200, $0x38;
	[tilespmem:$0x14400] =	vst v63  }
0x25: {  	_ =	swait.ge [sflag:s5], $0x200  }
0x26: {  	[sflag:s5] =	ssyncset.done $0x0  }
0x27: {  	[sflag:s5] =	ssyncadd.s32 $0xFFFFFE00  }
0x28: {  	[tilespmem:s7], [sflag:$0x3] =	stream.indirect.gather [hbm4b:s2+s6], $0x40, s3, s6, $0xb8;
	[tilespmem:$0x14400] =	vst v63  }
0x29: {  	s20 =	simm.s32 $0x4  }
0x2a: {  	[tilespmem:s9], [sflag:$0x5] =	stream.indirect.gather [hbm4b:s8+s6], $0x10, s3, s6, $0xb8;
	[tilespmem:$0x14400] =	vst v63  }
0x2b: {  	_ =	swait.ge [sflag:s20], $0x8000  }
0x2c: {  	[sflag:s20] =	ssyncset.done $0x0  }
0x2d: {  	s21 =	simm.s32 $0x6;
	[sflag:s20] =	ssyncadd.s32 $0xFFFF8000  }
0x2e: {  	_ =	swait.ge [sflag:s21], $0x2000  }
0x2f: {  	s22 =	sshll.u32 s23, $0x3;
	[sflag:s21] =	ssyncset.done $0x0  }
0x30: {  	s23 =	sshll.u32 s23, $0x1;
	s22 =	sadd.s32 s29, s22;
	[sflag:s21] =	ssyncadd.s32 $0xFFFFE000  }
0x31: {  	[hbm4b:s22+s3] =	stream.linear.scatter [tilespmem:s12], [sflag:$0x8], $0x8000, $0x38;
	[tilespmem:$0x14400] =	vst v63  }
0x32: {  	s24 =	simm.s32 $0x8;
	s23 =	sadd.s32 s30, s23  }
0x33: {  	[hbm4b:s23+s3] =	stream.linear.scatter [tilespmem:s13], [sflag:$0x8], $0x2000, $0x38;
	[tilespmem:$0x14400] =	vst v63  }
0x34: {  	_ =	swait.ge [sflag:s24], $0x8000  }
0x35: {  	[sflag:s24] =	ssyncset.done $0x0  }
0x36: {  	[sflag:s24] =	ssyncadd.s32 $0xFFFF8000  }
0x37: {  	s1 =	sor.u32 $0x600, s26;
	_ =	swait.ge [sflag:s24], $0x2000  }
0x38: {  	s26 =	sshrl.u32 s1, $0x3;
	[sflag:s24] =	ssyncset.done $0x0  }
0x39: {  	s25 =	sadd.s32 s25, s26;
	[sflag:s24] =	ssyncadd.s32 $0xFFFFE000  }
0x3a: {  	[tilespmem:s6], [sflag:$0x2] =	stream.linear.gather [hbm4b:s25+s3], $0x200, $0x38;
	[tilespmem:$0x14400] =	vst v63  }
0x3b: {  	_ =	swait.ge [sflag:s11], $0x200  }
0x3c: {  	[sflag:s11] =	ssyncset.done $0x0  }
0x3d: {  	[sflag:s11] =	ssyncadd.s32 $0xFFFFFE00  }
0x3e: {  	[tilespmem:s12], [sflag:$0x4] =	stream.indirect.gather [hbm4b:s2+s6], $0x40, s6, s6, $0xb8;
	[tilespmem:$0x14400] =	vst v63  }
0x3f: {  	_ = 	snop  }
0x40: {  	[tilespmem:s13], [sflag:$0x6] =	stream.indirect.gather [hbm4b:s8+s6], $0x10, s6, s6, $0xb8;
	[tilespmem:$0x14400] =	vst v63  }
0x41: {  	_ =	swait.ge [sflag:s14], $0x8000  }
0x42: {  	[sflag:s14] =	ssyncset.done $0x0  }
0x43: {  	[sflag:s14] =	ssyncadd.s32 $0xFFFF8000  }
0x44: {  	_ =	swait.ge [sflag:s15], $0x2000  }
0x45: {  	s0 =	sshll.u32 s28, $0x3;
	[sflag:s15] =	ssyncset.done $0x0  }
0x46: {  	s28 =	sshll.u32 s28, $0x1;
	s26 =	sadd.s32 s29, s0;
	[sflag:s15] =	ssyncadd.s32 $0xFFFFE000  }
0x47: {  	[hbm4b:s26+s3] =	stream.linear.scatter [tilespmem:s7], [sflag:$0x7], $0x8000, $0x38;
	[tilespmem:$0x14400] =	vst v63  }
0x48: {  	s28 =	sadd.s32 s30, s28  }
0x49: {  	[hbm4b:s28+s3] =	stream.linear.scatter [tilespmem:s9], [sflag:$0x7], $0x2000, $0x38;
	[tilespmem:$0x14400] =	vst v63  }
0x4a: {  	_ =	swait.ge [sflag:s18], $0x8000  }
0x4b: {  	[sflag:s18] =	ssyncset.done $0x0  }
0x4c: {  	[sflag:s18] =	ssyncadd.s32 $0xFFFF8000  }
0x4d: {  	_ =	swait.ge [sflag:s18], $0x2000  }
0x4e: {  	[sflag:s18] =	ssyncset.done $0x0  }
0x4f: {  	[sflag:s18] =	ssyncadd.s32 $0xFFFFE000  }
0x50: {  	_ =	swait.ge [sflag:s20], $0x8000  }
0x51: {  	s0 =	sshll.u32 s1, $0x3;
	s1 =	sshll.u32 s1, $0x1;
	[sflag:s20] =	ssyncset.done $0x0  }
0x52: {  	s29 =	sadd.s32 s29, s0;
	s0 =	ssub.s32 $0x2, s31;
	[sflag:s20] =	ssyncadd.s32 $0xFFFF8000  }
0x53: {  	s30 =	sadd.s32 s30, s1;
	s1 =	sshrl.u32 s0, $0x1;
	_ =	swait.ge [sflag:s21], $0x2000  }
0x54: {  	s0 =	ssub.s32 s0, s1;
	[sflag:s21] =	ssyncset.done $0x0  }
0x55: {  	s0 =	smax.u32 s0, $0x1;
	[sflag:s21] =	ssyncadd.s32 $0xFFFFE000  }
0x56: {  	[hbm4b:s29+s3] =	stream.linear.scatter [tilespmem:s12], [sflag:$0x8], $0x8000, $0x38;
	[tilespmem:$0x14400] =	vst v63  }
0x57: {  	p0 =	sne.s32 s0, $0x1  }
0x58: {  	[hbm4b:s30+s3] =	stream.linear.scatter [tilespmem:s13], [sflag:$0x8], $0x2000, $0x38;
	[tilespmem:$0x14400] =	vst v63  }
.Ltmp0:
0x59: {  	_ =	swait.ge [sflag:s24], $0x8000;
	(pc) =	sbr.rel @!p0 .LBB2_2-.Ltmp0, $4  }
0x5a: {  	[sflag:s24] =	ssyncset.done $0x0  }
0x5b: {  	[sflag:s24] =	ssyncadd.s32 $0xFFFF8000  }
0x5c: {  	_ =	swait.ge [sflag:s24], $0x2000  }
0x5d: {  	s31 =	sadd.s32 $0xFFFFFFFF, s0;
	[sflag:s24] =	ssyncset.done $0x0  }
.LBB2_1:
0x5e: {  	p0 =	sne.s32 s31, $0x1;
	s31 =	sadd.s32 $0xFFFFFFFF, s31;
	[sflag:s24] =	ssyncadd.s32 $0xFFFFE000  }
0x5f: {  	[tilespmem:s3], [sflag:$0x1] =	stream.linear.gather [hbm4b:s4+s3], $0x200, $0x38;
	[tilespmem:$0x14400] =	vst v63  }
0x60: {  	_ =	swait.ge [sflag:s5], $0x200  }
0x61: {  	[sflag:s5] =	ssyncset.done $0x0  }
0x62: {  	[sflag:s5] =	ssyncadd.s32 $0xFFFFFE00  }
0x63: {  	[tilespmem:s7], [sflag:$0x3] =	stream.indirect.gather [hbm4b:s2+s6], $0x40, s3, s6, $0xb8;
	[tilespmem:$0x14400] =	vst v63  }
0x64: {  	_ = 	snop  }
0x65: {  	[tilespmem:s9], [sflag:$0x5] =	stream.indirect.gather [hbm4b:s8+s6], $0x10, s3, s6, $0xb8;
	[tilespmem:$0x14400] =	vst v63  }
0x66: {  	_ = 	snop  }
0x67: {  	[tilespmem:s6], [sflag:$0x2] =	stream.linear.gather [hbm4b:s10+s3], $0x200, $0x38;
	[tilespmem:$0x14400] =	vst v63  }
0x68: {  	_ =	swait.ge [sflag:s11], $0x200  }
0x69: {  	[sflag:s11] =	ssyncset.done $0x0  }
0x6a: {  	[sflag:s11] =	ssyncadd.s32 $0xFFFFFE00  }
0x6b: {  	[tilespmem:s12], [sflag:$0x4] =	stream.indirect.gather [hbm4b:s2+s6], $0x40, s6, s6, $0xb8;
	[tilespmem:$0x14400] =	vst v63  }
0x6c: {  	_ = 	snop  }
0x6d: {  	[tilespmem:s13], [sflag:$0x6] =	stream.indirect.gather [hbm4b:s8+s6], $0x10, s6, s6, $0xb8;
	[tilespmem:$0x14400] =	vst v63  }
0x6e: {  	_ =	swait.ge [sflag:s14], $0x8000  }
0x6f: {  	[sflag:s14] =	ssyncset.done $0x0  }
0x70: {  	[sflag:s14] =	ssyncadd.s32 $0xFFFF8000  }
0x71: {  	_ =	swait.ge [sflag:s15], $0x2000  }
0x72: {  	[sflag:s15] =	ssyncset.done $0x0  }
0x73: {  	[sflag:s15] =	ssyncadd.s32 $0xFFFFE000  }
0x74: {  	[hbm4b:s16+s3] =	stream.linear.scatter [tilespmem:s7], [sflag:$0x7], $0x8000, $0x38;
	[tilespmem:$0x14400] =	vst v63  }
0x75: {  	_ = 	snop  }
0x76: {  	[hbm4b:s17+s3] =	stream.linear.scatter [tilespmem:s9], [sflag:$0x7], $0x2000, $0x38;
	[tilespmem:$0x14400] =	vst v63  }
0x77: {  	_ =	swait.ge [sflag:s18], $0x8000  }
0x78: {  	[sflag:s18] =	ssyncset.done $0x0  }
0x79: {  	[sflag:s18] =	ssyncadd.s32 $0xFFFF8000  }
0x7a: {  	_ =	swait.ge [sflag:s18], $0x2000  }
0x7b: {  	[sflag:s18] =	ssyncset.done $0x0  }
0x7c: {  	[sflag:s18] =	ssyncadd.s32 $0xFFFFE000  }
0x7d: {  	[tilespmem:s3], [sflag:$0x1] =	stream.linear.gather [hbm4b:s19+s3], $0x200, $0x38;
	[tilespmem:$0x14400] =	vst v63  }
0x7e: {  	_ =	swait.ge [sflag:s5], $0x200  }
0x7f: {  	[sflag:s5] =	ssyncset.done $0x0  }
0x80: {  	[sflag:s5] =	ssyncadd.s32 $0xFFFFFE00  }
0x81: {  	[tilespmem:s7], [sflag:$0x3] =	stream.indirect.gather [hbm4b:s2+s6], $0x40, s3, s6, $0xb8;
	[tilespmem:$0x14400] =	vst v63  }
0x82: {  	_ = 	snop  }
0x83: {  	[tilespmem:s9], [sflag:$0x5] =	stream.indirect.gather [hbm4b:s8+s6], $0x10, s3, s6, $0xb8;
	[tilespmem:$0x14400] =	vst v63  }
0x84: {  	_ =	swait.ge [sflag:s20], $0x8000  }
0x85: {  	[sflag:s20] =	ssyncset.done $0x0  }
0x86: {  	[sflag:s20] =	ssyncadd.s32 $0xFFFF8000  }
0x87: {  	_ =	swait.ge [sflag:s21], $0x2000  }
0x88: {  	[sflag:s21] =	ssyncset.done $0x0  }
0x89: {  	[sflag:s21] =	ssyncadd.s32 $0xFFFFE000  }
0x8a: {  	[hbm4b:s22+s3] =	stream.linear.scatter [tilespmem:s12], [sflag:$0x8], $0x8000, $0x38;
	[tilespmem:$0x14400] =	vst v63  }
0x8b: {  	_ = 	snop  }
0x8c: {  	[hbm4b:s23+s3] =	stream.linear.scatter [tilespmem:s13], [sflag:$0x8], $0x2000, $0x38;
	[tilespmem:$0x14400] =	vst v63  }
0x8d: {  	_ =	swait.ge [sflag:s24], $0x8000  }
0x8e: {  	[sflag:s24] =	ssyncset.done $0x0  }
0x8f: {  	[sflag:s24] =	ssyncadd.s32 $0xFFFF8000  }
0x90: {  	_ =	swait.ge [sflag:s24], $0x2000  }
0x91: {  	[sflag:s24] =	ssyncset.done $0x0  }
0x92: {  	[sflag:s24] =	ssyncadd.s32 $0xFFFFE000  }
0x93: {  	[tilespmem:s6], [sflag:$0x2] =	stream.linear.gather [hbm4b:s25+s3], $0x200, $0x38;
	[tilespmem:$0x14400] =	vst v63  }
0x94: {  	_ =	swait.ge [sflag:s11], $0x200  }
0x95: {  	[sflag:s11] =	ssyncset.done $0x0  }
0x96: {  	[sflag:s11] =	ssyncadd.s32 $0xFFFFFE00  }
0x97: {  	[tilespmem:s12], [sflag:$0x4] =	stream.indirect.gather [hbm4b:s2+s6], $0x40, s6, s6, $0xb8;
	[tilespmem:$0x14400] =	vst v63  }
0x98: {  	_ = 	snop  }
0x99: {  	[tilespmem:s13], [sflag:$0x6] =	stream.indirect.gather [hbm4b:s8+s6], $0x10, s6, s6, $0xb8;
	[tilespmem:$0x14400] =	vst v63  }
0x9a: {  	_ =	swait.ge [sflag:s14], $0x8000  }
0x9b: {  	[sflag:s14] =	ssyncset.done $0x0  }
0x9c: {  	[sflag:s14] =	ssyncadd.s32 $0xFFFF8000  }
0x9d: {  	_ =	swait.ge [sflag:s15], $0x2000  }
0x9e: {  	[sflag:s15] =	ssyncset.done $0x0  }
0x9f: {  	[sflag:s15] =	ssyncadd.s32 $0xFFFFE000  }
0xa0: {  	[hbm4b:s26+s3] =	stream.linear.scatter [tilespmem:s7], [sflag:$0x7], $0x8000, $0x38;
	[tilespmem:$0x14400] =	vst v63  }
0xa1: {  	_ = 	snop  }
0xa2: {  	[hbm4b:s28+s3] =	stream.linear.scatter [tilespmem:s9], [sflag:$0x7], $0x2000, $0x38;
	[tilespmem:$0x14400] =	vst v63  }
0xa3: {  	_ =	swait.ge [sflag:s18], $0x8000  }
0xa4: {  	[sflag:s18] =	ssyncset.done $0x0  }
0xa5: {  	[sflag:s18] =	ssyncadd.s32 $0xFFFF8000  }
0xa6: {  	_ =	swait.ge [sflag:s18], $0x2000  }
0xa7: {  	[sflag:s18] =	ssyncset.done $0x0  }
0xa8: {  	[sflag:s18] =	ssyncadd.s32 $0xFFFFE000  }
0xa9: {  	_ =	swait.ge [sflag:s20], $0x8000  }
0xaa: {  	[sflag:s20] =	ssyncset.done $0x0  }
0xab: {  	[sflag:s20] =	ssyncadd.s32 $0xFFFF8000  }
0xac: {  	_ =	swait.ge [sflag:s21], $0x2000  }
0xad: {  	[sflag:s21] =	ssyncset.done $0x0  }
0xae: {  	[sflag:s21] =	ssyncadd.s32 $0xFFFFE000  }
0xaf: {  	[hbm4b:s29+s3] =	stream.linear.scatter [tilespmem:s12], [sflag:$0x8], $0x8000, $0x38;
	[tilespmem:$0x14400] =	vst v63  }
0xb0: {  	_ = 	snop  }
0xb1: {  	[hbm4b:s30+s3] =	stream.linear.scatter [tilespmem:s13], [sflag:$0x8], $0x2000, $0x38;
	[tilespmem:$0x14400] =	vst v63  }
.Ltmp1:
0xb2: {  	_ =	swait.ge [sflag:s24], $0x8000;
	(pc) =	sbr.rel @p0 .LBB2_1-.Ltmp1, $4  }
0xb3: {  	[sflag:s24] =	ssyncset.done $0x0  }
0xb4: {  	[sflag:s24] =	ssyncadd.s32 $0xFFFF8000  }
0xb5: {  	_ =	swait.ge [sflag:s24], $0x2000  }
0xb6: {  	[sflag:s24] =	ssyncset.done $0x0  }
.LBB2_2:
0xb7: {  	[sflag:s24] =	ssyncadd.s32 $0xFFFFE000  }
0xb8: {  	_ =	sfence.sel $0x180000  }
0xb9: {  	[bflag:$0x0] =	sbarrier.arrive $0xFFFF  }
0xba: {  	_ =	strace $0x90000050  }
0xbb: {  	s0 =	stileid.u32;
	[bflag:$0x2] =	sbarrier.arrive $0xFFFF  }
0xbc: {  	p0 =	sne.s32 s0, $0x0;
	s0 =	rddreg [dreg:$0x2]  }
0xbd: {  	s0 =	sadd.s32 @!p0 $0x100000, s0  }
0xbe: {  	[sflag:s0] =	ssyncadd.tile.s32 @!p0 $0x1;
	_ =	shalt  }
.Lfunc_end2:
_tile_overlayer_lowered:
.L_overlay_start_2:
0xbf: {  	(tag) =	ssettag $0x2  }
0xc0: {  	s0 =	rddreg [dreg:$0x0];
	s2 =	stileid.u32  }
0xc1: {  	s1 =	rddreg [dreg:$0x1];
	p0 =	sne.s32 s2, $0x0  }
0xc2: {  	s3 =	rddreg [dreg:$0x2];
	[bflag:$0x3] =	sbarrier.arrive $0xFFFF;
	s2 =	simm.s32 @!p0 $0x1C09  }
0xc3: {  	[timem:s3], [sflag:s2] =	dma.local @!p0 [hbm:s0], s1  }
0xc4: {  	s0 =	simm.s32 @!p0 $0x9  }
0xc5: {  	_ =	swait.ge @!p0 [sflag:s0], s1  }
0xc6: {  	s1 =	ssub.s32 @!p0 $0x0, s1;
	[sflag:s0] =	ssyncset.done @!p0 $0x0  }
0xc7: {  	[sflag:s0] =	ssyncadd.s32 @!p0 s1  }
0xc8: {  	[bflag:$0x3] =	sbarrier.arrive $0xFFFF  }
0xc9: {  	_ =	shalt  }

// kernel: kernel.17.cloned.1.call-start
scs
__scs_entry_jumppad:
0x0: {  	(pc) =	sbr.rel $0x88, $3  }
0x1: {  	(tag) =	ssettag $0x0;
	lr =	simm.s32 $0x1  }
0x2: {  	[smem:$0x3F8B] =	sst lr;
	_ =	strace $0xD0000000  }
0x3: {  	_ = 	snop  }
0x4: {  	_ = 	snop  }
0x5: {  	_ = 	snop  }
0x6: {  	_ = 	snop  }
0x7: {  	_ = 	snop  }
__scs_overlays_trampoline_lowered:
0x8: {  	[smem:$0x3F9A] =	sst s0  }
0x9: {  	[smem:$0x3F9B] =	sst s1  }
0xa: {  	[smem:$0x3F9C] =	sst s2  }
0xb: {  	[smem:$0x3F9D] =	sst s3  }
0xc: {  	[smem:$0x3F9E] =	sst s4  }
0xd: {  	[smem:$0x3F9F] =	sst s5  }
0xe: {  	[smem:$0x3FA0] =	sst s6  }
0xf: {  	[smem:$0x3FA1] =	sst s7  }
0x10: {  	[smem:$0x3FA2] =	sst s8  }
0x11: {  	[smem:$0x3FA3] =	sst s9;
	s0 =	simm.s32 @!p0 $0x0  }
0x12: {  	s1 =	sld [smem:$0x3F89];
	s0 =	simm.s32 @p0 $0x1  }
0x13: {  	[smem:$0x3FA4] =	sst s0;
	s0 =	simm.s32 @!p1 $0x0  }
0x14: {  	s2 =	sld [smem:$0x3F88];
	s0 =	simm.s32 @p1 $0x1  }
0x15: {  	[smem:$0x3FA5] =	sst s0;
	s0 =	simm.s32 @!p2 $0x0  }
0x16: {  	s3 =	sld [smem:$0x3FDB];
	s0 =	simm.s32 @p2 $0x1  }
0x17: {  	s4 =	simm.s32 $0x1BF5;
	[smem:$0x3FA7] =	sst s0  }
0x18: {  	s0 =	sld [smem:$0x3F8A];
	_ =	swait.ge [sflag:s4], $0x0  }
0x19: {  	s7 =	sld [smem:$0x3F8B]  }
0x1a: {  	s8 =	sadd.s32 $0xFFFFE003, lr  }
0x1b: {  	s9 =	sadd.s32 $0xFFFFFEF7, lr;
	s5 =	simm.s32 $0xFFFFFFFF;
	p2 =	slt.u32 s8, $0xFFFFF086  }
0x1c: {  	p1 =	slt.u32 s9, $0xF7A;
	s5 =	simm.s32 @!p2 $0x0  }
0x1d: {  	s5 =	simm.s32 @p1 $0x1;
	p0 =	seq.s32 s7, s2  }
0x1e: {  	s7 =	smul.u32 @!p0 $0xF7A, s2;
	p2 =	seq.s32 @!p0 s5, $0x0  }
0x1f: {  	s9 =	smul.u32 $0xF7A, s1;
	s8 =	simm.s32 @!p0 $0x1BF5;
	p2 =	por !p2, p0  }
0x20: {  	[sflag:s8] =	ssyncset.s32 @!p0 $0xFFFFF086;
	s6 =	sadd.s32 @!p0 s3, s7;
	s7 =	simm.s32 @!p0 $0x108  }
0x21: {  	s3 =	sadd.s32 s3, s9;
	s6 =	sadd.s32 @!p0 $0x88, s6;
	s7 =	simm.s32 @p2 $0x1082  }
0x22: {  	[simem:s7], [sflag:s8] =	dma.local @!p0 [hbm:s6], $0xF7A  }
0x23: {  	s9 =	sor.u32 $0xD0000000, s2;
	s6 =	simm.s32 $0x108;
	_ =	swait.ge @!p0 [sflag:s8], $0x0  }
0x24: {  	s3 =	sadd.s32 $0x88, s3;
	s6 =	simm.s32 @!p1 $0x1082;
	[sflag:s4] =	ssyncset.s32 $0xFFFFF086  }
0x25: {  	[simem:s6], [sflag:s4] =	dma.local [hbm:s3], $0xF7A  }
0x26: {  	[smem:$0x3F8B] =	sst s1;
	(tag) =	ssettag s2;
	_ =	strace s9  }
0x27: {  	s1 =	sld [smem:$0x3F9B]  }
0x28: {  	s2 =	sld [smem:$0x3F9C]  }
0x29: {  	s4 =	sld [smem:$0x3F9E]  }
0x2a: {  	p0 =	seq.s32 s5, $0x0;
	s5 =	sld [smem:$0x3F9F]  }
0x2b: {  	s6 =	sld [smem:$0x3FA0]  }
0x2c: {  	s7 =	sld [smem:$0x3FA1]  }
0x2d: {  	s3 =	simm.s32 $0x108;
	s8 =	sld [smem:$0x3FA2]  }
0x2e: {  	s3 =	simm.s32 @!p0 $0x1082;
	s9 =	sld [smem:$0x3FA3]  }
0x2f: {  	lr =	sadd.s32 s0, s3;
	s0 =	sld [smem:$0x3F9A]  }
0x30: {  	s3 =	sld [smem:$0x3F9D]  }
0x31: {  	[smem:$0x3FA6] =	sst s10  }
0x32: {  	s10 =	sld [smem:$0x3FA4];
	_ =	sdelay $0x3  }
0x33: {  	p0 =	seq.s32 s10, $0x1;
	s10 =	sld [smem:$0x3FA6];
	_ =	sdelay $0x3  }
0x34: {  	[smem:$0x3FA6] =	sst s10  }
0x35: {  	s10 =	sld [smem:$0x3FA5];
	_ =	sdelay $0x3  }
0x36: {  	p1 =	seq.s32 s10, $0x1;
	s10 =	sld [smem:$0x3FA6];
	_ =	sdelay $0x3  }
0x37: {  	[smem:$0x3FA6] =	sst s10  }
0x38: {  	s10 =	sld [smem:$0x3FA7]  }
0x39: {  	_ = 	snop;
	(pc) =	sbr.ind lr, $3  }
0x3a: {  	_ = 	snop  }
0x3b: {  	_ = 	snop  }
0x3c: {  	p2 =	seq.s32 s10, $0x1;
	s10 =	sld [smem:$0x3FA6]  }
0x3d: {  	_ =	shalt  }
0x3e: {  	_ =	shalt  }
0x3f: {  	_ =	shalt  }
0x40: {  	_ =	shalt  }
0x41: {  	_ =	shalt  }
0x42: {  	_ =	shalt  }
0x43: {  	_ =	shalt  }
0x44: {  	_ =	shalt  }
0x45: {  	_ =	shalt  }
0x46: {  	_ =	shalt  }
0x47: {  	_ =	shalt  }
0x48: {  	_ =	shalt  }
0x49: {  	_ =	shalt  }
0x4a: {  	_ =	shalt  }
0x4b: {  	_ =	shalt  }
0x4c: {  	_ =	shalt  }
0x4d: {  	_ =	shalt  }
0x4e: {  	_ =	shalt  }
0x4f: {  	_ =	shalt  }
0x50: {  	_ =	shalt  }
0x51: {  	_ =	shalt  }
0x52: {  	_ =	shalt  }
0x53: {  	_ =	shalt  }
0x54: {  	_ =	shalt  }
0x55: {  	_ =	shalt  }
0x56: {  	_ =	shalt  }
0x57: {  	_ =	shalt  }
0x58: {  	_ =	shalt  }
0x59: {  	_ =	shalt  }
0x5a: {  	_ =	shalt  }
0x5b: {  	_ =	shalt  }
0x5c: {  	_ =	shalt  }
0x5d: {  	_ =	shalt  }
0x5e: {  	_ =	shalt  }
0x5f: {  	_ =	shalt  }
0x60: {  	_ =	shalt  }
0x61: {  	_ =	shalt  }
0x62: {  	_ =	shalt  }
0x63: {  	_ =	shalt  }
0x64: {  	_ =	shalt  }
0x65: {  	_ =	shalt  }
0x66: {  	_ =	shalt  }
0x67: {  	_ =	shalt  }
0x68: {  	_ =	shalt  }
0x69: {  	_ =	shalt  }
0x6a: {  	_ =	shalt  }
0x6b: {  	_ =	shalt  }
0x6c: {  	_ =	shalt  }
0x6d: {  	_ =	shalt  }
0x6e: {  	_ =	shalt  }
0x6f: {  	_ =	shalt  }
0x70: {  	_ =	shalt  }
0x71: {  	_ =	shalt  }
0x72: {  	_ =	shalt  }
0x73: {  	_ =	shalt  }
0x74: {  	_ =	shalt  }
0x75: {  	_ =	shalt  }
0x76: {  	_ =	shalt  }
0x77: {  	_ =	shalt  }
0x78: {  	_ =	shalt  }
0x79: {  	_ =	shalt  }
0x7a: {  	_ =	shalt  }
0x7b: {  	_ =	shalt  }
0x7c: {  	_ =	shalt  }
0x7d: {  	_ =	shalt  }
0x7e: {  	_ =	shalt  }
0x7f: {  	_ =	shalt  }
0x80: {  	_ =	shalt  }
0x81: {  	_ =	shalt  }
0x82: {  	_ =	shalt  }
0x83: {  	_ =	shalt  }
0x84: {  	_ =	shalt  }
0x85: {  	_ =	shalt  }
0x86: {  	_ =	shalt  }
0x87: {  	_ =	shalt  }
.Lfunc_end0:
.L_simem_size_0:
called_computation.1_lowered:
.L_overlay_start_0:
0x88: {  	s2 =	sld [smem:$0x3FD9]  }
0x89: {  	s3 =	sld [smem:$0x3FFE];
	_ =	sdelay $0x1  }
0x8a: {  	s1 =	srdreg.scid  }
0x8b: {  	s0 =	sand.u32 $0x1, s1  }
0x8c: {  	s15 =	sshll.u32 s0, $0xA;
	s2 =	sadd.s32 s3, s2  }
0x8d: {  	s2 =	sadd.s32 s2, s15  }
0x8e: {  	[smem:$0x3FB2] =	sst s2  }
0x8f: {  	_ = 	snop  }
0x90: {  	s2 =	sld [smem:$0x3FD0];
	_ =	sdelay $0x2  }
0x91: {  	s16 =	simm.s32 $0xD;
	s4 =	simm.s32 $0x10  }
0x92: {  	[smem:s4], [sflag:s16] =	dma.local [hbm:s2], $0x1  }
0x93: {  	_ =	swait.eq [sflag:s16], $0x1  }
0x94: {  	[sflag:s16] =	ssyncset.done $0x0  }
0x95: {  	[sflag:s16] =	ssyncadd.s32 $0xFFFFFFFF  }
0x96: {  	s17 =	sld [smem:$0x11];
	(tm) =	ssettm $0x1  }
0x97: {  	s18 =	sld [smem:$0x3FFB];
	_ =	sdelay $0x3  }
0x98: {  	_ =	strace s18  }
0x99: {  	s2 =	sld [smem:$0x3FFC];
	_ =	sdelay $0x3  }
0x9a: {  	_ =	strace s2  }
0x9b: {  	s2 =	sld [smem:$0x3FFD];
	_ =	sdelay $0x3  }
0x9c: {  	_ =	strace s2  }
0x9d: {  	_ =	strace $0x8FFFFFFF  }
0x9e: {  	s19 =	sld [smem:$0x3FDB];
	_ =	sdelay $0x1  }
0x9f: {  	s20 =	simm.s32 $_scs_section_size  }
0xa0: {  	s5 =	simm.s32 $_size__tile_overlayer_lowered;
	s6 =	simm.s32 $_tile_overlayer_lowered  }
0xa1: {  	s7 =	simm.s32 $0x1BFF;
	s21 =	sshll.u32 s6, $0x1;
	s4 =	sadd.s32 s20, s19  }
0xa2: {  	s22 =	simm.s32 $0x0;
	s5 =	sshll.u32 s5, $0x1;
	s6 =	sadd.s32 s21, s4  }
0xa3: {  	[timem:s22], [sflag:s7] =	dma.local [hbm:s6], s5  }
0xa4: {  	_ =	swait.ge [sflag:s7], s5  }
0xa5: {  	s5 =	ssub.s32 $0x0, s5;
	[sflag:s7] =	ssyncset.done $0x0  }
0xa6: {  	[sflag:s7] =	ssyncadd.s32 s5;
	_ =	sdelay $0x1  }
0xa7: {  	s23 =	simm.s32 $0x1B8B  }
0xa8: {  	_ =	swait.ge [sflag:s23], $0x1  }
0xa9: {  	[sflag:s23] =	ssyncset.done $0x0  }
0xaa: {  	[sflag:s23] =	ssyncadd.s32 $0xFFFFFFFF  }
0xab: {  	s5 =	sld [smem:$0x0]  }
0xac: {  	s6 =	sand.u32 $0xFFFFFFFE, s1  }
0xad: {  	p0 =	sne.s32 s1, s6  }
0xae: {  	s6 =	sshll.u32 @p0 s6, $0xE  }
0xaf: {  	s6 =	sadd.s32 @p0 $0x11B8D, s6;
	s7 =	sshll.u32 @p0 s5, $0x11  }
0xb0: {  	s6 =	sor.u32 @p0 s7, s6  }
0xb1: {  	[sflag:s6] =	ssyncadd.remote.s32 @p0 $0x1;
	_ =	sdelay $0x1  }
0xb2: {  	s6 =	simm.s32 @p0 $0x1B8D  }
0xb3: {  	_ =	swait.eq @p0 [sflag:s6], $0x1  }
0xb4: {  	[sflag:s6] =	ssyncadd.s32 @p0 $0xFFFFFFFF  }
0xb5: {  	s7 =	sshll.u32 @!p0 s1, $0xE  }
0xb6: {  	s7 =	sor.u32 @!p0 $0x4000, s7;
	s6 =	simm.s32 @!p0 $0x1B8D  }
0xb7: {  	s5 =	sshll.u32 @!p0 s5, $0x11;
	s7 =	sadd.s32 @!p0 $0x11B8D, s7;
	_ =	swait.eq @!p0 [sflag:s6], $0x1  }
0xb8: {  	s5 =	sor.u32 @!p0 s5, s7;
	[sflag:s6] =	ssyncadd.s32 @!p0 $0xFFFFFFFF  }
0xb9: {  	s25 =	simm.s32 $0x1B8E;
	s24 =	sld [smem:$0x3FFE];
	[sflag:s5] =	ssyncadd.remote.s32 @!p0 $0x1  }
0xba: {  	s26 =	simm.s32 $execute0_lowered;
	[smem:$0x3FD2] =	sst s25  }
0xbb: {  	s6 =	sshll.u32 s26, $0x1;
	_ =	strace $0x8000004C;
	[dreg:$0x1] =	wrdreg $0xFFFFFFFF  }
0xbc: {  	s28 =	simm.s32 $_size_execute0_lowered;
	s4 =	sadd.s32 s4, s6;
	[dreg:$0x0] =	wrdreg $0x0  }
0xbd: {  	s6 =	sshll.u32 s28, $0x1;
	[dreg:$0x2] =	wrdreg s4  }
0xbe: {  	[dreg:$0x3] =	wrdreg s6  }
0xbf: {  	[dreg:$0x4] =	wrdreg $0xC0  }
0xc0: {  	_ =	task [dreg:s22], $0x5FFFF  }
0xc1: {  	[dreg:$0x1] =	wrdreg $0xFFFFFFFF  }
0xc2: {  	[dreg:$0x0] =	wrdreg $0x60  }
0xc3: {  	[dreg:$0x2] =	wrdreg s17  }
0xc4: {  	[dreg:$0x3] =	wrdreg s24  }
0xc5: {  	[dreg:$0x4] =	wrdreg $0xA  }
0xc6: {  	_ =	task.clear_ibuf [dreg:s22], $0x5FFFF;
	_ =	strace $0x9000004C  }
0xc7: {  	s29 =	simm.s32 $0xA;
	_ =	strace $0x8000004E  }
0xc8: {  	_ =	swait.ge [sflag:s29], $0x1  }
0xc9: {  	[sflag:s29] =	ssyncadd.s32 $0xFFFFFFFF  }
0xca: {  	_ =	strace $0x9000004E  }
0xcb: {  	_ =	sfence  }
0xcc: {  	s30 =	sld [smem:$0x0];
	_ =	sdelay $0x2  }
0xcd: {  	s31 =	sshll.u32 s1, $0xD;
	s1 =	sshrl.u32 s1, $0x2  }
0xce: {  	s4 =	sand.u32 $0x4000, s31;
	s1 =	sadd.s32 s1, s30  }
0xcf: {  	s0 =	sor.u32 s4, s0;
	s1 =	sshll.u32 s1, $0x11  }
0xd0: {  	s0 =	sor.u32 s1, s0  }
0xd1: {  	s0 =	sadd.s32 $0x8F2B, s0  }
0xd2: {  	[sflag:s0] =	ssyncadd.remote.s32 $0x1  }
0xd3: {  	_ =	sfence.sel $0xFFFF  }
0xd4: {  	[dreg:$0x0] =	wrdreg $0xFFFFFFFF;
	(pc) =	sbr.abs _section_cstart, $3  }
0xd5: {  	[dreg:$0x1] =	wrdreg $0xFFFFFFFF  }
0xd6: {  	_ =	task.clear_ibuf [dreg:s22], $0x2FFFF;
	_ =	strace $0x9FFFFFFF  }
0xd7: {  	(tm) =	ssettm $0x7FFFFFFF  }
tec
execute0_lowered:
.L_overlay_start_1:
0x0: {  	(tag) =	ssettag $0x1  }
0x1: {  	s1 =	srdreg.scid;
	s0 =	stileid.u32  }
0x2: {  	s2 =	rddreg [dreg:$0x0];
	s31 =	sand.u32 $0x1, s1;
	s4 =	sshll.u32 s0, $0x1  }
0x3: {  	s16 =	rddreg [dreg:$0x1];
	s3 =	simm.s32 $0x0;
	s17 =	sor.u32 s31, s4  }
0x4: {  	[smem:$0x7FF] =	sst s3;
	s25 =	sadd.s32 $0x4B400, s16;
	s4 =	sshll.u32 s17, $0x8  }
0x5: {  	s5 =	simm.s32 $0x1;
	_ =	strace $0x8000004D;
	s4 =	sadd.s32 s25, s4  }
0x6: {  	[tilespmem:s3], [sflag:$0x1] =	stream.linear.gather [hbm4b:s4+s3], $0x200, $0x38;
	[tilespmem:$0x14400] =	vst v63  }
0x7: {  	_ =	swait.ge [sflag:s5], $0x200  }
0x8: {  	s6 =	simm.s32 $0x200;
	s26 =	sshll.u32 s17, $0xB;
	[sflag:s5] =	ssyncset.done $0x0  }
0x9: {  	s7 =	simm.s32 $0x400;
	s23 =	sor.u32 $0x200, s26;
	[sflag:s5] =	ssyncadd.s32 $0xFFFFFE00  }
0xa: {  	[tilespmem:s7], [sflag:$0x3] =	stream.indirect.gather [hbm4b:s2+s6], $0x40, s3, s6, $0xb8;
	[tilespmem:$0x14400] =	vst v63  }
0xb: {  	s9 =	simm.s32 $0x10400;
	s8 =	sadd.s32 $0x67400, s16;
	s10 =	sshrl.u32 s23, $0x3  }
0xc: {  	[tilespmem:s9], [sflag:$0x5] =	stream.indirect.gather [hbm4b:s8+s6], $0x10, s3, s6, $0xb8;
	[tilespmem:$0x14400] =	vst v63  }
0xd: {  	s11 =	simm.s32 $0x2;
	s10 =	sadd.s32 s25, s10  }
0xe: {  	[tilespmem:s6], [sflag:$0x2] =	stream.linear.gather [hbm4b:s10+s3], $0x200, $0x38;
	[tilespmem:$0x14400] =	vst v63  }
0xf: {  	_ =	swait.ge [sflag:s11], $0x200  }
0x10: {  	[sflag:s11] =	ssyncset.done $0x0  }
0x11: {  	s12 =	simm.s32 $0x8400;
	[sflag:s11] =	ssyncadd.s32 $0xFFFFFE00  }
0x12: {  	[tilespmem:s12], [sflag:$0x4] =	stream.indirect.gather [hbm4b:s2+s6], $0x40, s6, s6, $0xb8;
	[tilespmem:$0x14400] =	vst v63  }
0x13: {  	s13 =	simm.s32 $0x12400;
	s14 =	simm.s32 $0x3  }
0x14: {  	[tilespmem:s13], [sflag:$0x6] =	stream.indirect.gather [hbm4b:s8+s6], $0x10, s6, s6, $0xb8;
	[tilespmem:$0x14400] =	vst v63  }
0x15: {  	_ =	swait.ge [sflag:s14], $0x8000  }
0x16: {  	[sflag:s14] =	ssyncset.done $0x0  }
0x17: {  	s15 =	simm.s32 $0x5;
	[sflag:s14] =	ssyncadd.s32 $0xFFFF8000  }
0x18: {  	s29 =	sadd.s32 $0x18F400, s16;
	_ =	swait.ge [sflag:s15], $0x2000  }
0x19: {  	s30 =	sadd.s32 $0x20F400, s16;
	s24 =	sshll.u32 s17, $0xE;
	[sflag:s15] =	ssyncset.done $0x0  }
0x1a: {  	s17 =	sshll.u32 s17, $0xC;
	s16 =	sadd.s32 s29, s24;
	[sflag:s15] =	ssyncadd.s32 $0xFFFFE000  }
0x1b: {  	[hbm4b:s16+s3] =	stream.linear.scatter [tilespmem:s7], [sflag:$0x7], $0x8000, $0x38;
	[tilespmem:$0x14400] =	vst v63  }
0x1c: {  	s18 =	simm.s32 $0x7;
	s17 =	sadd.s32 s30, s17  }
0x1d: {  	[hbm4b:s17+s3] =	stream.linear.scatter [tilespmem:s9], [sflag:$0x7], $0x2000, $0x38;
	[tilespmem:$0x14400] =	vst v63  }
0x1e: {  	_ =	swait.ge [sflag:s18], $0x8000  }
0x1f: {  	[sflag:s18] =	ssyncset.done $0x0  }
0x20: {  	[sflag:s18] =	ssyncadd.s32 $0xFFFF8000  }
0x21: {  	s28 =	sor.u32 $0x400, s26;
	_ =	swait.ge [sflag:s18], $0x2000  }
0x22: {  	s19 =	sshrl.u32 s28, $0x3;
	[sflag:s18] =	ssyncset.done $0x0  }
0x23: {  	s19 =	sadd.s32 s25, s19;
	[sflag:s18] =	ssyncadd.s32 $0xFFFFE000  }
0x24: {  	[tilespmem:s3], [sflag:$0x1] =	stream.linear.gather [hbm4b:s19+s3], $0x200, $0x38;
	[tilespmem:$0x14400] =	vst v63  }
0x25: {  	_ =	swait.ge [sflag:s5], $0x200  }
0x26: {  	[sflag:s5] =	ssyncset.done $0x0  }
0x27: {  	[sflag:s5] =	ssyncadd.s32 $0xFFFFFE00  }
0x28: {  	[tilespmem:s7], [sflag:$0x3] =	stream.indirect.gather [hbm4b:s2+s6], $0x40, s3, s6, $0xb8;
	[tilespmem:$0x14400] =	vst v63  }
0x29: {  	s20 =	simm.s32 $0x4  }
0x2a: {  	[tilespmem:s9], [sflag:$0x5] =	stream.indirect.gather [hbm4b:s8+s6], $0x10, s3, s6, $0xb8;
	[tilespmem:$0x14400] =	vst v63  }
0x2b: {  	_ =	swait.ge [sflag:s20], $0x8000  }
0x2c: {  	[sflag:s20] =	ssyncset.done $0x0  }
0x2d: {  	s21 =	simm.s32 $0x6;
	[sflag:s20] =	ssyncadd.s32 $0xFFFF8000  }
0x2e: {  	_ =	swait.ge [sflag:s21], $0x2000  }
0x2f: {  	s22 =	sshll.u32 s23, $0x3;
	[sflag:s21] =	ssyncset.done $0x0  }
0x30: {  	s23 =	sshll.u32 s23, $0x1;
	s22 =	sadd.s32 s29, s22;
	[sflag:s21] =	ssyncadd.s32 $0xFFFFE000  }
0x31: {  	[hbm4b:s22+s3] =	stream.linear.scatter [tilespmem:s12], [sflag:$0x8], $0x8000, $0x38;
	[tilespmem:$0x14400] =	vst v63  }
0x32: {  	s24 =	simm.s32 $0x8;
	s23 =	sadd.s32 s30, s23  }
0x33: {  	[hbm4b:s23+s3] =	stream.linear.scatter [tilespmem:s13], [sflag:$0x8], $0x2000, $0x38;
	[tilespmem:$0x14400] =	vst v63  }
0x34: {  	_ =	swait.ge [sflag:s24], $0x8000  }
0x35: {  	[sflag:s24] =	ssyncset.done $0x0  }
0x36: {  	[sflag:s24] =	ssyncadd.s32 $0xFFFF8000  }
0x37: {  	s1 =	sor.u32 $0x600, s26;
	_ =	swait.ge [sflag:s24], $0x2000  }
0x38: {  	s26 =	sshrl.u32 s1, $0x3;
	[sflag:s24] =	ssyncset.done $0x0  }
0x39: {  	s25 =	sadd.s32 s25, s26;
	[sflag:s24] =	ssyncadd.s32 $0xFFFFE000  }
0x3a: {  	[tilespmem:s6], [sflag:$0x2] =	stream.linear.gather [hbm4b:s25+s3], $0x200, $0x38;
	[tilespmem:$0x14400] =	vst v63  }
0x3b: {  	_ =	swait.ge [sflag:s11], $0x200  }
0x3c: {  	[sflag:s11] =	ssyncset.done $0x0  }
0x3d: {  	[sflag:s11] =	ssyncadd.s32 $0xFFFFFE00  }
0x3e: {  	[tilespmem:s12], [sflag:$0x4] =	stream.indirect.gather [hbm4b:s2+s6], $0x40, s6, s6, $0xb8;
	[tilespmem:$0x14400] =	vst v63  }
0x3f: {  	_ = 	snop  }
0x40: {  	[tilespmem:s13], [sflag:$0x6] =	stream.indirect.gather [hbm4b:s8+s6], $0x10, s6, s6, $0xb8;
	[tilespmem:$0x14400] =	vst v63  }
0x41: {  	_ =	swait.ge [sflag:s14], $0x8000  }
0x42: {  	[sflag:s14] =	ssyncset.done $0x0  }
0x43: {  	[sflag:s14] =	ssyncadd.s32 $0xFFFF8000  }
0x44: {  	_ =	swait.ge [sflag:s15], $0x2000  }
0x45: {  	s0 =	sshll.u32 s28, $0x3;
	[sflag:s15] =	ssyncset.done $0x0  }
0x46: {  	s28 =	sshll.u32 s28, $0x1;
	s26 =	sadd.s32 s29, s0;
	[sflag:s15] =	ssyncadd.s32 $0xFFFFE000  }
0x47: {  	[hbm4b:s26+s3] =	stream.linear.scatter [tilespmem:s7], [sflag:$0x7], $0x8000, $0x38;
	[tilespmem:$0x14400] =	vst v63  }
0x48: {  	s28 =	sadd.s32 s30, s28  }
0x49: {  	[hbm4b:s28+s3] =	stream.linear.scatter [tilespmem:s9], [sflag:$0x7], $0x2000, $0x38;
	[tilespmem:$0x14400] =	vst v63  }
0x4a: {  	_ =	swait.ge [sflag:s18], $0x8000  }
0x4b: {  	[sflag:s18] =	ssyncset.done $0x0  }
0x4c: {  	[sflag:s18] =	ssyncadd.s32 $0xFFFF8000  }
0x4d: {  	_ =	swait.ge [sflag:s18], $0x2000  }
0x4e: {  	[sflag:s18] =	ssyncset.done $0x0  }
0x4f: {  	[sflag:s18] =	ssyncadd.s32 $0xFFFFE000  }
0x50: {  	_ =	swait.ge [sflag:s20], $0x8000  }
0x51: {  	s0 =	sshll.u32 s1, $0x3;
	s1 =	sshll.u32 s1, $0x1;
	[sflag:s20] =	ssyncset.done $0x0  }
0x52: {  	s29 =	sadd.s32 s29, s0;
	s0 =	ssub.s32 $0x2, s31;
	[sflag:s20] =	ssyncadd.s32 $0xFFFF8000  }
0x53: {  	s30 =	sadd.s32 s30, s1;
	s1 =	sshrl.u32 s0, $0x1;
	_ =	swait.ge [sflag:s21], $0x2000  }
0x54: {  	s0 =	ssub.s32 s0, s1;
	[sflag:s21] =	ssyncset.done $0x0  }
0x55: {  	s0 =	smax.u32 s0, $0x1;
	[sflag:s21] =	ssyncadd.s32 $0xFFFFE000  }
0x56: {  	[hbm4b:s29+s3] =	stream.linear.scatter [tilespmem:s12], [sflag:$0x8], $0x8000, $0x38;
	[tilespmem:$0x14400] =	vst v63  }
0x57: {  	p0 =	sne.s32 s0, $0x1  }
0x58: {  	[hbm4b:s30+s3] =	stream.linear.scatter [tilespmem:s13], [sflag:$0x8], $0x2000, $0x38;
	[tilespmem:$0x14400] =	vst v63  }
.Ltmp0:
0x59: {  	_ =	swait.ge [sflag:s24], $0x8000;
	(pc) =	sbr.rel @!p0 .LBB2_2-.Ltmp0, $4  }
0x5a: {  	[sflag:s24] =	ssyncset.done $0x0  }
0x5b: {  	[sflag:s24] =	ssyncadd.s32 $0xFFFF8000  }
0x5c: {  	_ =	swait.ge [sflag:s24], $0x2000  }
0x5d: {  	s31 =	sadd.s32 $0xFFFFFFFF, s0;
	[sflag:s24] =	ssyncset.done $0x0  }
.LBB2_1:
0x5e: {  	p0 =	sne.s32 s31, $0x1;
	s31 =	sadd.s32 $0xFFFFFFFF, s31;
	[sflag:s24] =	ssyncadd.s32 $0xFFFFE000  }
0x5f: {  	[tilespmem:s3], [sflag:$0x1] =	stream.linear.gather [hbm4b:s4+s3], $0x200, $0x38;
	[tilespmem:$0x14400] =	vst v63  }
0x60: {  	_ =	swait.ge [sflag:s5], $0x200  }
0x61: {  	[sflag:s5] =	ssyncset.done $0x0  }
0x62: {  	[sflag:s5] =	ssyncadd.s32 $0xFFFFFE00  }
0x63: {  	[tilespmem:s7], [sflag:$0x3] =	stream.indirect.gather [hbm4b:s2+s6], $0x40, s3, s6, $0xb8;
	[tilespmem:$0x14400] =	vst v63  }
0x64: {  	_ = 	snop  }
0x65: {  	[tilespmem:s9], [sflag:$0x5] =	stream.indirect.gather [hbm4b:s8+s6], $0x10, s3, s6, $0xb8;
	[tilespmem:$0x14400] =	vst v63  }
0x66: {  	_ = 	snop  }
0x67: {  	[tilespmem:s6], [sflag:$0x2] =	stream.linear.gather [hbm4b:s10+s3], $0x200, $0x38;
	[tilespmem:$0x14400] =	vst v63  }
0x68: {  	_ =	swait.ge [sflag:s11], $0x200  }
0x69: {  	[sflag:s11] =	ssyncset.done $0x0  }
0x6a: {  	[sflag:s11] =	ssyncadd.s32 $0xFFFFFE00  }
0x6b: {  	[tilespmem:s12], [sflag:$0x4] =	stream.indirect.gather [hbm4b:s2+s6], $0x40, s6, s6, $0xb8;
	[tilespmem:$0x14400] =	vst v63  }
0x6c: {  	_ = 	snop  }
0x6d: {  	[tilespmem:s13], [sflag:$0x6] =	stream.indirect.gather [hbm4b:s8+s6], $0x10, s6, s6, $0xb8;
	[tilespmem:$0x14400] =	vst v63  }
0x6e: {  	_ =	swait.ge [sflag:s14], $0x8000  }
0x6f: {  	[sflag:s14] =	ssyncset.done $0x0  }
0x70: {  	[sflag:s14] =	ssyncadd.s32 $0xFFFF8000  }
0x71: {  	_ =	swait.ge [sflag:s15], $0x2000  }
0x72: {  	[sflag:s15] =	ssyncset.done $0x0  }
0x73: {  	[sflag:s15] =	ssyncadd.s32 $0xFFFFE000  }
0x74: {  	[hbm4b:s16+s3] =	stream.linear.scatter [tilespmem:s7], [sflag:$0x7], $0x8000, $0x38;
	[tilespmem:$0x14400] =	vst v63  }
0x75: {  	_ = 	snop  }
0x76: {  	[hbm4b:s17+s3] =	stream.linear.scatter [tilespmem:s9], [sflag:$0x7], $0x2000, $0x38;
	[tilespmem:$0x14400] =	vst v63  }
0x77: {  	_ =	swait.ge [sflag:s18], $0x8000  }
0x78: {  	[sflag:s18] =	ssyncset.done $0x0  }
0x79: {  	[sflag:s18] =	ssyncadd.s32 $0xFFFF8000  }
0x7a: {  	_ =	swait.ge [sflag:s18], $0x2000  }
0x7b: {  	[sflag:s18] =	ssyncset.done $0x0  }
0x7c: {  	[sflag:s18] =	ssyncadd.s32 $0xFFFFE000  }
0x7d: {  	[tilespmem:s3], [sflag:$0x1] =	stream.linear.gather [hbm4b:s19+s3], $0x200, $0x38;
	[tilespmem:$0x14400] =	vst v63  }
0x7e: {  	_ =	swait.ge [sflag:s5], $0x200  }
0x7f: {  	[sflag:s5] =	ssyncset.done $0x0  }
0x80: {  	[sflag:s5] =	ssyncadd.s32 $0xFFFFFE00  }
0x81: {  	[tilespmem:s7], [sflag:$0x3] =	stream.indirect.gather [hbm4b:s2+s6], $0x40, s3, s6, $0xb8;
	[tilespmem:$0x14400] =	vst v63  }
0x82: {  	_ = 	snop  }
0x83: {  	[tilespmem:s9], [sflag:$0x5] =	stream.indirect.gather [hbm4b:s8+s6], $0x10, s3, s6, $0xb8;
	[tilespmem:$0x14400] =	vst v63  }
0x84: {  	_ =	swait.ge [sflag:s20], $0x8000  }
0x85: {  	[sflag:s20] =	ssyncset.done $0x0  }
0x86: {  	[sflag:s20] =	ssyncadd.s32 $0xFFFF8000  }
0x87: {  	_ =	swait.ge [sflag:s21], $0x2000  }
0x88: {  	[sflag:s21] =	ssyncset.done $0x0  }
0x89: {  	[sflag:s21] =	ssyncadd.s32 $0xFFFFE000  }
0x8a: {  	[hbm4b:s22+s3] =	stream.linear.scatter [tilespmem:s12], [sflag:$0x8], $0x8000, $0x38;
	[tilespmem:$0x14400] =	vst v63  }
0x8b: {  	_ = 	snop  }
0x8c: {  	[hbm4b:s23+s3] =	stream.linear.scatter [tilespmem:s13], [sflag:$0x8], $0x2000, $0x38;
	[tilespmem:$0x14400] =	vst v63  }
0x8d: {  	_ =	swait.ge [sflag:s24], $0x8000  }
0x8e: {  	[sflag:s24] =	ssyncset.done $0x0  }
0x8f: {  	[sflag:s24] =	ssyncadd.s32 $0xFFFF8000  }
0x90: {  	_ =	swait.ge [sflag:s24], $0x2000  }
0x91: {  	[sflag:s24] =	ssyncset.done $0x0  }
0x92: {  	[sflag:s24] =	ssyncadd.s32 $0xFFFFE000  }
0x93: {  	[tilespmem:s6], [sflag:$0x2] =	stream.linear.gather [hbm4b:s25+s3], $0x200, $0x38;
	[tilespmem:$0x14400] =	vst v63  }
0x94: {  	_ =	swait.ge [sflag:s11], $0x200  }
0x95: {  	[sflag:s11] =	ssyncset.done $0x0  }
0x96: {  	[sflag:s11] =	ssyncadd.s32 $0xFFFFFE00  }
0x97: {  	[tilespmem:s12], [sflag:$0x4] =	stream.indirect.gather [hbm4b:s2+s6], $0x40, s6, s6, $0xb8;
	[tilespmem:$0x14400] =	vst v63  }
0x98: {  	_ = 	snop  }
0x99: {  	[tilespmem:s13], [sflag:$0x6] =	stream.indirect.gather [hbm4b:s8+s6], $0x10, s6, s6, $0xb8;
	[tilespmem:$0x14400] =	vst v63  }
0x9a: {  	_ =	swait.ge [sflag:s14], $0x8000  }
0x9b: {  	[sflag:s14] =	ssyncset.done $0x0  }
0x9c: {  	[sflag:s14] =	ssyncadd.s32 $0xFFFF8000  }
0x9d: {  	_ =	swait.ge [sflag:s15], $0x2000  }
0x9e: {  	[sflag:s15] =	ssyncset.done $0x0  }
0x9f: {  	[sflag:s15] =	ssyncadd.s32 $0xFFFFE000  }
0xa0: {  	[hbm4b:s26+s3] =	stream.linear.scatter [tilespmem:s7], [sflag:$0x7], $0x8000, $0x38;
	[tilespmem:$0x14400] =	vst v63  }
0xa1: {  	_ = 	snop  }
0xa2: {  	[hbm4b:s28+s3] =	stream.linear.scatter [tilespmem:s9], [sflag:$0x7], $0x2000, $0x38;
	[tilespmem:$0x14400] =	vst v63  }
0xa3: {  	_ =	swait.ge [sflag:s18], $0x8000  }
0xa4: {  	[sflag:s18] =	ssyncset.done $0x0  }
0xa5: {  	[sflag:s18] =	ssyncadd.s32 $0xFFFF8000  }
0xa6: {  	_ =	swait.ge [sflag:s18], $0x2000  }
0xa7: {  	[sflag:s18] =	ssyncset.done $0x0  }
0xa8: {  	[sflag:s18] =	ssyncadd.s32 $0xFFFFE000  }
0xa9: {  	_ =	swait.ge [sflag:s20], $0x8000  }
0xaa: {  	[sflag:s20] =	ssyncset.done $0x0  }
0xab: {  	[sflag:s20] =	ssyncadd.s32 $0xFFFF8000  }
0xac: {  	_ =	swait.ge [sflag:s21], $0x2000  }
0xad: {  	[sflag:s21] =	ssyncset.done $0x0  }
0xae: {  	[sflag:s21] =	ssyncadd.s32 $0xFFFFE000  }
0xaf: {  	[hbm4b:s29+s3] =	stream.linear.scatter [tilespmem:s12], [sflag:$0x8], $0x8000, $0x38;
	[tilespmem:$0x14400] =	vst v63  }
0xb0: {  	_ = 	snop  }
0xb1: {  	[hbm4b:s30+s3] =	stream.linear.scatter [tilespmem:s13], [sflag:$0x8], $0x2000, $0x38;
	[tilespmem:$0x14400] =	vst v63  }
.Ltmp1:
0xb2: {  	_ =	swait.ge [sflag:s24], $0x8000;
	(pc) =	sbr.rel @p0 .LBB2_1-.Ltmp1, $4  }
0xb3: {  	[sflag:s24] =	ssyncset.done $0x0  }
0xb4: {  	[sflag:s24] =	ssyncadd.s32 $0xFFFF8000  }
0xb5: {  	_ =	swait.ge [sflag:s24], $0x2000  }
0xb6: {  	[sflag:s24] =	ssyncset.done $0x0  }
.LBB2_2:
0xb7: {  	[sflag:s24] =	ssyncadd.s32 $0xFFFFE000  }
0xb8: {  	_ =	sfence.sel $0x180000  }
0xb9: {  	[bflag:$0x0] =	sbarrier.arrive $0xFFFF  }
0xba: {  	_ =	strace $0x9000004D  }
0xbb: {  	s0 =	stileid.u32;
	[bflag:$0x2] =	sbarrier.arrive $0xFFFF  }
0xbc: {  	p0 =	sne.s32 s0, $0x0;
	s0 =	rddreg [dreg:$0x2]  }
0xbd: {  	s0 =	sadd.s32 @!p0 $0x100000, s0  }
0xbe: {  	[sflag:s0] =	ssyncadd.tile.s32 @!p0 $0x1;
	_ =	shalt  }
.Lfunc_end2:
_tile_overlayer_lowered:
.L_overlay_start_2:
0xbf: {  	(tag) =	ssettag $0x2  }
0xc0: {  	s0 =	rddreg [dreg:$0x0];
	s2 =	stileid.u32  }
0xc1: {  	s1 =	rddreg [dreg:$0x1];
	p0 =	sne.s32 s2, $0x0  }
0xc2: {  	s3 =	rddreg [dreg:$0x2];
	[bflag:$0x3] =	sbarrier.arrive $0xFFFF;
	s2 =	simm.s32 @!p0 $0x1C09  }
0xc3: {  	[timem:s3], [sflag:s2] =	dma.local @!p0 [hbm:s0], s1  }
0xc4: {  	s0 =	simm.s32 @!p0 $0x9  }
0xc5: {  	_ =	swait.ge @!p0 [sflag:s0], s1  }
0xc6: {  	s1 =	ssub.s32 @!p0 $0x0, s1;
	[sflag:s0] =	ssyncset.done @!p0 $0x0  }
0xc7: {  	[sflag:s0] =	ssyncadd.s32 @!p0 s1  }
0xc8: {  	[bflag:$0x3] =	sbarrier.arrive $0xFFFF  }
0xc9: {  	_ =	shalt  }

// kernel: kernel.20.cloned.1.call-start
scs
__scs_entry_jumppad:
0x0: {  	(pc) =	sbr.rel $0x88, $3  }
0x1: {  	(tag) =	ssettag $0x0;
	lr =	simm.s32 $0x1  }
0x2: {  	[smem:$0x3F8B] =	sst lr;
	_ =	strace $0xD0000000  }
0x3: {  	_ = 	snop  }
0x4: {  	_ = 	snop  }
0x5: {  	_ = 	snop  }
0x6: {  	_ = 	snop  }
0x7: {  	_ = 	snop  }
__scs_overlays_trampoline_lowered:
0x8: {  	[smem:$0x3F9A] =	sst s0  }
0x9: {  	[smem:$0x3F9B] =	sst s1  }
0xa: {  	[smem:$0x3F9C] =	sst s2  }
0xb: {  	[smem:$0x3F9D] =	sst s3  }
0xc: {  	[smem:$0x3F9E] =	sst s4  }
0xd: {  	[smem:$0x3F9F] =	sst s5  }
0xe: {  	[smem:$0x3FA0] =	sst s6  }
0xf: {  	[smem:$0x3FA1] =	sst s7  }
0x10: {  	[smem:$0x3FA2] =	sst s8  }
0x11: {  	[smem:$0x3FA3] =	sst s9;
	s0 =	simm.s32 @!p0 $0x0  }
0x12: {  	s1 =	sld [smem:$0x3F89];
	s0 =	simm.s32 @p0 $0x1  }
0x13: {  	[smem:$0x3FA4] =	sst s0;
	s0 =	simm.s32 @!p1 $0x0  }
0x14: {  	s2 =	sld [smem:$0x3F88];
	s0 =	simm.s32 @p1 $0x1  }
0x15: {  	[smem:$0x3FA5] =	sst s0;
	s0 =	simm.s32 @!p2 $0x0  }
0x16: {  	s3 =	sld [smem:$0x3FDB];
	s0 =	simm.s32 @p2 $0x1  }
0x17: {  	s4 =	simm.s32 $0x1BF5;
	[smem:$0x3FA7] =	sst s0  }
0x18: {  	s0 =	sld [smem:$0x3F8A];
	_ =	swait.ge [sflag:s4], $0x0  }
0x19: {  	s7 =	sld [smem:$0x3F8B]  }
0x1a: {  	s8 =	sadd.s32 $0xFFFFE003, lr  }
0x1b: {  	s9 =	sadd.s32 $0xFFFFFEF7, lr;
	s5 =	simm.s32 $0xFFFFFFFF;
	p2 =	slt.u32 s8, $0xFFFFF086  }
0x1c: {  	p1 =	slt.u32 s9, $0xF7A;
	s5 =	simm.s32 @!p2 $0x0  }
0x1d: {  	s5 =	simm.s32 @p1 $0x1;
	p0 =	seq.s32 s7, s2  }
0x1e: {  	s7 =	smul.u32 @!p0 $0xF7A, s2;
	p2 =	seq.s32 @!p0 s5, $0x0  }
0x1f: {  	s9 =	smul.u32 $0xF7A, s1;
	s8 =	simm.s32 @!p0 $0x1BF5;
	p2 =	por !p2, p0  }
0x20: {  	[sflag:s8] =	ssyncset.s32 @!p0 $0xFFFFF086;
	s6 =	sadd.s32 @!p0 s3, s7;
	s7 =	simm.s32 @!p0 $0x108  }
0x21: {  	s3 =	sadd.s32 s3, s9;
	s6 =	sadd.s32 @!p0 $0x88, s6;
	s7 =	simm.s32 @p2 $0x1082  }
0x22: {  	[simem:s7], [sflag:s8] =	dma.local @!p0 [hbm:s6], $0xF7A  }
0x23: {  	s9 =	sor.u32 $0xD0000000, s2;
	s6 =	simm.s32 $0x108;
	_ =	swait.ge @!p0 [sflag:s8], $0x0  }
0x24: {  	s3 =	sadd.s32 $0x88, s3;
	s6 =	simm.s32 @!p1 $0x1082;
	[sflag:s4] =	ssyncset.s32 $0xFFFFF086  }
0x25: {  	[simem:s6], [sflag:s4] =	dma.local [hbm:s3], $0xF7A  }
0x26: {  	[smem:$0x3F8B] =	sst s1;
	(tag) =	ssettag s2;
	_ =	strace s9  }
0x27: {  	s1 =	sld [smem:$0x3F9B]  }
0x28: {  	s2 =	sld [smem:$0x3F9C]  }
0x29: {  	s4 =	sld [smem:$0x3F9E]  }
0x2a: {  	p0 =	seq.s32 s5, $0x0;
	s5 =	sld [smem:$0x3F9F]  }
0x2b: {  	s6 =	sld [smem:$0x3FA0]  }
0x2c: {  	s7 =	sld [smem:$0x3FA1]  }
0x2d: {  	s3 =	simm.s32 $0x108;
	s8 =	sld [smem:$0x3FA2]  }
0x2e: {  	s3 =	simm.s32 @!p0 $0x1082;
	s9 =	sld [smem:$0x3FA3]  }
0x2f: {  	lr =	sadd.s32 s0, s3;
	s0 =	sld [smem:$0x3F9A]  }
0x30: {  	s3 =	sld [smem:$0x3F9D]  }
0x31: {  	[smem:$0x3FA6] =	sst s10  }
0x32: {  	s10 =	sld [smem:$0x3FA4];
	_ =	sdelay $0x3  }
0x33: {  	p0 =	seq.s32 s10, $0x1;
	s10 =	sld [smem:$0x3FA6];
	_ =	sdelay $0x3  }
0x34: {  	[smem:$0x3FA6] =	sst s10  }
0x35: {  	s10 =	sld [smem:$0x3FA5];
	_ =	sdelay $0x3  }
0x36: {  	p1 =	seq.s32 s10, $0x1;
	s10 =	sld [smem:$0x3FA6];
	_ =	sdelay $0x3  }
0x37: {  	[smem:$0x3FA6] =	sst s10  }
0x38: {  	s10 =	sld [smem:$0x3FA7]  }
0x39: {  	_ = 	snop;
	(pc) =	sbr.ind lr, $3  }
0x3a: {  	_ = 	snop  }
0x3b: {  	_ = 	snop  }
0x3c: {  	p2 =	seq.s32 s10, $0x1;
	s10 =	sld [smem:$0x3FA6]  }
0x3d: {  	_ =	shalt  }
0x3e: {  	_ =	shalt  }
0x3f: {  	_ =	shalt  }
0x40: {  	_ =	shalt  }
0x41: {  	_ =	shalt  }
0x42: {  	_ =	shalt  }
0x43: {  	_ =	shalt  }
0x44: {  	_ =	shalt  }
0x45: {  	_ =	shalt  }
0x46: {  	_ =	shalt  }
0x47: {  	_ =	shalt  }
0x48: {  	_ =	shalt  }
0x49: {  	_ =	shalt  }
0x4a: {  	_ =	shalt  }
0x4b: {  	_ =	shalt  }
0x4c: {  	_ =	shalt  }
0x4d: {  	_ =	shalt  }
0x4e: {  	_ =	shalt  }
0x4f: {  	_ =	shalt  }
0x50: {  	_ =	shalt  }
0x51: {  	_ =	shalt  }
0x52: {  	_ =	shalt  }
0x53: {  	_ =	shalt  }
0x54: {  	_ =	shalt  }
0x55: {  	_ =	shalt  }
0x56: {  	_ =	shalt  }
0x57: {  	_ =	shalt  }
0x58: {  	_ =	shalt  }
0x59: {  	_ =	shalt  }
0x5a: {  	_ =	shalt  }
0x5b: {  	_ =	shalt  }
0x5c: {  	_ =	shalt  }
0x5d: {  	_ =	shalt  }
0x5e: {  	_ =	shalt  }
0x5f: {  	_ =	shalt  }
0x60: {  	_ =	shalt  }
0x61: {  	_ =	shalt  }
0x62: {  	_ =	shalt  }
0x63: {  	_ =	shalt  }
0x64: {  	_ =	shalt  }
0x65: {  	_ =	shalt  }
0x66: {  	_ =	shalt  }
0x67: {  	_ =	shalt  }
0x68: {  	_ =	shalt  }
0x69: {  	_ =	shalt  }
0x6a: {  	_ =	shalt  }
0x6b: {  	_ =	shalt  }
0x6c: {  	_ =	shalt  }
0x6d: {  	_ =	shalt  }
0x6e: {  	_ =	shalt  }
0x6f: {  	_ =	shalt  }
0x70: {  	_ =	shalt  }
0x71: {  	_ =	shalt  }
0x72: {  	_ =	shalt  }
0x73: {  	_ =	shalt  }
0x74: {  	_ =	shalt  }
0x75: {  	_ =	shalt  }
0x76: {  	_ =	shalt  }
0x77: {  	_ =	shalt  }
0x78: {  	_ =	shalt  }
0x79: {  	_ =	shalt  }
0x7a: {  	_ =	shalt  }
0x7b: {  	_ =	shalt  }
0x7c: {  	_ =	shalt  }
0x7d: {  	_ =	shalt  }
0x7e: {  	_ =	shalt  }
0x7f: {  	_ =	shalt  }
0x80: {  	_ =	shalt  }
0x81: {  	_ =	shalt  }
0x82: {  	_ =	shalt  }
0x83: {  	_ =	shalt  }
0x84: {  	_ =	shalt  }
0x85: {  	_ =	shalt  }
0x86: {  	_ =	shalt  }
0x87: {  	_ =	shalt  }
.Lfunc_end0:
.L_simem_size_0:
called_computation.2_lowered:
.L_overlay_start_0:
0x88: {  	s2 =	sld [smem:$0x3FD9]  }
0x89: {  	s3 =	sld [smem:$0x3FFE];
	_ =	sdelay $0x1  }
0x8a: {  	s1 =	srdreg.scid  }
0x8b: {  	s0 =	sand.u32 $0x1, s1  }
0x8c: {  	s15 =	sshll.u32 s0, $0xA;
	s2 =	sadd.s32 s3, s2  }
0x8d: {  	s2 =	sadd.s32 s2, s15  }
0x8e: {  	[smem:$0x3FB2] =	sst s2  }
0x8f: {  	_ = 	snop  }
0x90: {  	s2 =	sld [smem:$0x3FD0];
	_ =	sdelay $0x2  }
0x91: {  	s16 =	simm.s32 $0xD;
	s4 =	simm.s32 $0x10  }
0x92: {  	[smem:s4], [sflag:s16] =	dma.local [hbm:s2], $0x1  }
0x93: {  	_ =	swait.eq [sflag:s16], $0x1  }
0x94: {  	[sflag:s16] =	ssyncset.done $0x0  }
0x95: {  	[sflag:s16] =	ssyncadd.s32 $0xFFFFFFFF  }
0x96: {  	s17 =	sld [smem:$0x11];
	(tm) =	ssettm $0x1  }
0x97: {  	s18 =	sld [smem:$0x3FFB];
	_ =	sdelay $0x3  }
0x98: {  	_ =	strace s18  }
0x99: {  	s2 =	sld [smem:$0x3FFC];
	_ =	sdelay $0x3  }
0x9a: {  	_ =	strace s2  }
0x9b: {  	s2 =	sld [smem:$0x3FFD];
	_ =	sdelay $0x3  }
0x9c: {  	_ =	strace s2  }
0x9d: {  	_ =	strace $0x8FFFFFFF  }
0x9e: {  	s19 =	sld [smem:$0x3FDB];
	_ =	sdelay $0x1  }
0x9f: {  	s20 =	simm.s32 $_scs_section_size  }
0xa0: {  	s5 =	simm.s32 $_size__tile_overlayer_lowered;
	s6 =	simm.s32 $_tile_overlayer_lowered  }
0xa1: {  	s7 =	simm.s32 $0x1BFF;
	s21 =	sshll.u32 s6, $0x1;
	s4 =	sadd.s32 s20, s19  }
0xa2: {  	s22 =	simm.s32 $0x0;
	s5 =	sshll.u32 s5, $0x1;
	s6 =	sadd.s32 s21, s4  }
0xa3: {  	[timem:s22], [sflag:s7] =	dma.local [hbm:s6], s5  }
0xa4: {  	_ =	swait.ge [sflag:s7], s5  }
0xa5: {  	s5 =	ssub.s32 $0x0, s5;
	[sflag:s7] =	ssyncset.done $0x0  }
0xa6: {  	[sflag:s7] =	ssyncadd.s32 s5;
	_ =	sdelay $0x1  }
0xa7: {  	s23 =	simm.s32 $0x1B8B  }
0xa8: {  	_ =	swait.ge [sflag:s23], $0x1  }
0xa9: {  	[sflag:s23] =	ssyncset.done $0x0  }
0xaa: {  	[sflag:s23] =	ssyncadd.s32 $0xFFFFFFFF  }
0xab: {  	s5 =	sld [smem:$0x0]  }
0xac: {  	s6 =	sand.u32 $0xFFFFFFFE, s1  }
0xad: {  	p0 =	sne.s32 s1, s6  }
0xae: {  	s6 =	sshll.u32 @p0 s6, $0xE  }
0xaf: {  	s6 =	sadd.s32 @p0 $0x11B8D, s6;
	s7 =	sshll.u32 @p0 s5, $0x11  }
0xb0: {  	s6 =	sor.u32 @p0 s7, s6  }
0xb1: {  	[sflag:s6] =	ssyncadd.remote.s32 @p0 $0x1;
	_ =	sdelay $0x1  }
0xb2: {  	s6 =	simm.s32 @p0 $0x1B8D  }
0xb3: {  	_ =	swait.eq @p0 [sflag:s6], $0x1  }
0xb4: {  	[sflag:s6] =	ssyncadd.s32 @p0 $0xFFFFFFFF  }
0xb5: {  	s7 =	sshll.u32 @!p0 s1, $0xE  }
0xb6: {  	s7 =	sor.u32 @!p0 $0x4000, s7;
	s6 =	simm.s32 @!p0 $0x1B8D  }
0xb7: {  	s5 =	sshll.u32 @!p0 s5, $0x11;
	s7 =	sadd.s32 @!p0 $0x11B8D, s7;
	_ =	swait.eq @!p0 [sflag:s6], $0x1  }
0xb8: {  	s5 =	sor.u32 @!p0 s5, s7;
	[sflag:s6] =	ssyncadd.s32 @!p0 $0xFFFFFFFF  }
0xb9: {  	s25 =	simm.s32 $0x1B8E;
	s24 =	sld [smem:$0x3FFE];
	[sflag:s5] =	ssyncadd.remote.s32 @!p0 $0x1  }
0xba: {  	s26 =	simm.s32 $execute0_lowered;
	[smem:$0x3FD2] =	sst s25  }
0xbb: {  	s6 =	sshll.u32 s26, $0x1;
	_ =	strace $0x80000049;
	[dreg:$0x1] =	wrdreg $0xFFFFFFFF  }
0xbc: {  	s28 =	simm.s32 $_size_execute0_lowered;
	s4 =	sadd.s32 s4, s6;
	[dreg:$0x0] =	wrdreg $0x0  }
0xbd: {  	s6 =	sshll.u32 s28, $0x1;
	[dreg:$0x2] =	wrdreg s4  }
0xbe: {  	[dreg:$0x3] =	wrdreg s6  }
0xbf: {  	[dreg:$0x4] =	wrdreg $0xC0  }
0xc0: {  	_ =	task [dreg:s22], $0x5FFFF  }
0xc1: {  	[dreg:$0x1] =	wrdreg $0xFFFFFFFF  }
0xc2: {  	[dreg:$0x0] =	wrdreg $0x60  }
0xc3: {  	[dreg:$0x2] =	wrdreg s17  }
0xc4: {  	[dreg:$0x3] =	wrdreg s24  }
0xc5: {  	[dreg:$0x4] =	wrdreg $0xB  }
0xc6: {  	_ =	task.clear_ibuf [dreg:s22], $0x5FFFF;
	_ =	strace $0x90000049  }
0xc7: {  	s29 =	simm.s32 $0xB;
	_ =	strace $0x8000004B  }
0xc8: {  	_ =	swait.ge [sflag:s29], $0x1  }
0xc9: {  	[sflag:s29] =	ssyncadd.s32 $0xFFFFFFFF  }
0xca: {  	_ =	strace $0x9000004B  }
0xcb: {  	_ =	sfence  }
0xcc: {  	s30 =	sld [smem:$0x0];
	_ =	sdelay $0x2  }
0xcd: {  	s31 =	sshll.u32 s1, $0xD;
	s1 =	sshrl.u32 s1, $0x2  }
0xce: {  	s4 =	sand.u32 $0x4000, s31;
	s1 =	sadd.s32 s1, s30  }
0xcf: {  	s0 =	sor.u32 s4, s0;
	s1 =	sshll.u32 s1, $0x11  }
0xd0: {  	s0 =	sor.u32 s1, s0  }
0xd1: {  	s0 =	sadd.s32 $0x8F2B, s0  }
0xd2: {  	[sflag:s0] =	ssyncadd.remote.s32 $0x1  }
0xd3: {  	_ =	sfence.sel $0xFFFF  }
0xd4: {  	[dreg:$0x0] =	wrdreg $0xFFFFFFFF;
	(pc) =	sbr.abs _section_cstart, $3  }
0xd5: {  	[dreg:$0x1] =	wrdreg $0xFFFFFFFF  }
0xd6: {  	_ =	task.clear_ibuf [dreg:s22], $0x2FFFF;
	_ =	strace $0x9FFFFFFF  }
0xd7: {  	(tm) =	ssettm $0x7FFFFFFF  }
tec
execute0_lowered:
.L_overlay_start_1:
0x0: {  	(tag) =	ssettag $0x1  }
0x1: {  	s1 =	srdreg.scid;
	s0 =	stileid.u32  }
0x2: {  	s2 =	rddreg [dreg:$0x0];
	s31 =	sand.u32 $0x1, s1;
	s4 =	sshll.u32 s0, $0x1  }
0x3: {  	s16 =	rddreg [dreg:$0x1];
	s3 =	simm.s32 $0x0;
	s17 =	sor.u32 s31, s4  }
0x4: {  	[smem:$0x7FF] =	sst s3;
	s25 =	sadd.s32 $0x49400, s16;
	s4 =	sshll.u32 s17, $0x8  }
0x5: {  	s5 =	simm.s32 $0x1;
	_ =	strace $0x8000004A;
	s4 =	sadd.s32 s25, s4  }
0x6: {  	[tilespmem:s3], [sflag:$0x1] =	stream.linear.gather [hbm4b:s4+s3], $0x200, $0x38;
	[tilespmem:$0x14400] =	vst v63  }
0x7: {  	_ =	swait.ge [sflag:s5], $0x200  }
0x8: {  	s6 =	simm.s32 $0x200;
	s26 =	sshll.u32 s17, $0xB;
	[sflag:s5] =	ssyncset.done $0x0  }
0x9: {  	s7 =	simm.s32 $0x400;
	s23 =	sor.u32 $0x200, s26;
	[sflag:s5] =	ssyncadd.s32 $0xFFFFFE00  }
0xa: {  	[tilespmem:s7], [sflag:$0x3] =	stream.indirect.gather [hbm4b:s2+s6], $0x40, s3, s6, $0xb8;
	[tilespmem:$0x14400] =	vst v63  }
0xb: {  	s9 =	simm.s32 $0x10400;
	s8 =	sadd.s32 $0x67400, s16;
	s10 =	sshrl.u32 s23, $0x3  }
0xc: {  	[tilespmem:s9], [sflag:$0x5] =	stream.indirect.gather [hbm4b:s8+s6], $0x10, s3, s6, $0xb8;
	[tilespmem:$0x14400] =	vst v63  }
0xd: {  	s11 =	simm.s32 $0x2;
	s10 =	sadd.s32 s25, s10  }
0xe: {  	[tilespmem:s6], [sflag:$0x2] =	stream.linear.gather [hbm4b:s10+s3], $0x200, $0x38;
	[tilespmem:$0x14400] =	vst v63  }
0xf: {  	_ =	swait.ge [sflag:s11], $0x200  }
0x10: {  	[sflag:s11] =	ssyncset.done $0x0  }
0x11: {  	s12 =	simm.s32 $0x8400;
	[sflag:s11] =	ssyncadd.s32 $0xFFFFFE00  }
0x12: {  	[tilespmem:s12], [sflag:$0x4] =	stream.indirect.gather [hbm4b:s2+s6], $0x40, s6, s6, $0xb8;
	[tilespmem:$0x14400] =	vst v63  }
0x13: {  	s13 =	simm.s32 $0x12400;
	s14 =	simm.s32 $0x3  }
0x14: {  	[tilespmem:s13], [sflag:$0x6] =	stream.indirect.gather [hbm4b:s8+s6], $0x10, s6, s6, $0xb8;
	[tilespmem:$0x14400] =	vst v63  }
0x15: {  	_ =	swait.ge [sflag:s14], $0x8000  }
0x16: {  	[sflag:s14] =	ssyncset.done $0x0  }
0x17: {  	s15 =	simm.s32 $0x5;
	[sflag:s14] =	ssyncadd.s32 $0xFFFF8000  }
0x18: {  	s29 =	sadd.s32 $0xEF400, s16;
	_ =	swait.ge [sflag:s15], $0x2000  }
0x19: {  	s30 =	sadd.s32 $0x16F400, s16;
	s24 =	sshll.u32 s17, $0xE;
	[sflag:s15] =	ssyncset.done $0x0  }
0x1a: {  	s17 =	sshll.u32 s17, $0xC;
	s16 =	sadd.s32 s29, s24;
	[sflag:s15] =	ssyncadd.s32 $0xFFFFE000  }
0x1b: {  	[hbm4b:s16+s3] =	stream.linear.scatter [tilespmem:s7], [sflag:$0x7], $0x8000, $0x38;
	[tilespmem:$0x14400] =	vst v63  }
0x1c: {  	s18 =	simm.s32 $0x7;
	s17 =	sadd.s32 s30, s17  }
0x1d: {  	[hbm4b:s17+s3] =	stream.linear.scatter [tilespmem:s9], [sflag:$0x7], $0x2000, $0x38;
	[tilespmem:$0x14400] =	vst v63  }
0x1e: {  	_ =	swait.ge [sflag:s18], $0x8000  }
0x1f: {  	[sflag:s18] =	ssyncset.done $0x0  }
0x20: {  	[sflag:s18] =	ssyncadd.s32 $0xFFFF8000  }
0x21: {  	s28 =	sor.u32 $0x400, s26;
	_ =	swait.ge [sflag:s18], $0x2000  }
0x22: {  	s19 =	sshrl.u32 s28, $0x3;
	[sflag:s18] =	ssyncset.done $0x0  }
0x23: {  	s19 =	sadd.s32 s25, s19;
	[sflag:s18] =	ssyncadd.s32 $0xFFFFE000  }
0x24: {  	[tilespmem:s3], [sflag:$0x1] =	stream.linear.gather [hbm4b:s19+s3], $0x200, $0x38;
	[tilespmem:$0x14400] =	vst v63  }
0x25: {  	_ =	swait.ge [sflag:s5], $0x200  }
0x26: {  	[sflag:s5] =	ssyncset.done $0x0  }
0x27: {  	[sflag:s5] =	ssyncadd.s32 $0xFFFFFE00  }
0x28: {  	[tilespmem:s7], [sflag:$0x3] =	stream.indirect.gather [hbm4b:s2+s6], $0x40, s3, s6, $0xb8;
	[tilespmem:$0x14400] =	vst v63  }
0x29: {  	s20 =	simm.s32 $0x4  }
0x2a: {  	[tilespmem:s9], [sflag:$0x5] =	stream.indirect.gather [hbm4b:s8+s6], $0x10, s3, s6, $0xb8;
	[tilespmem:$0x14400] =	vst v63  }
0x2b: {  	_ =	swait.ge [sflag:s20], $0x8000  }
0x2c: {  	[sflag:s20] =	ssyncset.done $0x0  }
0x2d: {  	s21 =	simm.s32 $0x6;
	[sflag:s20] =	ssyncadd.s32 $0xFFFF8000  }
0x2e: {  	_ =	swait.ge [sflag:s21], $0x2000  }
0x2f: {  	s22 =	sshll.u32 s23, $0x3;
	[sflag:s21] =	ssyncset.done $0x0  }
0x30: {  	s23 =	sshll.u32 s23, $0x1;
	s22 =	sadd.s32 s29, s22;
	[sflag:s21] =	ssyncadd.s32 $0xFFFFE000  }
0x31: {  	[hbm4b:s22+s3] =	stream.linear.scatter [tilespmem:s12], [sflag:$0x8], $0x8000, $0x38;
	[tilespmem:$0x14400] =	vst v63  }
0x32: {  	s24 =	simm.s32 $0x8;
	s23 =	sadd.s32 s30, s23  }
0x33: {  	[hbm4b:s23+s3] =	stream.linear.scatter [tilespmem:s13], [sflag:$0x8], $0x2000, $0x38;
	[tilespmem:$0x14400] =	vst v63  }
0x34: {  	_ =	swait.ge [sflag:s24], $0x8000  }
0x35: {  	[sflag:s24] =	ssyncset.done $0x0  }
0x36: {  	[sflag:s24] =	ssyncadd.s32 $0xFFFF8000  }
0x37: {  	s1 =	sor.u32 $0x600, s26;
	_ =	swait.ge [sflag:s24], $0x2000  }
0x38: {  	s26 =	sshrl.u32 s1, $0x3;
	[sflag:s24] =	ssyncset.done $0x0  }
0x39: {  	s25 =	sadd.s32 s25, s26;
	[sflag:s24] =	ssyncadd.s32 $0xFFFFE000  }
0x3a: {  	[tilespmem:s6], [sflag:$0x2] =	stream.linear.gather [hbm4b:s25+s3], $0x200, $0x38;
	[tilespmem:$0x14400] =	vst v63  }
0x3b: {  	_ =	swait.ge [sflag:s11], $0x200  }
0x3c: {  	[sflag:s11] =	ssyncset.done $0x0  }
0x3d: {  	[sflag:s11] =	ssyncadd.s32 $0xFFFFFE00  }
0x3e: {  	[tilespmem:s12], [sflag:$0x4] =	stream.indirect.gather [hbm4b:s2+s6], $0x40, s6, s6, $0xb8;
	[tilespmem:$0x14400] =	vst v63  }
0x3f: {  	_ = 	snop  }
0x40: {  	[tilespmem:s13], [sflag:$0x6] =	stream.indirect.gather [hbm4b:s8+s6], $0x10, s6, s6, $0xb8;
	[tilespmem:$0x14400] =	vst v63  }
0x41: {  	_ =	swait.ge [sflag:s14], $0x8000  }
0x42: {  	[sflag:s14] =	ssyncset.done $0x0  }
0x43: {  	[sflag:s14] =	ssyncadd.s32 $0xFFFF8000  }
0x44: {  	_ =	swait.ge [sflag:s15], $0x2000  }
0x45: {  	s0 =	sshll.u32 s28, $0x3;
	[sflag:s15] =	ssyncset.done $0x0  }
0x46: {  	s28 =	sshll.u32 s28, $0x1;
	s26 =	sadd.s32 s29, s0;
	[sflag:s15] =	ssyncadd.s32 $0xFFFFE000  }
0x47: {  	[hbm4b:s26+s3] =	stream.linear.scatter [tilespmem:s7], [sflag:$0x7], $0x8000, $0x38;
	[tilespmem:$0x14400] =	vst v63  }
0x48: {  	s28 =	sadd.s32 s30, s28  }
0x49: {  	[hbm4b:s28+s3] =	stream.linear.scatter [tilespmem:s9], [sflag:$0x7], $0x2000, $0x38;
	[tilespmem:$0x14400] =	vst v63  }
0x4a: {  	_ =	swait.ge [sflag:s18], $0x8000  }
0x4b: {  	[sflag:s18] =	ssyncset.done $0x0  }
0x4c: {  	[sflag:s18] =	ssyncadd.s32 $0xFFFF8000  }
0x4d: {  	_ =	swait.ge [sflag:s18], $0x2000  }
0x4e: {  	[sflag:s18] =	ssyncset.done $0x0  }
0x4f: {  	[sflag:s18] =	ssyncadd.s32 $0xFFFFE000  }
0x50: {  	_ =	swait.ge [sflag:s20], $0x8000  }
0x51: {  	s0 =	sshll.u32 s1, $0x3;
	s1 =	sshll.u32 s1, $0x1;
	[sflag:s20] =	ssyncset.done $0x0  }
0x52: {  	s29 =	sadd.s32 s29, s0;
	s0 =	ssub.s32 $0x2, s31;
	[sflag:s20] =	ssyncadd.s32 $0xFFFF8000  }
0x53: {  	s30 =	sadd.s32 s30, s1;
	s1 =	sshrl.u32 s0, $0x1;
	_ =	swait.ge [sflag:s21], $0x2000  }
0x54: {  	s0 =	ssub.s32 s0, s1;
	[sflag:s21] =	ssyncset.done $0x0  }
0x55: {  	s0 =	smax.u32 s0, $0x1;
	[sflag:s21] =	ssyncadd.s32 $0xFFFFE000  }
0x56: {  	[hbm4b:s29+s3] =	stream.linear.scatter [tilespmem:s12], [sflag:$0x8], $0x8000, $0x38;
	[tilespmem:$0x14400] =	vst v63  }
0x57: {  	p0 =	sne.s32 s0, $0x1  }
0x58: {  	[hbm4b:s30+s3] =	stream.linear.scatter [tilespmem:s13], [sflag:$0x8], $0x2000, $0x38;
	[tilespmem:$0x14400] =	vst v63  }
.Ltmp0:
0x59: {  	_ =	swait.ge [sflag:s24], $0x8000;
	(pc) =	sbr.rel @!p0 .LBB2_2-.Ltmp0, $4  }
0x5a: {  	[sflag:s24] =	ssyncset.done $0x0  }
0x5b: {  	[sflag:s24] =	ssyncadd.s32 $0xFFFF8000  }
0x5c: {  	_ =	swait.ge [sflag:s24], $0x2000  }
0x5d: {  	s31 =	sadd.s32 $0xFFFFFFFF, s0;
	[sflag:s24] =	ssyncset.done $0x0  }
.LBB2_1:
0x5e: {  	p0 =	sne.s32 s31, $0x1;
	s31 =	sadd.s32 $0xFFFFFFFF, s31;
	[sflag:s24] =	ssyncadd.s32 $0xFFFFE000  }
0x5f: {  	[tilespmem:s3], [sflag:$0x1] =	stream.linear.gather [hbm4b:s4+s3], $0x200, $0x38;
	[tilespmem:$0x14400] =	vst v63  }
0x60: {  	_ =	swait.ge [sflag:s5], $0x200  }
0x61: {  	[sflag:s5] =	ssyncset.done $0x0  }
0x62: {  	[sflag:s5] =	ssyncadd.s32 $0xFFFFFE00  }
0x63: {  	[tilespmem:s7], [sflag:$0x3] =	stream.indirect.gather [hbm4b:s2+s6], $0x40, s3, s6, $0xb8;
	[tilespmem:$0x14400] =	vst v63  }
0x64: {  	_ = 	snop  }
0x65: {  	[tilespmem:s9], [sflag:$0x5] =	stream.indirect.gather [hbm4b:s8+s6], $0x10, s3, s6, $0xb8;
	[tilespmem:$0x14400] =	vst v63  }
0x66: {  	_ = 	snop  }
0x67: {  	[tilespmem:s6], [sflag:$0x2] =	stream.linear.gather [hbm4b:s10+s3], $0x200, $0x38;
	[tilespmem:$0x14400] =	vst v63  }
0x68: {  	_ =	swait.ge [sflag:s11], $0x200  }
0x69: {  	[sflag:s11] =	ssyncset.done $0x0  }
0x6a: {  	[sflag:s11] =	ssyncadd.s32 $0xFFFFFE00  }
0x6b: {  	[tilespmem:s12], [sflag:$0x4] =	stream.indirect.gather [hbm4b:s2+s6], $0x40, s6, s6, $0xb8;
	[tilespmem:$0x14400] =	vst v63  }
0x6c: {  	_ = 	snop  }
0x6d: {  	[tilespmem:s13], [sflag:$0x6] =	stream.indirect.gather [hbm4b:s8+s6], $0x10, s6, s6, $0xb8;
	[tilespmem:$0x14400] =	vst v63  }
0x6e: {  	_ =	swait.ge [sflag:s14], $0x8000  }
0x6f: {  	[sflag:s14] =	ssyncset.done $0x0  }
0x70: {  	[sflag:s14] =	ssyncadd.s32 $0xFFFF8000  }
0x71: {  	_ =	swait.ge [sflag:s15], $0x2000  }
0x72: {  	[sflag:s15] =	ssyncset.done $0x0  }
0x73: {  	[sflag:s15] =	ssyncadd.s32 $0xFFFFE000  }
0x74: {  	[hbm4b:s16+s3] =	stream.linear.scatter [tilespmem:s7], [sflag:$0x7], $0x8000, $0x38;
	[tilespmem:$0x14400] =	vst v63  }
0x75: {  	_ = 	snop  }
0x76: {  	[hbm4b:s17+s3] =	stream.linear.scatter [tilespmem:s9], [sflag:$0x7], $0x2000, $0x38;
	[tilespmem:$0x14400] =	vst v63  }
0x77: {  	_ =	swait.ge [sflag:s18], $0x8000  }
0x78: {  	[sflag:s18] =	ssyncset.done $0x0  }
0x79: {  	[sflag:s18] =	ssyncadd.s32 $0xFFFF8000  }
0x7a: {  	_ =	swait.ge [sflag:s18], $0x2000  }
0x7b: {  	[sflag:s18] =	ssyncset.done $0x0  }
0x7c: {  	[sflag:s18] =	ssyncadd.s32 $0xFFFFE000  }
0x7d: {  	[tilespmem:s3], [sflag:$0x1] =	stream.linear.gather [hbm4b:s19+s3], $0x200, $0x38;
	[tilespmem:$0x14400] =	vst v63  }
0x7e: {  	_ =	swait.ge [sflag:s5], $0x200  }
0x7f: {  	[sflag:s5] =	ssyncset.done $0x0  }
0x80: {  	[sflag:s5] =	ssyncadd.s32 $0xFFFFFE00  }
0x81: {  	[tilespmem:s7], [sflag:$0x3] =	stream.indirect.gather [hbm4b:s2+s6], $0x40, s3, s6, $0xb8;
	[tilespmem:$0x14400] =	vst v63  }
0x82: {  	_ = 	snop  }
0x83: {  	[tilespmem:s9], [sflag:$0x5] =	stream.indirect.gather [hbm4b:s8+s6], $0x10, s3, s6, $0xb8;
	[tilespmem:$0x14400] =	vst v63  }
0x84: {  	_ =	swait.ge [sflag:s20], $0x8000  }
0x85: {  	[sflag:s20] =	ssyncset.done $0x0  }
0x86: {  	[sflag:s20] =	ssyncadd.s32 $0xFFFF8000  }
0x87: {  	_ =	swait.ge [sflag:s21], $0x2000  }
0x88: {  	[sflag:s21] =	ssyncset.done $0x0  }
0x89: {  	[sflag:s21] =	ssyncadd.s32 $0xFFFFE000  }
0x8a: {  	[hbm4b:s22+s3] =	stream.linear.scatter [tilespmem:s12], [sflag:$0x8], $0x8000, $0x38;
	[tilespmem:$0x14400] =	vst v63  }
0x8b: {  	_ = 	snop  }
0x8c: {  	[hbm4b:s23+s3] =	stream.linear.scatter [tilespmem:s13], [sflag:$0x8], $0x2000, $0x38;
	[tilespmem:$0x14400] =	vst v63  }
0x8d: {  	_ =	swait.ge [sflag:s24], $0x8000  }
0x8e: {  	[sflag:s24] =	ssyncset.done $0x0  }
0x8f: {  	[sflag:s24] =	ssyncadd.s32 $0xFFFF8000  }
0x90: {  	_ =	swait.ge [sflag:s24], $0x2000  }
0x91: {  	[sflag:s24] =	ssyncset.done $0x0  }
0x92: {  	[sflag:s24] =	ssyncadd.s32 $0xFFFFE000  }
0x93: {  	[tilespmem:s6], [sflag:$0x2] =	stream.linear.gather [hbm4b:s25+s3], $0x200, $0x38;
	[tilespmem:$0x14400] =	vst v63  }
0x94: {  	_ =	swait.ge [sflag:s11], $0x200  }
0x95: {  	[sflag:s11] =	ssyncset.done $0x0  }
0x96: {  	[sflag:s11] =	ssyncadd.s32 $0xFFFFFE00  }
0x97: {  	[tilespmem:s12], [sflag:$0x4] =	stream.indirect.gather [hbm4b:s2+s6], $0x40, s6, s6, $0xb8;
	[tilespmem:$0x14400] =	vst v63  }
0x98: {  	_ = 	snop  }
0x99: {  	[tilespmem:s13], [sflag:$0x6] =	stream.indirect.gather [hbm4b:s8+s6], $0x10, s6, s6, $0xb8;
	[tilespmem:$0x14400] =	vst v63  }
0x9a: {  	_ =	swait.ge [sflag:s14], $0x8000  }
0x9b: {  	[sflag:s14] =	ssyncset.done $0x0  }
0x9c: {  	[sflag:s14] =	ssyncadd.s32 $0xFFFF8000  }
0x9d: {  	_ =	swait.ge [sflag:s15], $0x2000  }
0x9e: {  	[sflag:s15] =	ssyncset.done $0x0  }
0x9f: {  	[sflag:s15] =	ssyncadd.s32 $0xFFFFE000  }
0xa0: {  	[hbm4b:s26+s3] =	stream.linear.scatter [tilespmem:s7], [sflag:$0x7], $0x8000, $0x38;
	[tilespmem:$0x14400] =	vst v63  }
0xa1: {  	_ = 	snop  }
0xa2: {  	[hbm4b:s28+s3] =	stream.linear.scatter [tilespmem:s9], [sflag:$0x7], $0x2000, $0x38;
	[tilespmem:$0x14400] =	vst v63  }
0xa3: {  	_ =	swait.ge [sflag:s18], $0x8000  }
0xa4: {  	[sflag:s18] =	ssyncset.done $0x0  }
0xa5: {  	[sflag:s18] =	ssyncadd.s32 $0xFFFF8000  }
0xa6: {  	_ =	swait.ge [sflag:s18], $0x2000  }
0xa7: {  	[sflag:s18] =	ssyncset.done $0x0  }
0xa8: {  	[sflag:s18] =	ssyncadd.s32 $0xFFFFE000  }
0xa9: {  	_ =	swait.ge [sflag:s20], $0x8000  }
0xaa: {  	[sflag:s20] =	ssyncset.done $0x0  }
0xab: {  	[sflag:s20] =	ssyncadd.s32 $0xFFFF8000  }
0xac: {  	_ =	swait.ge [sflag:s21], $0x2000  }
0xad: {  	[sflag:s21] =	ssyncset.done $0x0  }
0xae: {  	[sflag:s21] =	ssyncadd.s32 $0xFFFFE000  }
0xaf: {  	[hbm4b:s29+s3] =	stream.linear.scatter [tilespmem:s12], [sflag:$0x8], $0x8000, $0x38;
	[tilespmem:$0x14400] =	vst v63  }
0xb0: {  	_ = 	snop  }
0xb1: {  	[hbm4b:s30+s3] =	stream.linear.scatter [tilespmem:s13], [sflag:$0x8], $0x2000, $0x38;
	[tilespmem:$0x14400] =	vst v63  }
.Ltmp1:
0xb2: {  	_ =	swait.ge [sflag:s24], $0x8000;
	(pc) =	sbr.rel @p0 .LBB2_1-.Ltmp1, $4  }
0xb3: {  	[sflag:s24] =	ssyncset.done $0x0  }
0xb4: {  	[sflag:s24] =	ssyncadd.s32 $0xFFFF8000  }
0xb5: {  	_ =	swait.ge [sflag:s24], $0x2000  }
0xb6: {  	[sflag:s24] =	ssyncset.done $0x0  }
.LBB2_2:
0xb7: {  	[sflag:s24] =	ssyncadd.s32 $0xFFFFE000  }
0xb8: {  	_ =	sfence.sel $0x180000  }
0xb9: {  	[bflag:$0x0] =	sbarrier.arrive $0xFFFF  }
0xba: {  	_ =	strace $0x9000004A  }
0xbb: {  	s0 =	stileid.u32;
	[bflag:$0x2] =	sbarrier.arrive $0xFFFF  }
0xbc: {  	p0 =	sne.s32 s0, $0x0;
	s0 =	rddreg [dreg:$0x2]  }
0xbd: {  	s0 =	sadd.s32 @!p0 $0x100000, s0  }
0xbe: {  	[sflag:s0] =	ssyncadd.tile.s32 @!p0 $0x1;
	_ =	shalt  }
.Lfunc_end2:
_tile_overlayer_lowered:
.L_overlay_start_2:
0xbf: {  	(tag) =	ssettag $0x2  }
0xc0: {  	s0 =	rddreg [dreg:$0x0];
	s2 =	stileid.u32  }
0xc1: {  	s1 =	rddreg [dreg:$0x1];
	p0 =	sne.s32 s2, $0x0  }
0xc2: {  	s3 =	rddreg [dreg:$0x2];
	[bflag:$0x3] =	sbarrier.arrive $0xFFFF;
	s2 =	simm.s32 @!p0 $0x1C09  }
0xc3: {  	[timem:s3], [sflag:s2] =	dma.local @!p0 [hbm:s0], s1  }
0xc4: {  	s0 =	simm.s32 @!p0 $0x9  }
0xc5: {  	_ =	swait.ge @!p0 [sflag:s0], s1  }
0xc6: {  	s1 =	ssub.s32 @!p0 $0x0, s1;
	[sflag:s0] =	ssyncset.done @!p0 $0x0  }
0xc7: {  	[sflag:s0] =	ssyncadd.s32 @!p0 s1  }
0xc8: {  	[bflag:$0x3] =	sbarrier.arrive $0xFFFF  }
0xc9: {  	_ =	shalt  }

// kernel: kernel.23.cloned.1.call-start
scs
__scs_entry_jumppad:
0x0: {  	(pc) =	sbr.rel $0x88, $3  }
0x1: {  	(tag) =	ssettag $0x0;
	lr =	simm.s32 $0x1  }
0x2: {  	[smem:$0x3F8B] =	sst lr;
	_ =	strace $0xD0000000  }
0x3: {  	_ = 	snop  }
0x4: {  	_ = 	snop  }
0x5: {  	_ = 	snop  }
0x6: {  	_ = 	snop  }
0x7: {  	_ = 	snop  }
__scs_overlays_trampoline_lowered:
0x8: {  	[smem:$0x3F9A] =	sst s0  }
0x9: {  	[smem:$0x3F9B] =	sst s1  }
0xa: {  	[smem:$0x3F9C] =	sst s2  }
0xb: {  	[smem:$0x3F9D] =	sst s3  }
0xc: {  	[smem:$0x3F9E] =	sst s4  }
0xd: {  	[smem:$0x3F9F] =	sst s5  }
0xe: {  	[smem:$0x3FA0] =	sst s6  }
0xf: {  	[smem:$0x3FA1] =	sst s7  }
0x10: {  	[smem:$0x3FA2] =	sst s8  }
0x11: {  	[smem:$0x3FA3] =	sst s9;
	s0 =	simm.s32 @!p0 $0x0  }
0x12: {  	s1 =	sld [smem:$0x3F89];
	s0 =	simm.s32 @p0 $0x1  }
0x13: {  	[smem:$0x3FA4] =	sst s0;
	s0 =	simm.s32 @!p1 $0x0  }
0x14: {  	s2 =	sld [smem:$0x3F88];
	s0 =	simm.s32 @p1 $0x1  }
0x15: {  	[smem:$0x3FA5] =	sst s0;
	s0 =	simm.s32 @!p2 $0x0  }
0x16: {  	s3 =	sld [smem:$0x3FDB];
	s0 =	simm.s32 @p2 $0x1  }
0x17: {  	s4 =	simm.s32 $0x1BF5;
	[smem:$0x3FA7] =	sst s0  }
0x18: {  	s0 =	sld [smem:$0x3F8A];
	_ =	swait.ge [sflag:s4], $0x0  }
0x19: {  	s7 =	sld [smem:$0x3F8B]  }
0x1a: {  	s8 =	sadd.s32 $0xFFFFE003, lr  }
0x1b: {  	s9 =	sadd.s32 $0xFFFFFEF7, lr;
	s5 =	simm.s32 $0xFFFFFFFF;
	p2 =	slt.u32 s8, $0xFFFFF086  }
0x1c: {  	p1 =	slt.u32 s9, $0xF7A;
	s5 =	simm.s32 @!p2 $0x0  }
0x1d: {  	s5 =	simm.s32 @p1 $0x1;
	p0 =	seq.s32 s7, s2  }
0x1e: {  	s7 =	smul.u32 @!p0 $0xF7A, s2;
	p2 =	seq.s32 @!p0 s5, $0x0  }
0x1f: {  	s9 =	smul.u32 $0xF7A, s1;
	s8 =	simm.s32 @!p0 $0x1BF5;
	p2 =	por !p2, p0  }
0x20: {  	[sflag:s8] =	ssyncset.s32 @!p0 $0xFFFFF086;
	s6 =	sadd.s32 @!p0 s3, s7;
	s7 =	simm.s32 @!p0 $0x108  }
0x21: {  	s3 =	sadd.s32 s3, s9;
	s6 =	sadd.s32 @!p0 $0x88, s6;
	s7 =	simm.s32 @p2 $0x1082  }
0x22: {  	[simem:s7], [sflag:s8] =	dma.local @!p0 [hbm:s6], $0xF7A  }
0x23: {  	s9 =	sor.u32 $0xD0000000, s2;
	s6 =	simm.s32 $0x108;
	_ =	swait.ge @!p0 [sflag:s8], $0x0  }
0x24: {  	s3 =	sadd.s32 $0x88, s3;
	s6 =	simm.s32 @!p1 $0x1082;
	[sflag:s4] =	ssyncset.s32 $0xFFFFF086  }
0x25: {  	[simem:s6], [sflag:s4] =	dma.local [hbm:s3], $0xF7A  }
0x26: {  	[smem:$0x3F8B] =	sst s1;
	(tag) =	ssettag s2;
	_ =	strace s9  }
0x27: {  	s1 =	sld [smem:$0x3F9B]  }
0x28: {  	s2 =	sld [smem:$0x3F9C]  }
0x29: {  	s4 =	sld [smem:$0x3F9E]  }
0x2a: {  	p0 =	seq.s32 s5, $0x0;
	s5 =	sld [smem:$0x3F9F]  }
0x2b: {  	s6 =	sld [smem:$0x3FA0]  }
0x2c: {  	s7 =	sld [smem:$0x3FA1]  }
0x2d: {  	s3 =	simm.s32 $0x108;
	s8 =	sld [smem:$0x3FA2]  }
0x2e: {  	s3 =	simm.s32 @!p0 $0x1082;
	s9 =	sld [smem:$0x3FA3]  }
0x2f: {  	lr =	sadd.s32 s0, s3;
	s0 =	sld [smem:$0x3F9A]  }
0x30: {  	s3 =	sld [smem:$0x3F9D]  }
0x31: {  	[smem:$0x3FA6] =	sst s10  }
0x32: {  	s10 =	sld [smem:$0x3FA4];
	_ =	sdelay $0x3  }
0x33: {  	p0 =	seq.s32 s10, $0x1;
	s10 =	sld [smem:$0x3FA6];
	_ =	sdelay $0x3  }
0x34: {  	[smem:$0x3FA6] =	sst s10  }
0x35: {  	s10 =	sld [smem:$0x3FA5];
	_ =	sdelay $0x3  }
0x36: {  	p1 =	seq.s32 s10, $0x1;
	s10 =	sld [smem:$0x3FA6];
	_ =	sdelay $0x3  }
0x37: {  	[smem:$0x3FA6] =	sst s10  }
0x38: {  	s10 =	sld [smem:$0x3FA7]  }
0x39: {  	_ = 	snop;
	(pc) =	sbr.ind lr, $3  }
0x3a: {  	_ = 	snop  }
0x3b: {  	_ = 	snop  }
0x3c: {  	p2 =	seq.s32 s10, $0x1;
	s10 =	sld [smem:$0x3FA6]  }
0x3d: {  	_ =	shalt  }
0x3e: {  	_ =	shalt  }
0x3f: {  	_ =	shalt  }
0x40: {  	_ =	shalt  }
0x41: {  	_ =	shalt  }
0x42: {  	_ =	shalt  }
0x43: {  	_ =	shalt  }
0x44: {  	_ =	shalt  }
0x45: {  	_ =	shalt  }
0x46: {  	_ =	shalt  }
0x47: {  	_ =	shalt  }
0x48: {  	_ =	shalt  }
0x49: {  	_ =	shalt  }
0x4a: {  	_ =	shalt  }
0x4b: {  	_ =	shalt  }
0x4c: {  	_ =	shalt  }
0x4d: {  	_ =	shalt  }
0x4e: {  	_ =	shalt  }
0x4f: {  	_ =	shalt  }
0x50: {  	_ =	shalt  }
0x51: {  	_ =	shalt  }
0x52: {  	_ =	shalt  }
0x53: {  	_ =	shalt  }
0x54: {  	_ =	shalt  }
0x55: {  	_ =	shalt  }
0x56: {  	_ =	shalt  }
0x57: {  	_ =	shalt  }
0x58: {  	_ =	shalt  }
0x59: {  	_ =	shalt  }
0x5a: {  	_ =	shalt  }
0x5b: {  	_ =	shalt  }
0x5c: {  	_ =	shalt  }
0x5d: {  	_ =	shalt  }
0x5e: {  	_ =	shalt  }
0x5f: {  	_ =	shalt  }
0x60: {  	_ =	shalt  }
0x61: {  	_ =	shalt  }
0x62: {  	_ =	shalt  }
0x63: {  	_ =	shalt  }
0x64: {  	_ =	shalt  }
0x65: {  	_ =	shalt  }
0x66: {  	_ =	shalt  }
0x67: {  	_ =	shalt  }
0x68: {  	_ =	shalt  }
0x69: {  	_ =	shalt  }
0x6a: {  	_ =	shalt  }
0x6b: {  	_ =	shalt  }
0x6c: {  	_ =	shalt  }
0x6d: {  	_ =	shalt  }
0x6e: {  	_ =	shalt  }
0x6f: {  	_ =	shalt  }
0x70: {  	_ =	shalt  }
0x71: {  	_ =	shalt  }
0x72: {  	_ =	shalt  }
0x73: {  	_ =	shalt  }
0x74: {  	_ =	shalt  }
0x75: {  	_ =	shalt  }
0x76: {  	_ =	shalt  }
0x77: {  	_ =	shalt  }
0x78: {  	_ =	shalt  }
0x79: {  	_ =	shalt  }
0x7a: {  	_ =	shalt  }
0x7b: {  	_ =	shalt  }
0x7c: {  	_ =	shalt  }
0x7d: {  	_ =	shalt  }
0x7e: {  	_ =	shalt  }
0x7f: {  	_ =	shalt  }
0x80: {  	_ =	shalt  }
0x81: {  	_ =	shalt  }
0x82: {  	_ =	shalt  }
0x83: {  	_ =	shalt  }
0x84: {  	_ =	shalt  }
0x85: {  	_ =	shalt  }
0x86: {  	_ =	shalt  }
0x87: {  	_ =	shalt  }
.Lfunc_end0:
.L_simem_size_0:
called_computation.3_lowered:
.L_overlay_start_0:
0x88: {  	s2 =	sld [smem:$0x3FD9]  }
0x89: {  	s3 =	sld [smem:$0x3FFE];
	_ =	sdelay $0x1  }
0x8a: {  	s1 =	srdreg.scid  }
0x8b: {  	s0 =	sand.u32 $0x1, s1  }
0x8c: {  	s14 =	sshll.u32 s0, $0xA;
	s2 =	sadd.s32 s3, s2  }
0x8d: {  	s2 =	sadd.s32 s2, s14  }
0x8e: {  	[smem:$0x3FB2] =	sst s2  }
0x8f: {  	_ = 	snop  }
0x90: {  	s2 =	sld [smem:$0x3FD0];
	_ =	sdelay $0x2  }
0x91: {  	s15 =	simm.s32 $0xD;
	s4 =	simm.s32 $0x10  }
0x92: {  	[smem:s4], [sflag:s15] =	dma.local [hbm:s2], $0x1  }
0x93: {  	_ =	swait.eq [sflag:s15], $0x1  }
0x94: {  	[sflag:s15] =	ssyncset.done $0x0  }
0x95: {  	[sflag:s15] =	ssyncadd.s32 $0xFFFFFFFF  }
0x96: {  	s16 =	sld [smem:$0x11];
	(tm) =	ssettm $0x1  }
0x97: {  	s17 =	sld [smem:$0x3FFB];
	_ =	sdelay $0x3  }
0x98: {  	_ =	strace s17  }
0x99: {  	s3 =	sld [smem:$0x3FFC];
	_ =	sdelay $0x3  }
0x9a: {  	_ =	strace s3  }
0x9b: {  	s3 =	sld [smem:$0x3FFD];
	_ =	sdelay $0x3  }
0x9c: {  	_ =	strace s3  }
0x9d: {  	_ =	strace $0x8FFFFFFF  }
0x9e: {  	s18 =	sld [smem:$0x3FDB];
	_ =	sdelay $0x1  }
0x9f: {  	s19 =	simm.s32 $_scs_section_size  }
0xa0: {  	s5 =	simm.s32 $_size__tile_overlayer_lowered;
	s6 =	simm.s32 $_tile_overlayer_lowered  }
0xa1: {  	s22 =	simm.s32 $0x1BFF;
	s21 =	sshll.u32 s6, $0x1;
	s3 =	sadd.s32 s19, s18  }
0xa2: {  	s7 =	simm.s32 $0x0;
	s20 =	sshll.u32 s5, $0x1;
	s5 =	sadd.s32 s21, s3  }
0xa3: {  	[timem:s7], [sflag:s22] =	dma.local [hbm:s5], s20  }
0xa4: {  	_ =	swait.ge [sflag:s22], s20  }
0xa5: {  	s4 =	ssub.s32 $0x0, s20;
	[sflag:s22] =	ssyncset.done $0x0  }
0xa6: {  	[sflag:s22] =	ssyncadd.s32 s4;
	_ =	sdelay $0x1  }
0xa7: {  	s23 =	simm.s32 $0x1B8B  }
0xa8: {  	_ =	swait.ge [sflag:s23], $0x1  }
0xa9: {  	[sflag:s23] =	ssyncset.done $0x0  }
0xaa: {  	s25 =	simm.s32 $0x1B8E;
	s24 =	sld [smem:$0x3FFE];
	[sflag:s23] =	ssyncadd.s32 $0xFFFFFFFF  }
0xab: {  	s26 =	simm.s32 $execute0_lowered;
	[smem:$0x3FD2] =	sst s25  }
0xac: {  	s5 =	sshll.u32 s26, $0x1;
	_ =	strace $0x80000046;
	[dreg:$0x1] =	wrdreg $0xFFFFFFFF  }
0xad: {  	s28 =	simm.s32 $_size_execute0_lowered;
	s3 =	sadd.s32 s3, s5;
	[dreg:$0x0] =	wrdreg $0x0  }
0xae: {  	s5 =	sshll.u32 s28, $0x1;
	[dreg:$0x2] =	wrdreg s3  }
0xaf: {  	[dreg:$0x3] =	wrdreg s5  }
0xb0: {  	[dreg:$0x4] =	wrdreg $0xC0  }
0xb1: {  	_ =	task [dreg:s7], $0x5FFFF  }
0xb2: {  	[dreg:$0x1] =	wrdreg $0xFFFFFFFF  }
0xb3: {  	[dreg:$0x0] =	wrdreg $0x60  }
0xb4: {  	[dreg:$0x2] =	wrdreg s16  }
0xb5: {  	[dreg:$0x3] =	wrdreg s24  }
0xb6: {  	[dreg:$0x4] =	wrdreg $0xC  }
0xb7: {  	_ =	task.clear_ibuf [dreg:s7], $0x5FFFF;
	_ =	strace $0x90000046  }
0xb8: {  	s29 =	simm.s32 $0xC;
	_ =	strace $0x80000048  }
0xb9: {  	_ =	swait.ge [sflag:s29], $0x1  }
0xba: {  	[sflag:s29] =	ssyncadd.s32 $0xFFFFFFFF  }
0xbb: {  	_ =	strace $0x90000048  }
0xbc: {  	_ =	sfence  }
0xbd: {  	s30 =	sld [smem:$0x0];
	_ =	sdelay $0x2  }
0xbe: {  	s31 =	sshll.u32 s1, $0xD;
	s1 =	sshrl.u32 s1, $0x2  }
0xbf: {  	s3 =	sand.u32 $0x4000, s31;
	s1 =	sadd.s32 s1, s30  }
0xc0: {  	s0 =	sor.u32 s3, s0;
	s1 =	sshll.u32 s1, $0x11  }
0xc1: {  	s0 =	sor.u32 s1, s0  }
0xc2: {  	s0 =	sadd.s32 $0x8F2B, s0  }
0xc3: {  	[sflag:s0] =	ssyncadd.remote.s32 $0x1  }
0xc4: {  	_ =	sfence.sel $0xFFFF  }
0xc5: {  	[dreg:$0x0] =	wrdreg $0xFFFFFFFF;
	(pc) =	sbr.abs _section_cstart, $3  }
0xc6: {  	[dreg:$0x1] =	wrdreg $0xFFFFFFFF  }
0xc7: {  	_ =	task.clear_ibuf [dreg:s7], $0x2FFFF;
	_ =	strace $0x9FFFFFFF  }
0xc8: {  	(tm) =	ssettm $0x7FFFFFFF  }
0xc9: {  	_ =	shalt  }
tec
execute0_lowered:
.L_overlay_start_1:
0x0: {  	(tag) =	ssettag $0x1  }
0x1: {  	s1 =	srdreg.scid;
	s0 =	stileid.u32  }
0x2: {  	s2 =	rddreg [dreg:$0x0];
	s31 =	sand.u32 $0x1, s1;
	s4 =	sshll.u32 s0, $0x1  }
0x3: {  	s16 =	rddreg [dreg:$0x1];
	s3 =	simm.s32 $0x0;
	s17 =	sor.u32 s31, s4  }
0x4: {  	[smem:$0x7FF] =	sst s3;
	s25 =	sadd.s32 $0x27400, s16;
	s4 =	sshll.u32 s17, $0x8  }
0x5: {  	s5 =	simm.s32 $0x1;
	_ =	strace $0x80000047;
	s4 =	sadd.s32 s25, s4  }
0x6: {  	[tilespmem:s3], [sflag:$0x1] =	stream.linear.gather [hbm4b:s4+s3], $0x200, $0x38;
	[tilespmem:$0x14400] =	vst v63  }
0x7: {  	_ =	swait.ge [sflag:s5], $0x200  }
0x8: {  	s6 =	simm.s32 $0x200;
	s26 =	sshll.u32 s17, $0xB;
	[sflag:s5] =	ssyncset.done $0x0  }
0x9: {  	s7 =	simm.s32 $0x400;
	s23 =	sor.u32 $0x200, s26;
	[sflag:s5] =	ssyncadd.s32 $0xFFFFFE00  }
0xa: {  	[tilespmem:s7], [sflag:$0x3] =	stream.indirect.gather [hbm4b:s2+s6], $0x40, s3, s6, $0xb8;
	[tilespmem:$0x14400] =	vst v63  }
0xb: {  	s9 =	simm.s32 $0x10400;
	s8 =	sadd.s32 $0x67400, s16;
	s10 =	sshrl.u32 s23, $0x3  }
0xc: {  	[tilespmem:s9], [sflag:$0x5] =	stream.indirect.gather [hbm4b:s8+s6], $0x10, s3, s6, $0xb8;
	[tilespmem:$0x14400] =	vst v63  }
0xd: {  	s11 =	simm.s32 $0x2;
	s10 =	sadd.s32 s25, s10  }
0xe: {  	[tilespmem:s6], [sflag:$0x2] =	stream.linear.gather [hbm4b:s10+s3], $0x200, $0x38;
	[tilespmem:$0x14400] =	vst v63  }
0xf: {  	_ =	swait.ge [sflag:s11], $0x200  }
0x10: {  	[sflag:s11] =	ssyncset.done $0x0  }
0x11: {  	s12 =	simm.s32 $0x8400;
	[sflag:s11] =	ssyncadd.s32 $0xFFFFFE00  }
0x12: {  	[tilespmem:s12], [sflag:$0x4] =	stream.indirect.gather [hbm4b:s2+s6], $0x40, s6, s6, $0xb8;
	[tilespmem:$0x14400] =	vst v63  }
0x13: {  	s13 =	simm.s32 $0x12400;
	s14 =	simm.s32 $0x3  }
0x14: {  	[tilespmem:s13], [sflag:$0x6] =	stream.indirect.gather [hbm4b:s8+s6], $0x10, s6, s6, $0xb8;
	[tilespmem:$0x14400] =	vst v63  }
0x15: {  	_ =	swait.ge [sflag:s14], $0x8000  }
0x16: {  	[sflag:s14] =	ssyncset.done $0x0  }
0x17: {  	s15 =	simm.s32 $0x5;
	[sflag:s14] =	ssyncadd.s32 $0xFFFF8000  }
0x18: {  	s29 =	sadd.s32 $0x6F400, s16;
	_ =	swait.ge [sflag:s15], $0x2000  }
0x19: {  	s30 =	sadd.s32 $0x29400, s16;
	s24 =	sshll.u32 s17, $0xE;
	[sflag:s15] =	ssyncset.done $0x0  }
0x1a: {  	s17 =	sshll.u32 s17, $0xC;
	s16 =	sadd.s32 s29, s24;
	[sflag:s15] =	ssyncadd.s32 $0xFFFFE000  }
0x1b: {  	[hbm4b:s16+s3] =	stream.linear.scatter [tilespmem:s7], [sflag:$0x7], $0x8000, $0x38;
	[tilespmem:$0x14400] =	vst v63  }
0x1c: {  	s18 =	simm.s32 $0x7;
	s17 =	sadd.s32 s30, s17  }
0x1d: {  	[hbm4b:s17+s3] =	stream.linear.scatter [tilespmem:s9], [sflag:$0x7], $0x2000, $0x38;
	[tilespmem:$0x14400] =	vst v63  }
0x1e: {  	_ =	swait.ge [sflag:s18], $0x8000  }
0x1f: {  	[sflag:s18] =	ssyncset.done $0x0  }
0x20: {  	[sflag:s18] =	ssyncadd.s32 $0xFFFF8000  }
0x21: {  	s28 =	sor.u32 $0x400, s26;
	_ =	swait.ge [sflag:s18], $0x2000  }
0x22: {  	s19 =	sshrl.u32 s28, $0x3;
	[sflag:s18] =	ssyncset.done $0x0  }
0x23: {  	s19 =	sadd.s32 s25, s19;
	[sflag:s18] =	ssyncadd.s32 $0xFFFFE000  }
0x24: {  	[tilespmem:s3], [sflag:$0x1] =	stream.linear.gather [hbm4b:s19+s3], $0x200, $0x38;
	[tilespmem:$0x14400] =	vst v63  }
0x25: {  	_ =	swait.ge [sflag:s5], $0x200  }
0x26: {  	[sflag:s5] =	ssyncset.done $0x0  }
0x27: {  	[sflag:s5] =	ssyncadd.s32 $0xFFFFFE00  }
0x28: {  	[tilespmem:s7], [sflag:$0x3] =	stream.indirect.gather [hbm4b:s2+s6], $0x40, s3, s6, $0xb8;
	[tilespmem:$0x14400] =	vst v63  }
0x29: {  	s20 =	simm.s32 $0x4  }
0x2a: {  	[tilespmem:s9], [sflag:$0x5] =	stream.indirect.gather [hbm4b:s8+s6], $0x10, s3, s6, $0xb8;
	[tilespmem:$0x14400] =	vst v63  }
0x2b: {  	_ =	swait.ge [sflag:s20], $0x8000  }
0x2c: {  	[sflag:s20] =	ssyncset.done $0x0  }
0x2d: {  	s21 =	simm.s32 $0x6;
	[sflag:s20] =	ssyncadd.s32 $0xFFFF8000  }
0x2e: {  	_ =	swait.ge [sflag:s21], $0x2000  }
0x2f: {  	s22 =	sshll.u32 s23, $0x3;
	[sflag:s21] =	ssyncset.done $0x0  }
0x30: {  	s23 =	sshll.u32 s23, $0x1;
	s22 =	sadd.s32 s29, s22;
	[sflag:s21] =	ssyncadd.s32 $0xFFFFE000  }
0x31: {  	[hbm4b:s22+s3] =	stream.linear.scatter [tilespmem:s12], [sflag:$0x8], $0x8000, $0x38;
	[tilespmem:$0x14400] =	vst v63  }
0x32: {  	s24 =	simm.s32 $0x8;
	s23 =	sadd.s32 s30, s23  }
0x33: {  	[hbm4b:s23+s3] =	stream.linear.scatter [tilespmem:s13], [sflag:$0x8], $0x2000, $0x38;
	[tilespmem:$0x14400] =	vst v63  }
0x34: {  	_ =	swait.ge [sflag:s24], $0x8000  }
0x35: {  	[sflag:s24] =	ssyncset.done $0x0  }
0x36: {  	[sflag:s24] =	ssyncadd.s32 $0xFFFF8000  }
0x37: {  	s1 =	sor.u32 $0x600, s26;
	_ =	swait.ge [sflag:s24], $0x2000  }
0x38: {  	s26 =	sshrl.u32 s1, $0x3;
	[sflag:s24] =	ssyncset.done $0x0  }
0x39: {  	s25 =	sadd.s32 s25, s26;
	[sflag:s24] =	ssyncadd.s32 $0xFFFFE000  }
0x3a: {  	[tilespmem:s6], [sflag:$0x2] =	stream.linear.gather [hbm4b:s25+s3], $0x200, $0x38;
	[tilespmem:$0x14400] =	vst v63  }
0x3b: {  	_ =	swait.ge [sflag:s11], $0x200  }
0x3c: {  	[sflag:s11] =	ssyncset.done $0x0  }
0x3d: {  	[sflag:s11] =	ssyncadd.s32 $0xFFFFFE00  }
0x3e: {  	[tilespmem:s12], [sflag:$0x4] =	stream.indirect.gather [hbm4b:s2+s6], $0x40, s6, s6, $0xb8;
	[tilespmem:$0x14400] =	vst v63  }
0x3f: {  	_ = 	snop  }
0x40: {  	[tilespmem:s13], [sflag:$0x6] =	stream.indirect.gather [hbm4b:s8+s6], $0x10, s6, s6, $0xb8;
	[tilespmem:$0x14400] =	vst v63  }
0x41: {  	_ =	swait.ge [sflag:s14], $0x8000  }
0x42: {  	[sflag:s14] =	ssyncset.done $0x0  }
0x43: {  	[sflag:s14] =	ssyncadd.s32 $0xFFFF8000  }
0x44: {  	_ =	swait.ge [sflag:s15], $0x2000  }
0x45: {  	s0 =	sshll.u32 s28, $0x3;
	[sflag:s15] =	ssyncset.done $0x0  }
0x46: {  	s28 =	sshll.u32 s28, $0x1;
	s26 =	sadd.s32 s29, s0;
	[sflag:s15] =	ssyncadd.s32 $0xFFFFE000  }
0x47: {  	[hbm4b:s26+s3] =	stream.linear.scatter [tilespmem:s7], [sflag:$0x7], $0x8000, $0x38;
	[tilespmem:$0x14400] =	vst v63  }
0x48: {  	s28 =	sadd.s32 s30, s28  }
0x49: {  	[hbm4b:s28+s3] =	stream.linear.scatter [tilespmem:s9], [sflag:$0x7], $0x2000, $0x38;
	[tilespmem:$0x14400] =	vst v63  }
0x4a: {  	_ =	swait.ge [sflag:s18], $0x8000  }
0x4b: {  	[sflag:s18] =	ssyncset.done $0x0  }
0x4c: {  	[sflag:s18] =	ssyncadd.s32 $0xFFFF8000  }
0x4d: {  	_ =	swait.ge [sflag:s18], $0x2000  }
0x4e: {  	[sflag:s18] =	ssyncset.done $0x0  }
0x4f: {  	[sflag:s18] =	ssyncadd.s32 $0xFFFFE000  }
0x50: {  	_ =	swait.ge [sflag:s20], $0x8000  }
0x51: {  	s0 =	sshll.u32 s1, $0x3;
	s1 =	sshll.u32 s1, $0x1;
	[sflag:s20] =	ssyncset.done $0x0  }
0x52: {  	s29 =	sadd.s32 s29, s0;
	s0 =	ssub.s32 $0x2, s31;
	[sflag:s20] =	ssyncadd.s32 $0xFFFF8000  }
0x53: {  	s30 =	sadd.s32 s30, s1;
	s1 =	sshrl.u32 s0, $0x1;
	_ =	swait.ge [sflag:s21], $0x2000  }
0x54: {  	s0 =	ssub.s32 s0, s1;
	[sflag:s21] =	ssyncset.done $0x0  }
0x55: {  	s0 =	smax.u32 s0, $0x1;
	[sflag:s21] =	ssyncadd.s32 $0xFFFFE000  }
0x56: {  	[hbm4b:s29+s3] =	stream.linear.scatter [tilespmem:s12], [sflag:$0x8], $0x8000, $0x38;
	[tilespmem:$0x14400] =	vst v63  }
0x57: {  	p0 =	sne.s32 s0, $0x1  }
0x58: {  	[hbm4b:s30+s3] =	stream.linear.scatter [tilespmem:s13], [sflag:$0x8], $0x2000, $0x38;
	[tilespmem:$0x14400] =	vst v63  }
.Ltmp0:
0x59: {  	_ =	swait.ge [sflag:s24], $0x8000;
	(pc) =	sbr.rel @!p0 .LBB2_2-.Ltmp0, $4  }
0x5a: {  	[sflag:s24] =	ssyncset.done $0x0  }
0x5b: {  	[sflag:s24] =	ssyncadd.s32 $0xFFFF8000  }
0x5c: {  	_ =	swait.ge [sflag:s24], $0x2000  }
0x5d: {  	s31 =	sadd.s32 $0xFFFFFFFF, s0;
	[sflag:s24] =	ssyncset.done $0x0  }
.LBB2_1:
0x5e: {  	p0 =	sne.s32 s31, $0x1;
	s31 =	sadd.s32 $0xFFFFFFFF, s31;
	[sflag:s24] =	ssyncadd.s32 $0xFFFFE000  }
0x5f: {  	[tilespmem:s3], [sflag:$0x1] =	stream.linear.gather [hbm4b:s4+s3], $0x200, $0x38;
	[tilespmem:$0x14400] =	vst v63  }
0x60: {  	_ =	swait.ge [sflag:s5], $0x200  }
0x61: {  	[sflag:s5] =	ssyncset.done $0x0  }
0x62: {  	[sflag:s5] =	ssyncadd.s32 $0xFFFFFE00  }
0x63: {  	[tilespmem:s7], [sflag:$0x3] =	stream.indirect.gather [hbm4b:s2+s6], $0x40, s3, s6, $0xb8;
	[tilespmem:$0x14400] =	vst v63  }
0x64: {  	_ = 	snop  }
0x65: {  	[tilespmem:s9], [sflag:$0x5] =	stream.indirect.gather [hbm4b:s8+s6], $0x10, s3, s6, $0xb8;
	[tilespmem:$0x14400] =	vst v63  }
0x66: {  	_ = 	snop  }
0x67: {  	[tilespmem:s6], [sflag:$0x2] =	stream.linear.gather [hbm4b:s10+s3], $0x200, $0x38;
	[tilespmem:$0x14400] =	vst v63  }
0x68: {  	_ =	swait.ge [sflag:s11], $0x200  }
0x69: {  	[sflag:s11] =	ssyncset.done $0x0  }
0x6a: {  	[sflag:s11] =	ssyncadd.s32 $0xFFFFFE00  }
0x6b: {  	[tilespmem:s12], [sflag:$0x4] =	stream.indirect.gather [hbm4b:s2+s6], $0x40, s6, s6, $0xb8;
	[tilespmem:$0x14400] =	vst v63  }
0x6c: {  	_ = 	snop  }
0x6d: {  	[tilespmem:s13], [sflag:$0x6] =	stream.indirect.gather [hbm4b:s8+s6], $0x10, s6, s6, $0xb8;
	[tilespmem:$0x14400] =	vst v63  }
0x6e: {  	_ =	swait.ge [sflag:s14], $0x8000  }
0x6f: {  	[sflag:s14] =	ssyncset.done $0x0  }
0x70: {  	[sflag:s14] =	ssyncadd.s32 $0xFFFF8000  }
0x71: {  	_ =	swait.ge [sflag:s15], $0x2000  }
0x72: {  	[sflag:s15] =	ssyncset.done $0x0  }
0x73: {  	[sflag:s15] =	ssyncadd.s32 $0xFFFFE000  }
0x74: {  	[hbm4b:s16+s3] =	stream.linear.scatter [tilespmem:s7], [sflag:$0x7], $0x8000, $0x38;
	[tilespmem:$0x14400] =	vst v63  }
0x75: {  	_ = 	snop  }
0x76: {  	[hbm4b:s17+s3] =	stream.linear.scatter [tilespmem:s9], [sflag:$0x7], $0x2000, $0x38;
	[tilespmem:$0x14400] =	vst v63  }
0x77: {  	_ =	swait.ge [sflag:s18], $0x8000  }
0x78: {  	[sflag:s18] =	ssyncset.done $0x0  }
0x79: {  	[sflag:s18] =	ssyncadd.s32 $0xFFFF8000  }
0x7a: {  	_ =	swait.ge [sflag:s18], $0x2000  }
0x7b: {  	[sflag:s18] =	ssyncset.done $0x0  }
0x7c: {  	[sflag:s18] =	ssyncadd.s32 $0xFFFFE000  }
0x7d: {  	[tilespmem:s3], [sflag:$0x1] =	stream.linear.gather [hbm4b:s19+s3], $0x200, $0x38;
	[tilespmem:$0x14400] =	vst v63  }
0x7e: {  	_ =	swait.ge [sflag:s5], $0x200  }
0x7f: {  	[sflag:s5] =	ssyncset.done $0x0  }
0x80: {  	[sflag:s5] =	ssyncadd.s32 $0xFFFFFE00  }
0x81: {  	[tilespmem:s7], [sflag:$0x3] =	stream.indirect.gather [hbm4b:s2+s6], $0x40, s3, s6, $0xb8;
	[tilespmem:$0x14400] =	vst v63  }
0x82: {  	_ = 	snop  }
0x83: {  	[tilespmem:s9], [sflag:$0x5] =	stream.indirect.gather [hbm4b:s8+s6], $0x10, s3, s6, $0xb8;
	[tilespmem:$0x14400] =	vst v63  }
0x84: {  	_ =	swait.ge [sflag:s20], $0x8000  }
0x85: {  	[sflag:s20] =	ssyncset.done $0x0  }
0x86: {  	[sflag:s20] =	ssyncadd.s32 $0xFFFF8000  }
0x87: {  	_ =	swait.ge [sflag:s21], $0x2000  }
0x88: {  	[sflag:s21] =	ssyncset.done $0x0  }
0x89: {  	[sflag:s21] =	ssyncadd.s32 $0xFFFFE000  }
0x8a: {  	[hbm4b:s22+s3] =	stream.linear.scatter [tilespmem:s12], [sflag:$0x8], $0x8000, $0x38;
	[tilespmem:$0x14400] =	vst v63  }
0x8b: {  	_ = 	snop  }
0x8c: {  	[hbm4b:s23+s3] =	stream.linear.scatter [tilespmem:s13], [sflag:$0x8], $0x2000, $0x38;
	[tilespmem:$0x14400] =	vst v63  }
0x8d: {  	_ =	swait.ge [sflag:s24], $0x8000  }
0x8e: {  	[sflag:s24] =	ssyncset.done $0x0  }
0x8f: {  	[sflag:s24] =	ssyncadd.s32 $0xFFFF8000  }
0x90: {  	_ =	swait.ge [sflag:s24], $0x2000  }
0x91: {  	[sflag:s24] =	ssyncset.done $0x0  }
0x92: {  	[sflag:s24] =	ssyncadd.s32 $0xFFFFE000  }
0x93: {  	[tilespmem:s6], [sflag:$0x2] =	stream.linear.gather [hbm4b:s25+s3], $0x200, $0x38;
	[tilespmem:$0x14400] =	vst v63  }
0x94: {  	_ =	swait.ge [sflag:s11], $0x200  }
0x95: {  	[sflag:s11] =	ssyncset.done $0x0  }
0x96: {  	[sflag:s11] =	ssyncadd.s32 $0xFFFFFE00  }
0x97: {  	[tilespmem:s12], [sflag:$0x4] =	stream.indirect.gather [hbm4b:s2+s6], $0x40, s6, s6, $0xb8;
	[tilespmem:$0x14400] =	vst v63  }
0x98: {  	_ = 	snop  }
0x99: {  	[tilespmem:s13], [sflag:$0x6] =	stream.indirect.gather [hbm4b:s8+s6], $0x10, s6, s6, $0xb8;
	[tilespmem:$0x14400] =	vst v63  }
0x9a: {  	_ =	swait.ge [sflag:s14], $0x8000  }
0x9b: {  	[sflag:s14] =	ssyncset.done $0x0  }
0x9c: {  	[sflag:s14] =	ssyncadd.s32 $0xFFFF8000  }
0x9d: {  	_ =	swait.ge [sflag:s15], $0x2000  }
0x9e: {  	[sflag:s15] =	ssyncset.done $0x0  }
0x9f: {  	[sflag:s15] =	ssyncadd.s32 $0xFFFFE000  }
0xa0: {  	[hbm4b:s26+s3] =	stream.linear.scatter [tilespmem:s7], [sflag:$0x7], $0x8000, $0x38;
	[tilespmem:$0x14400] =	vst v63  }
0xa1: {  	_ = 	snop  }
0xa2: {  	[hbm4b:s28+s3] =	stream.linear.scatter [tilespmem:s9], [sflag:$0x7], $0x2000, $0x38;
	[tilespmem:$0x14400] =	vst v63  }
0xa3: {  	_ =	swait.ge [sflag:s18], $0x8000  }
0xa4: {  	[sflag:s18] =	ssyncset.done $0x0  }
0xa5: {  	[sflag:s18] =	ssyncadd.s32 $0xFFFF8000  }
0xa6: {  	_ =	swait.ge [sflag:s18], $0x2000  }
0xa7: {  	[sflag:s18] =	ssyncset.done $0x0  }
0xa8: {  	[sflag:s18] =	ssyncadd.s32 $0xFFFFE000  }
0xa9: {  	_ =	swait.ge [sflag:s20], $0x8000  }
0xaa: {  	[sflag:s20] =	ssyncset.done $0x0  }
0xab: {  	[sflag:s20] =	ssyncadd.s32 $0xFFFF8000  }
0xac: {  	_ =	swait.ge [sflag:s21], $0x2000  }
0xad: {  	[sflag:s21] =	ssyncset.done $0x0  }
0xae: {  	[sflag:s21] =	ssyncadd.s32 $0xFFFFE000  }
0xaf: {  	[hbm4b:s29+s3] =	stream.linear.scatter [tilespmem:s12], [sflag:$0x8], $0x8000, $0x38;
	[tilespmem:$0x14400] =	vst v63  }
0xb0: {  	_ = 	snop  }
0xb1: {  	[hbm4b:s30+s3] =	stream.linear.scatter [tilespmem:s13], [sflag:$0x8], $0x2000, $0x38;
	[tilespmem:$0x14400] =	vst v63  }
.Ltmp1:
0xb2: {  	_ =	swait.ge [sflag:s24], $0x8000;
	(pc) =	sbr.rel @p0 .LBB2_1-.Ltmp1, $4  }
0xb3: {  	[sflag:s24] =	ssyncset.done $0x0  }
0xb4: {  	[sflag:s24] =	ssyncadd.s32 $0xFFFF8000  }
0xb5: {  	_ =	swait.ge [sflag:s24], $0x2000  }
0xb6: {  	[sflag:s24] =	ssyncset.done $0x0  }
.LBB2_2:
0xb7: {  	[sflag:s24] =	ssyncadd.s32 $0xFFFFE000  }
0xb8: {  	_ =	sfence.sel $0x180000  }
0xb9: {  	[bflag:$0x0] =	sbarrier.arrive $0xFFFF  }
0xba: {  	_ =	strace $0x90000047  }
0xbb: {  	s0 =	stileid.u32;
	[bflag:$0x2] =	sbarrier.arrive $0xFFFF  }
0xbc: {  	p0 =	sne.s32 s0, $0x0;
	s0 =	rddreg [dreg:$0x2]  }
0xbd: {  	s0 =	sadd.s32 @!p0 $0x100000, s0  }
0xbe: {  	[sflag:s0] =	ssyncadd.tile.s32 @!p0 $0x1;
	_ =	shalt  }
.Lfunc_end2:
_tile_overlayer_lowered:
.L_overlay_start_2:
0xbf: {  	(tag) =	ssettag $0x2  }
0xc0: {  	s0 =	rddreg [dreg:$0x0];
	s2 =	stileid.u32  }
0xc1: {  	s1 =	rddreg [dreg:$0x1];
	p0 =	sne.s32 s2, $0x0  }
0xc2: {  	s3 =	rddreg [dreg:$0x2];
	[bflag:$0x3] =	sbarrier.arrive $0xFFFF;
	s2 =	simm.s32 @!p0 $0x1C09  }
0xc3: {  	[timem:s3], [sflag:s2] =	dma.local @!p0 [hbm:s0], s1  }
0xc4: {  	s0 =	simm.s32 @!p0 $0x9  }
0xc5: {  	_ =	swait.ge @!p0 [sflag:s0], s1  }
0xc6: {  	s1 =	ssub.s32 @!p0 $0x0, s1;
	[sflag:s0] =	ssyncset.done @!p0 $0x0  }
0xc7: {  	[sflag:s0] =	ssyncadd.s32 @!p0 s1  }
0xc8: {  	[bflag:$0x3] =	sbarrier.arrive $0xFFFF  }
0xc9: {  	_ =	shalt  }

</sc_bundles>
